<compile_context>
chip_gen: v7x
topology: tpu7x:2x2x1
jax: 0.10.2.dev20260603
libtpu: 0.0.44.dev20260713+nightly
codegen_flags: <defaults>
</compile_context>

<pallas_src>
import functools

import jax
import jax.numpy as jnp
import numpy as _np
from jax import lax
from jax.experimental import pallas as pl
from jax.experimental.pallas import tpu as pltpu
from jax.experimental.pallas import tpu_sc as plsc

B = 16384
EMB = 32
NB = 1000
VOCAB = 100000
NROW = VOCAB + 1
OUT_W = 2 * EMB + 1

NC = 2
NS = 16
L = 16
NW = NC * NS
BPW = B // NW

_INV_STD = float(1.0 / _np.sqrt(_np.float32(1.0 / 12.0)))

_mesh = plsc.VectorSubcoreMesh(
    core_axis_name="c", subcore_axis_name="s", num_cores=NC, num_subcores=NS
)


@functools.partial(
    pl.kernel,
    out_type=jax.ShapeDtypeStruct((OUT_W, B), jnp.float32),
    mesh=_mesh,
    compiler_params=pltpu.CompilerParams(
        needs_layout_passes=False, use_tc_tiling_on_sc=False
    ),
    scratch_types=[
        pltpu.VMEM((BPW,), jnp.int32),
        pltpu.VMEM((BPW,), jnp.float32),
        pltpu.VMEM((BPW,), jnp.int32),
        pltpu.VMEM((BPW,), jnp.float32),
        pltpu.VMEM((BPW * EMB,), jnp.int32),
        pltpu.VMEM((BPW * EMB,), jnp.float32),
        pltpu.VMEM((EMB, BPW), jnp.float32),
        pltpu.VMEM((BPW, EMB), jnp.float32),
        pltpu.VMEM((EMB, BPW), jnp.float32),
        pltpu.VMEM((NB,), jnp.float32),
        pltpu.SemaphoreType.DMA,
        pltpu.SemaphoreType.DMA,
        pltpu.SemaphoreType.DMA,
        pltpu.SemaphoreType.DMA,
        pltpu.SemaphoreType.DMA,
    ],
)
def _user_model_sc(
    uid_hbm, ts_hbm, utf_hbm, tt_hbm, bk_hbm, out_hbm,
    idx_v, ts_v, bidx_v, nrm_v, gix_v, gbuf_v, uet_v, te_v, tet_v, bk_v,
    sem_ue, sem_te, sem_o1, sem_o2, sem_o3,
):
    wid = lax.axis_index("s") * NC + lax.axis_index("c")
    base = wid * BPW

    pltpu.sync_copy(uid_hbm.at[pl.ds(base, BPW)], idx_v)

    iota = lax.iota(jnp.int32, L)

    @plsc.parallel_loop(0, BPW // L)
    def _mkidx(g):
        off = g * L
        uvec = idx_v[pl.ds(off, L)]
        for c in range(EMB):
            gix_v[pl.ds(c * BPW + off, L)] = uvec + c * NROW

    ue_cp = pltpu.async_copy(utf_hbm.at[gix_v], gbuf_v, sem_ue)

    pltpu.sync_copy(ts_hbm.at[pl.ds(base, BPW)], ts_v)
    pltpu.sync_copy(bk_hbm, bk_v)

    @plsc.parallel_loop(0, BPW // L)
    def _search(g):
        off = g * L
        t = ts_v[pl.ds(off, L)]
        lo = jnp.zeros((L,), jnp.int32)
        hi = jnp.full((L,), NB, jnp.int32)
        for _ in range(10):
            mid = lax.shift_right_logical(lo + hi, 1)
            bv = plsc.load_gather(bk_v, [mid])
            le = bv <= t
            lo = jnp.where(le, mid + 1, lo)
            hi = jnp.where(le, hi, mid)
        bidx_v[pl.ds(off, L)] = lo
        nrm_v[pl.ds(off, L)] = (t - 0.5) * _INV_STD

    te_cp = pltpu.async_copy(tt_hbm.at[bidx_v], te_v, sem_te)
    o3 = pltpu.async_copy(
        nrm_v, out_hbm.at[2 * EMB, pl.ds(base, BPW)], sem_o3
    )
    te_cp.wait()

    @plsc.parallel_loop(0, BPW // L)
    def _tr_te(g):
        off = g * L
        rows = off + iota
        for c in range(EMB):
            tet_v[c, pl.ds(off, L)] = plsc.load_gather(
                te_v, [rows, jnp.full((L,), c, jnp.int32)]
            )

    o2 = pltpu.async_copy(
        tet_v, out_hbm.at[pl.ds(EMB, EMB), pl.ds(base, BPW)], sem_o2
    )

    ue_cp.wait()

    @plsc.parallel_loop(0, BPW * EMB // (L * L))
    def _bridge(k):
        c = k // 2
        half = (k % 2) * (BPW // 2)
        for j in range(L):
            off = half + j * L
            uet_v[c, pl.ds(off, L)] = gbuf_v[pl.ds(c * BPW + off, L)]

    o1 = pltpu.async_copy(
        uet_v, out_hbm.at[pl.ds(0, EMB), pl.ds(base, BPW)], sem_o1
    )
    o1.wait()
    o2.wait()
    o3.wait()


def kernel(user_id, timestamp, user_table, ts_table, buckets):
    uid = user_id.astype(jnp.int32)
    utf = user_table.T.reshape(-1)
    out_t = _user_model_sc(uid, timestamp, utf, ts_table, buckets)
    return out_t.T

# --- scband reference (transcript-rebuilt; emitter-appended) ---
"""Pipeline reference for scband-user-model-6382321402409 (READ-ONLY COPY).

The authoritative reference and input builder live on the scoring server;
editing this copy changes nothing except your own understanding.
"""

import jax, jax.numpy as jnp
import numpy as np

B = 16384
VOCAB = 100000
NUM_BUCKETS = 1000
EMB = 32
TS_MEAN = 0.5
TS_VAR = 1.0 / 12.0  # variance of uniform[0,1], stands in for Normalization.adapt stats


def setup_inputs(seed: int = 0) -> dict:
    key = jax.random.key(seed)
    k1, k2, k3, k4 = jax.random.split(key, 4)
    # StringLookup(vocabulary=unique_user_ids, mask_token=None) maps strings -> ints in
    # [0, VOCAB] (0 is the OOV token). We model the post-lookup integer ids directly.
    user_id = jax.random.randint(k1, (B,), 0, VOCAB)
    timestamp = jax.random.uniform(k2, (B,), dtype=jnp.float32)
    # Embedding(len(unique_user_ids) + 1, 32)
    user_table = jax.random.normal(k3, (VOCAB + 1, EMB), dtype=jnp.float32) * 0.05
    # Embedding(len(timestamp_buckets) + 1, 32)
    ts_table = jax.random.normal(k4, (NUM_BUCKETS + 1, EMB), dtype=jnp.float32) * 0.05
    # Discretization boundaries: np.linspace(min_ts, max_ts, 1000); timestamps here are in [0,1].
    buckets = jnp.linspace(0.0, 1.0, NUM_BUCKETS).astype(jnp.float32)
    return {"user_id": user_id, "timestamp": timestamp, "user_table": user_table,
            "ts_table": ts_table, "buckets": buckets}


def reference(user_id, timestamp, user_table, ts_table, buckets):
    # user_embedding: StringLookup -> Embedding
    ue = jnp.take(user_table, user_id, axis=0)                      # [B, 32]
    # timestamp_embedding: Discretization (bucketize) -> Embedding
    bidx = jnp.searchsorted(buckets, timestamp, side='right')       # [B] in [0, NUM_BUCKETS]
    te = jnp.take(ts_table, bidx, axis=0)                           # [B, 32]
    # normalized_timestamp: keras Normalization (x - mean) / sqrt(var)
    norm = (timestamp - TS_MEAN) / jnp.sqrt(TS_VAR)                 # [B]
    return jnp.concatenate([ue, te, norm.reshape(-1, 1)], axis=1)   # [B, 65]

if __name__ == "__main__":
    import jax
    _d = setup_inputs()
    print(jax.jit(kernel)(*tuple(_d.values())))

</pallas_src>

<mosaic_0001>
#map = affine_map<(d0, d1) -> (0)>
#map1 = affine_map<(d0, d1) -> (0, 0)>
module attributes {stable_mosaic.version = 14 : i64} {
  func.func @_user_model_sc(%arg0: i32, %arg1: i32, %arg2: memref<16384xi32, #tpu.memory_space<hbm>>, %arg3: memref<16384xf32, #tpu.memory_space<hbm>>, %arg4: memref<3200032xf32, #tpu.memory_space<hbm>>, %arg5: memref<1001x32xf32, #tpu.memory_space<hbm>>, %arg6: memref<1000xf32, #tpu.memory_space<hbm>>, %arg7: memref<65x16384xf32, #tpu.memory_space<hbm>>, %arg8: memref<512xi32, #tpu.memory_space<vmem>>, %arg9: memref<512xf32, #tpu.memory_space<vmem>>, %arg10: memref<512xi32, #tpu.memory_space<vmem>>, %arg11: memref<512xf32, #tpu.memory_space<vmem>>, %arg12: memref<16384xi32, #tpu.memory_space<vmem>>, %arg13: memref<16384xf32, #tpu.memory_space<vmem>>, %arg14: memref<32x512xf32, #tpu.memory_space<vmem>>, %arg15: memref<512x32xf32, #tpu.memory_space<vmem>>, %arg16: memref<32x512xf32, #tpu.memory_space<vmem>>, %arg17: memref<1000xf32, #tpu.memory_space<vmem>>, %arg18: memref<!tpu.dma_semaphore, #tpu.memory_space<semaphore_mem>>, %arg19: memref<!tpu.dma_semaphore, #tpu.memory_space<semaphore_mem>>, %arg20: memref<!tpu.dma_semaphore, #tpu.memory_space<semaphore_mem>>, %arg21: memref<!tpu.dma_semaphore, #tpu.memory_space<semaphore_mem>>, %arg22: memref<!tpu.dma_semaphore, #tpu.memory_space<semaphore_mem>>) attributes {dimension_semantics = [#tpu.dimension_semantics<core_parallel>, #tpu.dimension_semantics<subcore_parallel>], iteration_bounds = array<i64: 2, 16>, scalar_prefetch = 0 : i64, scratch_operands = 15 : i64, tpu.core_type = #tpu.core_type<sc_vector_subcore>, window_params = [{transform_indices = #map}, {transform_indices = #map}, {transform_indices = #map}, {transform_indices = #map1}, {transform_indices = #map}, {transform_indices = #map1}]} {
    %mul3A = arith.constant 2 : i32
    %mul3A_0 = arith.muli %arg1, %mul3A : i32
    %add3A = arith.addi %mul3A_0, %arg0 : i32
    %mul3A_1 = arith.constant 512 : i32
    %mul3A_2 = arith.muli %add3A, %mul3A_1 : i32
    "tpu.region"() ({
      %run_scoped3A = tpu.sem_alloc : memref<!tpu.dma_semaphore, #tpu.memory_space<semaphore_mem>>
      %dma_start3A_48 = tpu.memref_slice %arg2[%mul3A_2] : memref<16384xi32, #tpu.memory_space<hbm>> -> memref<512xi32, #tpu.memory_space<hbm>>
      %dma_start3A_49 = tpu.memref_slice %arg2[%mul3A_2] : memref<16384xi32, #tpu.memory_space<hbm>> -> memref<512xi32, #tpu.memory_space<hbm>>
      tpu.enqueue_dma source(%dma_start3A_49 : memref<512xi32, #tpu.memory_space<hbm>>) target(%arg8 : memref<512xi32, #tpu.memory_space<vmem>>) target_semaphore(%run_scoped3A : memref<!tpu.dma_semaphore, #tpu.memory_space<semaphore_mem>>)
      %dma_wait3A_50 = tpu.memref_slice %arg2[%mul3A_2] : memref<16384xi32, #tpu.memory_space<hbm>> -> memref<512xi32, #tpu.memory_space<hbm>>
      %dma_wait3A_51 = tpu.memref_slice %arg2[%mul3A_2] : memref<16384xi32, #tpu.memory_space<hbm>> -> memref<512xi32, #tpu.memory_space<hbm>>
      tpu.wait_dma2 semaphore(%run_scoped3A : memref<!tpu.dma_semaphore, #tpu.memory_space<semaphore_mem>>) src(%dma_wait3A_51 : memref<512xi32, #tpu.memory_space<hbm>>) dst(%arg8 : memref<512xi32, #tpu.memory_space<vmem>>)
      tpu.yield
    }) : () -> ()
    %iota3A = tpu.iota {dimensions = array<i32: 0>} : vector<16xi32>
    %parallel_loop3A = arith.constant 0 : i32
    %parallel_loop3A_3 = arith.constant 32 : i32
    %parallel_loop3A_4 = arith.constant 1 : i32
    scf.for %parallel_loop3A_48 = %parallel_loop3A to %parallel_loop3A_3 step %parallel_loop3A_4  : i32 {
      %parallel_loop3A_49 = arith.constant 16 : i32
      %parallel_loop3A_50 = arith.muli %parallel_loop3A_48, %parallel_loop3A_49 : i32
      %parallel_loop3A_51 = arith.index_cast %parallel_loop3A_50 : i32 to index
      %parallel_loop3A_52 = tpu.vector_load %arg8[%parallel_loop3A_51] {strides = array<i32>} : memref<512xi32, #tpu.memory_space<vmem>>, vector<16xi32>,
      %parallel_loop3A_53 = arith.constant 0 : i32
      %parallel_loop3A_54 = vector.broadcast %parallel_loop3A_53 : i32 to vector<16xi32>
      %parallel_loop3A_55 = arith.addi %parallel_loop3A_52, %parallel_loop3A_54 : vector<16xi32>
      %parallel_loop3A_56 = arith.constant 0 : i32
      %parallel_loop3A_57 = arith.addi %parallel_loop3A_56, %parallel_loop3A_50 : i32
      %parallel_loop3A_58 = arith.index_cast %parallel_loop3A_57 : i32 to index
      %parallel_loop3A_59 = tpu.vector_load %arg12[%parallel_loop3A_58] {strides = array<i32>} : memref<16384xi32, #tpu.memory_space<vmem>>, vector<16xi32>,
      tpu.vector_store %arg12[%parallel_loop3A_58], %parallel_loop3A_55 {strides = array<i32>} : memref<16384xi32, #tpu.memory_space<vmem>>, vector<16xi32>,
      %parallel_loop3A_60 = arith.constant 100001 : i32
      %parallel_loop3A_61 = vector.broadcast %parallel_loop3A_60 : i32 to vector<16xi32>
      %parallel_loop3A_62 = arith.addi %parallel_loop3A_52, %parallel_loop3A_61 : vector<16xi32>
      %parallel_loop3A_63 = arith.constant 512 : i32
      %parallel_loop3A_64 = arith.addi %parallel_loop3A_63, %parallel_loop3A_50 : i32
      %parallel_loop3A_65 = arith.index_cast %parallel_loop3A_64 : i32 to index
      %parallel_loop3A_66 = tpu.vector_load %arg12[%parallel_loop3A_65] {strides = array<i32>} : memref<16384xi32, #tpu.memory_space<vmem>>, vector<16xi32>,
      tpu.vector_store %arg12[%parallel_loop3A_65], %parallel_loop3A_62 {strides = array<i32>} : memref<16384xi32, #tpu.memory_space<vmem>>, vector<16xi32>,
      %parallel_loop3A_67 = arith.constant 200002 : i32
      %parallel_loop3A_68 = vector.broadcast %parallel_loop3A_67 : i32 to vector<16xi32>
      %parallel_loop3A_69 = arith.addi %parallel_loop3A_52, %parallel_loop3A_68 : vector<16xi32>
      %parallel_loop3A_70 = arith.constant 1024 : i32
      %parallel_loop3A_71 = arith.addi %parallel_loop3A_70, %parallel_loop3A_50 : i32
      %parallel_loop3A_72 = arith.index_cast %parallel_loop3A_71 : i32 to index
      %parallel_loop3A_73 = tpu.vector_load %arg12[%parallel_loop3A_72] {strides = array<i32>} : memref<16384xi32, #tpu.memory_space<vmem>>, vector<16xi32>,
      tpu.vector_store %arg12[%parallel_loop3A_72], %parallel_loop3A_69 {strides = array<i32>} : memref<16384xi32, #tpu.memory_space<vmem>>, vector<16xi32>,
      %parallel_loop3A_74 = arith.constant 300003 : i32
      %parallel_loop3A_75 = vector.broadcast %parallel_loop3A_74 : i32 to vector<16xi32>
      %parallel_loop3A_76 = arith.addi %parallel_loop3A_52, %parallel_loop3A_75 : vector<16xi32>
      %parallel_loop3A_77 = arith.constant 1536 : i32
      %parallel_loop3A_78 = arith.addi %parallel_loop3A_77, %parallel_loop3A_50 : i32
      %parallel_loop3A_79 = arith.index_cast %parallel_loop3A_78 : i32 to index
      %parallel_loop3A_80 = tpu.vector_load %arg12[%parallel_loop3A_79] {strides = array<i32>} : memref<16384xi32, #tpu.memory_space<vmem>>, vector<16xi32>,
      tpu.vector_store %arg12[%parallel_loop3A_79], %parallel_loop3A_76 {strides = array<i32>} : memref<16384xi32, #tpu.memory_space<vmem>>, vector<16xi32>,
      %parallel_loop3A_81 = arith.constant 400004 : i32
      %parallel_loop3A_82 = vector.broadcast %parallel_loop3A_81 : i32 to vector<16xi32>
      %parallel_loop3A_83 = arith.addi %parallel_loop3A_52, %parallel_loop3A_82 : vector<16xi32>
      %parallel_loop3A_84 = arith.constant 2048 : i32
      %parallel_loop3A_85 = arith.addi %parallel_loop3A_84, %parallel_loop3A_50 : i32
      %parallel_loop3A_86 = arith.index_cast %parallel_loop3A_85 : i32 to index
      %parallel_loop3A_87 = tpu.vector_load %arg12[%parallel_loop3A_86] {strides = array<i32>} : memref<16384xi32, #tpu.memory_space<vmem>>, vector<16xi32>,
      tpu.vector_store %arg12[%parallel_loop3A_86], %parallel_loop3A_83 {strides = array<i32>} : memref<16384xi32, #tpu.memory_space<vmem>>, vector<16xi32>,
      %parallel_loop3A_88 = arith.constant 500005 : i32
      %parallel_loop3A_89 = vector.broadcast %parallel_loop3A_88 : i32 to vector<16xi32>
      %parallel_loop3A_90 = arith.addi %parallel_loop3A_52, %parallel_loop3A_89 : vector<16xi32>
      %parallel_loop3A_91 = arith.constant 2560 : i32
      %parallel_loop3A_92 = arith.addi %parallel_loop3A_91, %parallel_loop3A_50 : i32
      %parallel_loop3A_93 = arith.index_cast %parallel_loop3A_92 : i32 to index
      %parallel_loop3A_94 = tpu.vector_load %arg12[%parallel_loop3A_93] {strides = array<i32>} : memref<16384xi32, #tpu.memory_space<vmem>>, vector<16xi32>,
      tpu.vector_store %arg12[%parallel_loop3A_93], %parallel_loop3A_90 {strides = array<i32>} : memref<16384xi32, #tpu.memory_space<vmem>>, vector<16xi32>,
      %parallel_loop3A_95 = arith.constant 600006 : i32
      %parallel_loop3A_96 = vector.broadcast %parallel_loop3A_95 : i32 to vector<16xi32>
      %parallel_loop3A_97 = arith.addi %parallel_loop3A_52, %parallel_loop3A_96 : vector<16xi32>
      %parallel_loop3A_98 = arith.constant 3072 : i32
      %parallel_loop3A_99 = arith.addi %parallel_loop3A_98, %parallel_loop3A_50 : i32
      %parallel_loop3A_100 = arith.index_cast %parallel_loop3A_99 : i32 to index
      %parallel_loop3A_101 = tpu.vector_load %arg12[%parallel_loop3A_100] {strides = array<i32>} : memref<16384xi32, #tpu.memory_space<vmem>>, vector<16xi32>,
      tpu.vector_store %arg12[%parallel_loop3A_100], %parallel_loop3A_97 {strides = array<i32>} : memref<16384xi32, #tpu.memory_space<vmem>>, vector<16xi32>,
      %parallel_loop3A_102 = arith.constant 700007 : i32
      %parallel_loop3A_103 = vector.broadcast %parallel_loop3A_102 : i32 to vector<16xi32>
      %parallel_loop3A_104 = arith.addi %parallel_loop3A_52, %parallel_loop3A_103 : vector<16xi32>
      %parallel_loop3A_105 = arith.constant 3584 : i32
      %parallel_loop3A_106 = arith.addi %parallel_loop3A_105, %parallel_loop3A_50 : i32
      %parallel_loop3A_107 = arith.index_cast %parallel_loop3A_106 : i32 to index
      %parallel_loop3A_108 = tpu.vector_load %arg12[%parallel_loop3A_107] {strides = array<i32>} : memref<16384xi32, #tpu.memory_space<vmem>>, vector<16xi32>,
      tpu.vector_store %arg12[%parallel_loop3A_107], %parallel_loop3A_104 {strides = array<i32>} : memref<16384xi32, #tpu.memory_space<vmem>>, vector<16xi32>,
      %parallel_loop3A_109 = arith.constant 800008 : i32
      %parallel_loop3A_110 = vector.broadcast %parallel_loop3A_109 : i32 to vector<16xi32>
      %parallel_loop3A_111 = arith.addi %parallel_loop3A_52, %parallel_loop3A_110 : vector<16xi32>
      %parallel_loop3A_112 = arith.constant 4096 : i32
      %parallel_loop3A_113 = arith.addi %parallel_loop3A_112, %parallel_loop3A_50 : i32
      %parallel_loop3A_114 = arith.index_cast %parallel_loop3A_113 : i32 to index
      %parallel_loop3A_115 = tpu.vector_load %arg12[%parallel_loop3A_114] {strides = array<i32>} : memref<16384xi32, #tpu.memory_space<vmem>>, vector<16xi32>,
      tpu.vector_store %arg12[%parallel_loop3A_114], %parallel_loop3A_111 {strides = array<i32>} : memref<16384xi32, #tpu.memory_space<vmem>>, vector<16xi32>,
      %parallel_loop3A_116 = arith.constant 900009 : i32
      %parallel_loop3A_117 = vector.broadcast %parallel_loop3A_116 : i32 to vector<16xi32>
      %parallel_loop3A_118 = arith.addi %parallel_loop3A_52, %parallel_loop3A_117 : vector<16xi32>
      %parallel_loop3A_119 = arith.constant 4608 : i32
      %parallel_loop3A_120 = arith.addi %parallel_loop3A_119, %parallel_loop3A_50 : i32
      %parallel_loop3A_121 = arith.index_cast %parallel_loop3A_120 : i32 to index
      %parallel_loop3A_122 = tpu.vector_load %arg12[%parallel_loop3A_121] {strides = array<i32>} : memref<16384xi32, #tpu.memory_space<vmem>>, vector<16xi32>,
      tpu.vector_store %arg12[%parallel_loop3A_121], %parallel_loop3A_118 {strides = array<i32>} : memref<16384xi32, #tpu.memory_space<vmem>>, vector<16xi32>,
      %parallel_loop3A_123 = arith.constant 1000010 : i32
      %parallel_loop3A_124 = vector.broadcast %parallel_loop3A_123 : i32 to vector<16xi32>
      %parallel_loop3A_125 = arith.addi %parallel_loop3A_52, %parallel_loop3A_124 : vector<16xi32>
      %parallel_loop3A_126 = arith.constant 5120 : i32
      %parallel_loop3A_127 = arith.addi %parallel_loop3A_126, %parallel_loop3A_50 : i32
      %parallel_loop3A_128 = arith.index_cast %parallel_loop3A_127 : i32 to index
      %parallel_loop3A_129 = tpu.vector_load %arg12[%parallel_loop3A_128] {strides = array<i32>} : memref<16384xi32, #tpu.memory_space<vmem>>, vector<16xi32>,
      tpu.vector_store %arg12[%parallel_loop3A_128], %parallel_loop3A_125 {strides = array<i32>} : memref<16384xi32, #tpu.memory_space<vmem>>, vector<16xi32>,
      %parallel_loop3A_130 = arith.constant 1100011 : i32
      %parallel_loop3A_131 = vector.broadcast %parallel_loop3A_130 : i32 to vector<16xi32>
      %parallel_loop3A_132 = arith.addi %parallel_loop3A_52, %parallel_loop3A_131 : vector<16xi32>
      %parallel_loop3A_133 = arith.constant 5632 : i32
      %parallel_loop3A_134 = arith.addi %parallel_loop3A_133, %parallel_loop3A_50 : i32
      %parallel_loop3A_135 = arith.index_cast %parallel_loop3A_134 : i32 to index
      %parallel_loop3A_136 = tpu.vector_load %arg12[%parallel_loop3A_135] {strides = array<i32>} : memref<16384xi32, #tpu.memory_space<vmem>>, vector<16xi32>,
      tpu.vector_store %arg12[%parallel_loop3A_135], %parallel_loop3A_132 {strides = array<i32>} : memref<16384xi32, #tpu.memory_space<vmem>>, vector<16xi32>,
      %parallel_loop3A_137 = arith.constant 1200012 : i32
      %parallel_loop3A_138 = vector.broadcast %parallel_loop3A_137 : i32 to vector<16xi32>
      %parallel_loop3A_139 = arith.addi %parallel_loop3A_52, %parallel_loop3A_138 : vector<16xi32>
      %parallel_loop3A_140 = arith.constant 6144 : i32
      %parallel_loop3A_141 = arith.addi %parallel_loop3A_140, %parallel_loop3A_50 : i32
      %parallel_loop3A_142 = arith.index_cast %parallel_loop3A_141 : i32 to index
      %parallel_loop3A_143 = tpu.vector_load %arg12[%parallel_loop3A_142] {strides = array<i32>} : memref<16384xi32, #tpu.memory_space<vmem>>, vector<16xi32>,
      tpu.vector_store %arg12[%parallel_loop3A_142], %parallel_loop3A_139 {strides = array<i32>} : memref<16384xi32, #tpu.memory_space<vmem>>, vector<16xi32>,
      %parallel_loop3A_144 = arith.constant 1300013 : i32
      %parallel_loop3A_145 = vector.broadcast %parallel_loop3A_144 : i32 to vector<16xi32>
      %parallel_loop3A_146 = arith.addi %parallel_loop3A_52, %parallel_loop3A_145 : vector<16xi32>
      %parallel_loop3A_147 = arith.constant 6656 : i32
      %parallel_loop3A_148 = arith.addi %parallel_loop3A_147, %parallel_loop3A_50 : i32
      %parallel_loop3A_149 = arith.index_cast %parallel_loop3A_148 : i32 to index
      %parallel_loop3A_150 = tpu.vector_load %arg12[%parallel_loop3A_149] {strides = array<i32>} : memref<16384xi32, #tpu.memory_space<vmem>>, vector<16xi32>,
      tpu.vector_store %arg12[%parallel_loop3A_149], %parallel_loop3A_146 {strides = array<i32>} : memref<16384xi32, #tpu.memory_space<vmem>>, vector<16xi32>,
      %parallel_loop3A_151 = arith.constant 1400014 : i32
      %parallel_loop3A_152 = vector.broadcast %parallel_loop3A_151 : i32 to vector<16xi32>
      %parallel_loop3A_153 = arith.addi %parallel_loop3A_52, %parallel_loop3A_152 : vector<16xi32>
      %parallel_loop3A_154 = arith.constant 7168 : i32
      %parallel_loop3A_155 = arith.addi %parallel_loop3A_154, %parallel_loop3A_50 : i32
      %parallel_loop3A_156 = arith.index_cast %parallel_loop3A_155 : i32 to index
      %parallel_loop3A_157 = tpu.vector_load %arg12[%parallel_loop3A_156] {strides = array<i32>} : memref<16384xi32, #tpu.memory_space<vmem>>, vector<16xi32>,
      tpu.vector_store %arg12[%parallel_loop3A_156], %parallel_loop3A_153 {strides = array<i32>} : memref<16384xi32, #tpu.memory_space<vmem>>, vector<16xi32>,
      %parallel_loop3A_158 = arith.constant 1500015 : i32
      %parallel_loop3A_159 = vector.broadcast %parallel_loop3A_158 : i32 to vector<16xi32>
      %parallel_loop3A_160 = arith.addi %parallel_loop3A_52, %parallel_loop3A_159 : vector<16xi32>
      %parallel_loop3A_161 = arith.constant 7680 : i32
      %parallel_loop3A_162 = arith.addi %parallel_loop3A_161, %parallel_loop3A_50 : i32
      %parallel_loop3A_163 = arith.index_cast %parallel_loop3A_162 : i32 to index
      %parallel_loop3A_164 = tpu.vector_load %arg12[%parallel_loop3A_163] {strides = array<i32>} : memref<16384xi32, #tpu.memory_space<vmem>>, vector<16xi32>,
      tpu.vector_store %arg12[%parallel_loop3A_163], %parallel_loop3A_160 {strides = array<i32>} : memref<16384xi32, #tpu.memory_space<vmem>>, vector<16xi32>,
      %parallel_loop3A_165 = arith.constant 1600016 : i32
      %parallel_loop3A_166 = vector.broadcast %parallel_loop3A_165 : i32 to vector<16xi32>
      %parallel_loop3A_167 = arith.addi %parallel_loop3A_52, %parallel_loop3A_166 : vector<16xi32>
      %parallel_loop3A_168 = arith.constant 8192 : i32
      %parallel_loop3A_169 = arith.addi %parallel_loop3A_168, %parallel_loop3A_50 : i32
      %parallel_loop3A_170 = arith.index_cast %parallel_loop3A_169 : i32 to index
      %parallel_loop3A_171 = tpu.vector_load %arg12[%parallel_loop3A_170] {strides = array<i32>} : memref<16384xi32, #tpu.memory_space<vmem>>, vector<16xi32>,
      tpu.vector_store %arg12[%parallel_loop3A_170], %parallel_loop3A_167 {strides = array<i32>} : memref<16384xi32, #tpu.memory_space<vmem>>, vector<16xi32>,
      %parallel_loop3A_172 = arith.constant 1700017 : i32
      %parallel_loop3A_173 = vector.broadcast %parallel_loop3A_172 : i32 to vector<16xi32>
      %parallel_loop3A_174 = arith.addi %parallel_loop3A_52, %parallel_loop3A_173 : vector<16xi32>
      %parallel_loop3A_175 = arith.constant 8704 : i32
      %parallel_loop3A_176 = arith.addi %parallel_loop3A_175, %parallel_loop3A_50 : i32
      %parallel_loop3A_177 = arith.index_cast %parallel_loop3A_176 : i32 to index
      %parallel_loop3A_178 = tpu.vector_load %arg12[%parallel_loop3A_177] {strides = array<i32>} : memref<16384xi32, #tpu.memory_space<vmem>>, vector<16xi32>,
      tpu.vector_store %arg12[%parallel_loop3A_177], %parallel_loop3A_174 {strides = array<i32>} : memref<16384xi32, #tpu.memory_space<vmem>>, vector<16xi32>,
      %parallel_loop3A_179 = arith.constant 1800018 : i32
      %parallel_loop3A_180 = vector.broadcast %parallel_loop3A_179 : i32 to vector<16xi32>
      %parallel_loop3A_181 = arith.addi %parallel_loop3A_52, %parallel_loop3A_180 : vector<16xi32>
      %parallel_loop3A_182 = arith.constant 9216 : i32
      %parallel_loop3A_183 = arith.addi %parallel_loop3A_182, %parallel_loop3A_50 : i32
      %parallel_loop3A_184 = arith.index_cast %parallel_loop3A_183 : i32 to index
      %parallel_loop3A_185 = tpu.vector_load %arg12[%parallel_loop3A_184] {strides = array<i32>} : memref<16384xi32, #tpu.memory_space<vmem>>, vector<16xi32>,
      tpu.vector_store %arg12[%parallel_loop3A_184], %parallel_loop3A_181 {strides = array<i32>} : memref<16384xi32, #tpu.memory_space<vmem>>, vector<16xi32>,
      %parallel_loop3A_186 = arith.constant 1900019 : i32
      %parallel_loop3A_187 = vector.broadcast %parallel_loop3A_186 : i32 to vector<16xi32>
      %parallel_loop3A_188 = arith.addi %parallel_loop3A_52, %parallel_loop3A_187 : vector<16xi32>
      %parallel_loop3A_189 = arith.constant 9728 : i32
      %parallel_loop3A_190 = arith.addi %parallel_loop3A_189, %parallel_loop3A_50 : i32
      %parallel_loop3A_191 = arith.index_cast %parallel_loop3A_190 : i32 to index
      %parallel_loop3A_192 = tpu.vector_load %arg12[%parallel_loop3A_191] {strides = array<i32>} : memref<16384xi32, #tpu.memory_space<vmem>>, vector<16xi32>,
      tpu.vector_store %arg12[%parallel_loop3A_191], %parallel_loop3A_188 {strides = array<i32>} : memref<16384xi32, #tpu.memory_space<vmem>>, vector<16xi32>,
      %parallel_loop3A_193 = arith.constant 2000020 : i32
      %parallel_loop3A_194 = vector.broadcast %parallel_loop3A_193 : i32 to vector<16xi32>
      %parallel_loop3A_195 = arith.addi %parallel_loop3A_52, %parallel_loop3A_194 : vector<16xi32>
      %parallel_loop3A_196 = arith.constant 10240 : i32
      %parallel_loop3A_197 = arith.addi %parallel_loop3A_196, %parallel_loop3A_50 : i32
      %parallel_loop3A_198 = arith.index_cast %parallel_loop3A_197 : i32 to index
      %parallel_loop3A_199 = tpu.vector_load %arg12[%parallel_loop3A_198] {strides = array<i32>} : memref<16384xi32, #tpu.memory_space<vmem>>, vector<16xi32>,
      tpu.vector_store %arg12[%parallel_loop3A_198], %parallel_loop3A_195 {strides = array<i32>} : memref<16384xi32, #tpu.memory_space<vmem>>, vector<16xi32>,
      %parallel_loop3A_200 = arith.constant 2100021 : i32
      %parallel_loop3A_201 = vector.broadcast %parallel_loop3A_200 : i32 to vector<16xi32>
      %parallel_loop3A_202 = arith.addi %parallel_loop3A_52, %parallel_loop3A_201 : vector<16xi32>
      %parallel_loop3A_203 = arith.constant 10752 : i32
      %parallel_loop3A_204 = arith.addi %parallel_loop3A_203, %parallel_loop3A_50 : i32
      %parallel_loop3A_205 = arith.index_cast %parallel_loop3A_204 : i32 to index
      %parallel_loop3A_206 = tpu.vector_load %arg12[%parallel_loop3A_205] {strides = array<i32>} : memref<16384xi32, #tpu.memory_space<vmem>>, vector<16xi32>,
      tpu.vector_store %arg12[%parallel_loop3A_205], %parallel_loop3A_202 {strides = array<i32>} : memref<16384xi32, #tpu.memory_space<vmem>>, vector<16xi32>,
      %parallel_loop3A_207 = arith.constant 2200022 : i32
      %parallel_loop3A_208 = vector.broadcast %parallel_loop3A_207 : i32 to vector<16xi32>
      %parallel_loop3A_209 = arith.addi %parallel_loop3A_52, %parallel_loop3A_208 : vector<16xi32>
      %parallel_loop3A_210 = arith.constant 11264 : i32
      %parallel_loop3A_211 = arith.addi %parallel_loop3A_210, %parallel_loop3A_50 : i32
      %parallel_loop3A_212 = arith.index_cast %parallel_loop3A_211 : i32 to index
      %parallel_loop3A_213 = tpu.vector_load %arg12[%parallel_loop3A_212] {strides = array<i32>} : memref<16384xi32, #tpu.memory_space<vmem>>, vector<16xi32>,
      tpu.vector_store %arg12[%parallel_loop3A_212], %parallel_loop3A_209 {strides = array<i32>} : memref<16384xi32, #tpu.memory_space<vmem>>, vector<16xi32>,
      %parallel_loop3A_214 = arith.constant 2300023 : i32
      %parallel_loop3A_215 = vector.broadcast %parallel_loop3A_214 : i32 to vector<16xi32>
      %parallel_loop3A_216 = arith.addi %parallel_loop3A_52, %parallel_loop3A_215 : vector<16xi32>
      %parallel_loop3A_217 = arith.constant 11776 : i32
      %parallel_loop3A_218 = arith.addi %parallel_loop3A_217, %parallel_loop3A_50 : i32
      %parallel_loop3A_219 = arith.index_cast %parallel_loop3A_218 : i32 to index
      %parallel_loop3A_220 = tpu.vector_load %arg12[%parallel_loop3A_219] {strides = array<i32>} : memref<16384xi32, #tpu.memory_space<vmem>>, vector<16xi32>,
      tpu.vector_store %arg12[%parallel_loop3A_219], %parallel_loop3A_216 {strides = array<i32>} : memref<16384xi32, #tpu.memory_space<vmem>>, vector<16xi32>,
      %parallel_loop3A_221 = arith.constant 2400024 : i32
      %parallel_loop3A_222 = vector.broadcast %parallel_loop3A_221 : i32 to vector<16xi32>
      %parallel_loop3A_223 = arith.addi %parallel_loop3A_52, %parallel_loop3A_222 : vector<16xi32>
      %parallel_loop3A_224 = arith.constant 12288 : i32
      %parallel_loop3A_225 = arith.addi %parallel_loop3A_224, %parallel_loop3A_50 : i32
      %parallel_loop3A_226 = arith.index_cast %parallel_loop3A_225 : i32 to index
      %parallel_loop3A_227 = tpu.vector_load %arg12[%parallel_loop3A_226] {strides = array<i32>} : memref<16384xi32, #tpu.memory_space<vmem>>, vector<16xi32>,
      tpu.vector_store %arg12[%parallel_loop3A_226], %parallel_loop3A_223 {strides = array<i32>} : memref<16384xi32, #tpu.memory_space<vmem>>, vector<16xi32>,
      %parallel_loop3A_228 = arith.constant 2500025 : i32
      %parallel_loop3A_229 = vector.broadcast %parallel_loop3A_228 : i32 to vector<16xi32>
      %parallel_loop3A_230 = arith.addi %parallel_loop3A_52, %parallel_loop3A_229 : vector<16xi32>
      %parallel_loop3A_231 = arith.constant 12800 : i32
      %parallel_loop3A_232 = arith.addi %parallel_loop3A_231, %parallel_loop3A_50 : i32
      %parallel_loop3A_233 = arith.index_cast %parallel_loop3A_232 : i32 to index
      %parallel_loop3A_234 = tpu.vector_load %arg12[%parallel_loop3A_233] {strides = array<i32>} : memref<16384xi32, #tpu.memory_space<vmem>>, vector<16xi32>,
      tpu.vector_store %arg12[%parallel_loop3A_233], %parallel_loop3A_230 {strides = array<i32>} : memref<16384xi32, #tpu.memory_space<vmem>>, vector<16xi32>,
      %parallel_loop3A_235 = arith.constant 2600026 : i32
      %parallel_loop3A_236 = vector.broadcast %parallel_loop3A_235 : i32 to vector<16xi32>
      %parallel_loop3A_237 = arith.addi %parallel_loop3A_52, %parallel_loop3A_236 : vector<16xi32>
      %parallel_loop3A_238 = arith.constant 13312 : i32
      %parallel_loop3A_239 = arith.addi %parallel_loop3A_238, %parallel_loop3A_50 : i32
      %parallel_loop3A_240 = arith.index_cast %parallel_loop3A_239 : i32 to index
      %parallel_loop3A_241 = tpu.vector_load %arg12[%parallel_loop3A_240] {strides = array<i32>} : memref<16384xi32, #tpu.memory_space<vmem>>, vector<16xi32>,
      tpu.vector_store %arg12[%parallel_loop3A_240], %parallel_loop3A_237 {strides = array<i32>} : memref<16384xi32, #tpu.memory_space<vmem>>, vector<16xi32>,
      %parallel_loop3A_242 = arith.constant 2700027 : i32
      %parallel_loop3A_243 = vector.broadcast %parallel_loop3A_242 : i32 to vector<16xi32>
      %parallel_loop3A_244 = arith.addi %parallel_loop3A_52, %parallel_loop3A_243 : vector<16xi32>
      %parallel_loop3A_245 = arith.constant 13824 : i32
      %parallel_loop3A_246 = arith.addi %parallel_loop3A_245, %parallel_loop3A_50 : i32
      %parallel_loop3A_247 = arith.index_cast %parallel_loop3A_246 : i32 to index
      %parallel_loop3A_248 = tpu.vector_load %arg12[%parallel_loop3A_247] {strides = array<i32>} : memref<16384xi32, #tpu.memory_space<vmem>>, vector<16xi32>,
      tpu.vector_store %arg12[%parallel_loop3A_247], %parallel_loop3A_244 {strides = array<i32>} : memref<16384xi32, #tpu.memory_space<vmem>>, vector<16xi32>,
      %parallel_loop3A_249 = arith.constant 2800028 : i32
      %parallel_loop3A_250 = vector.broadcast %parallel_loop3A_249 : i32 to vector<16xi32>
      %parallel_loop3A_251 = arith.addi %parallel_loop3A_52, %parallel_loop3A_250 : vector<16xi32>
      %parallel_loop3A_252 = arith.constant 14336 : i32
      %parallel_loop3A_253 = arith.addi %parallel_loop3A_252, %parallel_loop3A_50 : i32
      %parallel_loop3A_254 = arith.index_cast %parallel_loop3A_253 : i32 to index
      %parallel_loop3A_255 = tpu.vector_load %arg12[%parallel_loop3A_254] {strides = array<i32>} : memref<16384xi32, #tpu.memory_space<vmem>>, vector<16xi32>,
      tpu.vector_store %arg12[%parallel_loop3A_254], %parallel_loop3A_251 {strides = array<i32>} : memref<16384xi32, #tpu.memory_space<vmem>>, vector<16xi32>,
      %parallel_loop3A_256 = arith.constant 2900029 : i32
      %parallel_loop3A_257 = vector.broadcast %parallel_loop3A_256 : i32 to vector<16xi32>
      %parallel_loop3A_258 = arith.addi %parallel_loop3A_52, %parallel_loop3A_257 : vector<16xi32>
      %parallel_loop3A_259 = arith.constant 14848 : i32
      %parallel_loop3A_260 = arith.addi %parallel_loop3A_259, %parallel_loop3A_50 : i32
      %parallel_loop3A_261 = arith.index_cast %parallel_loop3A_260 : i32 to index
      %parallel_loop3A_262 = tpu.vector_load %arg12[%parallel_loop3A_261] {strides = array<i32>} : memref<16384xi32, #tpu.memory_space<vmem>>, vector<16xi32>,
      tpu.vector_store %arg12[%parallel_loop3A_261], %parallel_loop3A_258 {strides = array<i32>} : memref<16384xi32, #tpu.memory_space<vmem>>, vector<16xi32>,
      %parallel_loop3A_263 = arith.constant 3000030 : i32
      %parallel_loop3A_264 = vector.broadcast %parallel_loop3A_263 : i32 to vector<16xi32>
      %parallel_loop3A_265 = arith.addi %parallel_loop3A_52, %parallel_loop3A_264 : vector<16xi32>
      %parallel_loop3A_266 = arith.constant 15360 : i32
      %parallel_loop3A_267 = arith.addi %parallel_loop3A_266, %parallel_loop3A_50 : i32
      %parallel_loop3A_268 = arith.index_cast %parallel_loop3A_267 : i32 to index
      %parallel_loop3A_269 = tpu.vector_load %arg12[%parallel_loop3A_268] {strides = array<i32>} : memref<16384xi32, #tpu.memory_space<vmem>>, vector<16xi32>,
      tpu.vector_store %arg12[%parallel_loop3A_268], %parallel_loop3A_265 {strides = array<i32>} : memref<16384xi32, #tpu.memory_space<vmem>>, vector<16xi32>,
      %parallel_loop3A_270 = arith.constant 3100031 : i32
      %parallel_loop3A_271 = vector.broadcast %parallel_loop3A_270 : i32 to vector<16xi32>
      %parallel_loop3A_272 = arith.addi %parallel_loop3A_52, %parallel_loop3A_271 : vector<16xi32>
      %parallel_loop3A_273 = arith.constant 15872 : i32
      %parallel_loop3A_274 = arith.addi %parallel_loop3A_273, %parallel_loop3A_50 : i32
      %parallel_loop3A_275 = arith.index_cast %parallel_loop3A_274 : i32 to index
      %parallel_loop3A_276 = tpu.vector_load %arg12[%parallel_loop3A_275] {strides = array<i32>} : memref<16384xi32, #tpu.memory_space<vmem>>, vector<16xi32>,
      tpu.vector_store %arg12[%parallel_loop3A_275], %parallel_loop3A_272 {strides = array<i32>} : memref<16384xi32, #tpu.memory_space<vmem>>, vector<16xi32>,
    } {sc.loop_unroll_factor = 1 : i64, sc.parallel_access}
    %dma_start3A = arith.constant 0 : i32
    %dma_start3A_5 = tpu.memref_slice %arg4[%dma_start3A] : memref<3200032xf32, #tpu.memory_space<hbm>> -> memref<3200032xf32, #tpu.memory_space<hbm>>
    tpu.enqueue_indirect_dma source(%dma_start3A_5 : memref<3200032xf32, #tpu.memory_space<hbm>>) target(%arg13 : memref<16384xf32, #tpu.memory_space<vmem>>) offsets(%arg12 : memref<16384xi32, #tpu.memory_space<vmem>>) semaphore(%arg18 : memref<!tpu.dma_semaphore, #tpu.memory_space<semaphore_mem>>)
    "tpu.region"() ({
      %run_scoped3A = tpu.sem_alloc : memref<!tpu.dma_semaphore, #tpu.memory_space<semaphore_mem>>
      %dma_start3A_48 = tpu.memref_slice %arg3[%mul3A_2] : memref<16384xf32, #tpu.memory_space<hbm>> -> memref<512xf32, #tpu.memory_space<hbm>>
      %dma_start3A_49 = tpu.memref_slice %arg3[%mul3A_2] : memref<16384xf32, #tpu.memory_space<hbm>> -> memref<512xf32, #tpu.memory_space<hbm>>
      tpu.enqueue_dma source(%dma_start3A_49 : memref<512xf32, #tpu.memory_space<hbm>>) target(%arg9 : memref<512xf32, #tpu.memory_space<vmem>>) target_semaphore(%run_scoped3A : memref<!tpu.dma_semaphore, #tpu.memory_space<semaphore_mem>>)
      %dma_wait3A_50 = tpu.memref_slice %arg3[%mul3A_2] : memref<16384xf32, #tpu.memory_space<hbm>> -> memref<512xf32, #tpu.memory_space<hbm>>
      %dma_wait3A_51 = tpu.memref_slice %arg3[%mul3A_2] : memref<16384xf32, #tpu.memory_space<hbm>> -> memref<512xf32, #tpu.memory_space<hbm>>
      tpu.wait_dma2 semaphore(%run_scoped3A : memref<!tpu.dma_semaphore, #tpu.memory_space<semaphore_mem>>) src(%dma_wait3A_51 : memref<512xf32, #tpu.memory_space<hbm>>) dst(%arg9 : memref<512xf32, #tpu.memory_space<vmem>>)
      tpu.yield
    }) : () -> ()
    "tpu.region"() ({
      %run_scoped3A = tpu.sem_alloc : memref<!tpu.dma_semaphore, #tpu.memory_space<semaphore_mem>>
      tpu.enqueue_dma source(%arg6 : memref<1000xf32, #tpu.memory_space<hbm>>) target(%arg17 : memref<1000xf32, #tpu.memory_space<vmem>>) target_semaphore(%run_scoped3A : memref<!tpu.dma_semaphore, #tpu.memory_space<semaphore_mem>>)
      tpu.wait_dma2 semaphore(%run_scoped3A : memref<!tpu.dma_semaphore, #tpu.memory_space<semaphore_mem>>) src(%arg6 : memref<1000xf32, #tpu.memory_space<hbm>>) dst(%arg17 : memref<1000xf32, #tpu.memory_space<vmem>>)
      tpu.yield
    }) : () -> ()
    %parallel_loop3A_6 = arith.constant 0 : i32
    %parallel_loop3A_7 = arith.constant 32 : i32
    %parallel_loop3A_8 = arith.constant 1 : i32
    scf.for %parallel_loop3A_48 = %parallel_loop3A_6 to %parallel_loop3A_7 step %parallel_loop3A_8  : i32 {
      %parallel_loop3A_49 = arith.constant 16 : i32
      %parallel_loop3A_50 = arith.muli %parallel_loop3A_48, %parallel_loop3A_49 : i32
      %parallel_loop3A_51 = arith.index_cast %parallel_loop3A_50 : i32 to index
      %parallel_loop3A_52 = tpu.vector_load %arg9[%parallel_loop3A_51] {strides = array<i32>} : memref<512xf32, #tpu.memory_space<vmem>>, vector<16xf32>,
      %parallel_loop3A_53 = arith.constant 0 : i32
      %parallel_loop3A_54 = vector.broadcast %parallel_loop3A_53 : i32 to vector<16xi32>
      %parallel_loop3A_55 = arith.constant 1000 : i32
      %parallel_loop3A_56 = vector.broadcast %parallel_loop3A_55 : i32 to vector<16xi32>
      %parallel_loop3A_57 = arith.addi %parallel_loop3A_54, %parallel_loop3A_56 : vector<16xi32>
      %parallel_loop3A_58 = arith.constant 1 : i32
      %parallel_loop3A_59 = vector.broadcast %parallel_loop3A_58 : i32 to vector<16xi32>
      %parallel_loop3A_60 = arith.shrui %parallel_loop3A_57, %parallel_loop3A_59 : vector<16xi32>
      %parallel_loop3A_61 = tpu.vector_load_idx %arg17[%parallel_loop3A_60] : memref<1000xf32, #tpu.memory_space<vmem>>[vector<16xi32>], vector<16xf32>,
      %parallel_loop3A_62 = arith.cmpf ole, %parallel_loop3A_61, %parallel_loop3A_52 : vector<16xf32>
      %parallel_loop3A_63 = arith.constant 1 : i32
      %parallel_loop3A_64 = vector.broadcast %parallel_loop3A_63 : i32 to vector<16xi32>
      %parallel_loop3A_65 = arith.addi %parallel_loop3A_60, %parallel_loop3A_64 : vector<16xi32>
      %parallel_loop3A_66 = arith.select %parallel_loop3A_62, %parallel_loop3A_65, %parallel_loop3A_54 : vector<16xi1>, vector<16xi32>
      %parallel_loop3A_67 = arith.select %parallel_loop3A_62, %parallel_loop3A_56, %parallel_loop3A_60 : vector<16xi1>, vector<16xi32>
      %parallel_loop3A_68 = arith.addi %parallel_loop3A_66, %parallel_loop3A_67 : vector<16xi32>
      %parallel_loop3A_69 = arith.constant 1 : i32
      %parallel_loop3A_70 = vector.broadcast %parallel_loop3A_69 : i32 to vector<16xi32>
      %parallel_loop3A_71 = arith.shrui %parallel_loop3A_68, %parallel_loop3A_70 : vector<16xi32>
      %parallel_loop3A_72 = tpu.vector_load_idx %arg17[%parallel_loop3A_71] : memref<1000xf32, #tpu.memory_space<vmem>>[vector<16xi32>], vector<16xf32>,
      %parallel_loop3A_73 = arith.cmpf ole, %parallel_loop3A_72, %parallel_loop3A_52 : vector<16xf32>
      %parallel_loop3A_74 = arith.constant 1 : i32
      %parallel_loop3A_75 = vector.broadcast %parallel_loop3A_74 : i32 to vector<16xi32>
      %parallel_loop3A_76 = arith.addi %parallel_loop3A_71, %parallel_loop3A_75 : vector<16xi32>
      %parallel_loop3A_77 = arith.select %parallel_loop3A_73, %parallel_loop3A_76, %parallel_loop3A_66 : vector<16xi1>, vector<16xi32>
      %parallel_loop3A_78 = arith.select %parallel_loop3A_73, %parallel_loop3A_67, %parallel_loop3A_71 : vector<16xi1>, vector<16xi32>
      %parallel_loop3A_79 = arith.addi %parallel_loop3A_77, %parallel_loop3A_78 : vector<16xi32>
      %parallel_loop3A_80 = arith.constant 1 : i32
      %parallel_loop3A_81 = vector.broadcast %parallel_loop3A_80 : i32 to vector<16xi32>
      %parallel_loop3A_82 = arith.shrui %parallel_loop3A_79, %parallel_loop3A_81 : vector<16xi32>
      %parallel_loop3A_83 = tpu.vector_load_idx %arg17[%parallel_loop3A_82] : memref<1000xf32, #tpu.memory_space<vmem>>[vector<16xi32>], vector<16xf32>,
      %parallel_loop3A_84 = arith.cmpf ole, %parallel_loop3A_83, %parallel_loop3A_52 : vector<16xf32>
      %parallel_loop3A_85 = arith.constant 1 : i32
      %parallel_loop3A_86 = vector.broadcast %parallel_loop3A_85 : i32 to vector<16xi32>
      %parallel_loop3A_87 = arith.addi %parallel_loop3A_82, %parallel_loop3A_86 : vector<16xi32>
      %parallel_loop3A_88 = arith.select %parallel_loop3A_84, %parallel_loop3A_87, %parallel_loop3A_77 : vector<16xi1>, vector<16xi32>
      %parallel_loop3A_89 = arith.select %parallel_loop3A_84, %parallel_loop3A_78, %parallel_loop3A_82 : vector<16xi1>, vector<16xi32>
      %parallel_loop3A_90 = arith.addi %parallel_loop3A_88, %parallel_loop3A_89 : vector<16xi32>
      %parallel_loop3A_91 = arith.constant 1 : i32
      %parallel_loop3A_92 = vector.broadcast %parallel_loop3A_91 : i32 to vector<16xi32>
      %parallel_loop3A_93 = arith.shrui %parallel_loop3A_90, %parallel_loop3A_92 : vector<16xi32>
      %parallel_loop3A_94 = tpu.vector_load_idx %arg17[%parallel_loop3A_93] : memref<1000xf32, #tpu.memory_space<vmem>>[vector<16xi32>], vector<16xf32>,
      %parallel_loop3A_95 = arith.cmpf ole, %parallel_loop3A_94, %parallel_loop3A_52 : vector<16xf32>
      %parallel_loop3A_96 = arith.constant 1 : i32
      %parallel_loop3A_97 = vector.broadcast %parallel_loop3A_96 : i32 to vector<16xi32>
      %parallel_loop3A_98 = arith.addi %parallel_loop3A_93, %parallel_loop3A_97 : vector<16xi32>
      %parallel_loop3A_99 = arith.select %parallel_loop3A_95, %parallel_loop3A_98, %parallel_loop3A_88 : vector<16xi1>, vector<16xi32>
      %parallel_loop3A_100 = arith.select %parallel_loop3A_95, %parallel_loop3A_89, %parallel_loop3A_93 : vector<16xi1>, vector<16xi32>
      %parallel_loop3A_101 = arith.addi %parallel_loop3A_99, %parallel_loop3A_100 : vector<16xi32>
      %parallel_loop3A_102 = arith.constant 1 : i32
      %parallel_loop3A_103 = vector.broadcast %parallel_loop3A_102 : i32 to vector<16xi32>
      %parallel_loop3A_104 = arith.shrui %parallel_loop3A_101, %parallel_loop3A_103 : vector<16xi32>
      %parallel_loop3A_105 = tpu.vector_load_idx %arg17[%parallel_loop3A_104] : memref<1000xf32, #tpu.memory_space<vmem>>[vector<16xi32>], vector<16xf32>,
      %parallel_loop3A_106 = arith.cmpf ole, %parallel_loop3A_105, %parallel_loop3A_52 : vector<16xf32>
      %parallel_loop3A_107 = arith.constant 1 : i32
      %parallel_loop3A_108 = vector.broadcast %parallel_loop3A_107 : i32 to vector<16xi32>
      %parallel_loop3A_109 = arith.addi %parallel_loop3A_104, %parallel_loop3A_108 : vector<16xi32>
      %parallel_loop3A_110 = arith.select %parallel_loop3A_106, %parallel_loop3A_109, %parallel_loop3A_99 : vector<16xi1>, vector<16xi32>
      %parallel_loop3A_111 = arith.select %parallel_loop3A_106, %parallel_loop3A_100, %parallel_loop3A_104 : vector<16xi1>, vector<16xi32>
      %parallel_loop3A_112 = arith.addi %parallel_loop3A_110, %parallel_loop3A_111 : vector<16xi32>
      %parallel_loop3A_113 = arith.constant 1 : i32
      %parallel_loop3A_114 = vector.broadcast %parallel_loop3A_113 : i32 to vector<16xi32>
      %parallel_loop3A_115 = arith.shrui %parallel_loop3A_112, %parallel_loop3A_114 : vector<16xi32>
      %parallel_loop3A_116 = tpu.vector_load_idx %arg17[%parallel_loop3A_115] : memref<1000xf32, #tpu.memory_space<vmem>>[vector<16xi32>], vector<16xf32>,
      %parallel_loop3A_117 = arith.cmpf ole, %parallel_loop3A_116, %parallel_loop3A_52 : vector<16xf32>
      %parallel_loop3A_118 = arith.constant 1 : i32
      %parallel_loop3A_119 = vector.broadcast %parallel_loop3A_118 : i32 to vector<16xi32>
      %parallel_loop3A_120 = arith.addi %parallel_loop3A_115, %parallel_loop3A_119 : vector<16xi32>
      %parallel_loop3A_121 = arith.select %parallel_loop3A_117, %parallel_loop3A_120, %parallel_loop3A_110 : vector<16xi1>, vector<16xi32>
      %parallel_loop3A_122 = arith.select %parallel_loop3A_117, %parallel_loop3A_111, %parallel_loop3A_115 : vector<16xi1>, vector<16xi32>
      %parallel_loop3A_123 = arith.addi %parallel_loop3A_121, %parallel_loop3A_122 : vector<16xi32>
      %parallel_loop3A_124 = arith.constant 1 : i32
      %parallel_loop3A_125 = vector.broadcast %parallel_loop3A_124 : i32 to vector<16xi32>
      %parallel_loop3A_126 = arith.shrui %parallel_loop3A_123, %parallel_loop3A_125 : vector<16xi32>
      %parallel_loop3A_127 = tpu.vector_load_idx %arg17[%parallel_loop3A_126] : memref<1000xf32, #tpu.memory_space<vmem>>[vector<16xi32>], vector<16xf32>,
      %parallel_loop3A_128 = arith.cmpf ole, %parallel_loop3A_127, %parallel_loop3A_52 : vector<16xf32>
      %parallel_loop3A_129 = arith.constant 1 : i32
      %parallel_loop3A_130 = vector.broadcast %parallel_loop3A_129 : i32 to vector<16xi32>
      %parallel_loop3A_131 = arith.addi %parallel_loop3A_126, %parallel_loop3A_130 : vector<16xi32>
      %parallel_loop3A_132 = arith.select %parallel_loop3A_128, %parallel_loop3A_131, %parallel_loop3A_121 : vector<16xi1>, vector<16xi32>
      %parallel_loop3A_133 = arith.select %parallel_loop3A_128, %parallel_loop3A_122, %parallel_loop3A_126 : vector<16xi1>, vector<16xi32>
      %parallel_loop3A_134 = arith.addi %parallel_loop3A_132, %parallel_loop3A_133 : vector<16xi32>
      %parallel_loop3A_135 = arith.constant 1 : i32
      %parallel_loop3A_136 = vector.broadcast %parallel_loop3A_135 : i32 to vector<16xi32>
      %parallel_loop3A_137 = arith.shrui %parallel_loop3A_134, %parallel_loop3A_136 : vector<16xi32>
      %parallel_loop3A_138 = tpu.vector_load_idx %arg17[%parallel_loop3A_137] : memref<1000xf32, #tpu.memory_space<vmem>>[vector<16xi32>], vector<16xf32>,
      %parallel_loop3A_139 = arith.cmpf ole, %parallel_loop3A_138, %parallel_loop3A_52 : vector<16xf32>
      %parallel_loop3A_140 = arith.constant 1 : i32
      %parallel_loop3A_141 = vector.broadcast %parallel_loop3A_140 : i32 to vector<16xi32>
      %parallel_loop3A_142 = arith.addi %parallel_loop3A_137, %parallel_loop3A_141 : vector<16xi32>
      %parallel_loop3A_143 = arith.select %parallel_loop3A_139, %parallel_loop3A_142, %parallel_loop3A_132 : vector<16xi1>, vector<16xi32>
      %parallel_loop3A_144 = arith.select %parallel_loop3A_139, %parallel_loop3A_133, %parallel_loop3A_137 : vector<16xi1>, vector<16xi32>
      %parallel_loop3A_145 = arith.addi %parallel_loop3A_143, %parallel_loop3A_144 : vector<16xi32>
      %parallel_loop3A_146 = arith.constant 1 : i32
      %parallel_loop3A_147 = vector.broadcast %parallel_loop3A_146 : i32 to vector<16xi32>
      %parallel_loop3A_148 = arith.shrui %parallel_loop3A_145, %parallel_loop3A_147 : vector<16xi32>
      %parallel_loop3A_149 = tpu.vector_load_idx %arg17[%parallel_loop3A_148] : memref<1000xf32, #tpu.memory_space<vmem>>[vector<16xi32>], vector<16xf32>,
      %parallel_loop3A_150 = arith.cmpf ole, %parallel_loop3A_149, %parallel_loop3A_52 : vector<16xf32>
      %parallel_loop3A_151 = arith.constant 1 : i32
      %parallel_loop3A_152 = vector.broadcast %parallel_loop3A_151 : i32 to vector<16xi32>
      %parallel_loop3A_153 = arith.addi %parallel_loop3A_148, %parallel_loop3A_152 : vector<16xi32>
      %parallel_loop3A_154 = arith.select %parallel_loop3A_150, %parallel_loop3A_153, %parallel_loop3A_143 : vector<16xi1>, vector<16xi32>
      %parallel_loop3A_155 = arith.select %parallel_loop3A_150, %parallel_loop3A_144, %parallel_loop3A_148 : vector<16xi1>, vector<16xi32>
      %parallel_loop3A_156 = arith.addi %parallel_loop3A_154, %parallel_loop3A_155 : vector<16xi32>
      %parallel_loop3A_157 = arith.constant 1 : i32
      %parallel_loop3A_158 = vector.broadcast %parallel_loop3A_157 : i32 to vector<16xi32>
      %parallel_loop3A_159 = arith.shrui %parallel_loop3A_156, %parallel_loop3A_158 : vector<16xi32>
      %parallel_loop3A_160 = tpu.vector_load_idx %arg17[%parallel_loop3A_159] : memref<1000xf32, #tpu.memory_space<vmem>>[vector<16xi32>], vector<16xf32>,
      %parallel_loop3A_161 = arith.cmpf ole, %parallel_loop3A_160, %parallel_loop3A_52 : vector<16xf32>
      %parallel_loop3A_162 = arith.constant 1 : i32
      %parallel_loop3A_163 = vector.broadcast %parallel_loop3A_162 : i32 to vector<16xi32>
      %parallel_loop3A_164 = arith.addi %parallel_loop3A_159, %parallel_loop3A_163 : vector<16xi32>
      %parallel_loop3A_165 = arith.select %parallel_loop3A_161, %parallel_loop3A_164, %parallel_loop3A_154 : vector<16xi1>, vector<16xi32>
      %parallel_loop3A_166 = arith.select %parallel_loop3A_161, %parallel_loop3A_155, %parallel_loop3A_159 : vector<16xi1>, vector<16xi32>
      %parallel_loop3A_167 = arith.index_cast %parallel_loop3A_50 : i32 to index
      %parallel_loop3A_168 = tpu.vector_load %arg10[%parallel_loop3A_167] {strides = array<i32>} : memref<512xi32, #tpu.memory_space<vmem>>, vector<16xi32>,
      tpu.vector_store %arg10[%parallel_loop3A_167], %parallel_loop3A_165 {strides = array<i32>} : memref<512xi32, #tpu.memory_space<vmem>>, vector<16xi32>,
      %parallel_loop3A_169 = arith.constant 5.000000e-01 : f32
      %parallel_loop3A_170 = vector.broadcast %parallel_loop3A_169 : f32 to vector<16xf32>
      %parallel_loop3A_171 = arith.subf %parallel_loop3A_52, %parallel_loop3A_170 : vector<16xf32>
      %parallel_loop3A_172 = arith.constant 3.46410179 : f32
      %parallel_loop3A_173 = vector.broadcast %parallel_loop3A_172 : f32 to vector<16xf32>
      %parallel_loop3A_174 = arith.mulf %parallel_loop3A_171, %parallel_loop3A_173 : vector<16xf32>
      %parallel_loop3A_175 = arith.index_cast %parallel_loop3A_50 : i32 to index
      %parallel_loop3A_176 = tpu.vector_load %arg11[%parallel_loop3A_175] {strides = array<i32>} : memref<512xf32, #tpu.memory_space<vmem>>, vector<16xf32>,
      tpu.vector_store %arg11[%parallel_loop3A_175], %parallel_loop3A_174 {strides = array<i32>} : memref<512xf32, #tpu.memory_space<vmem>>, vector<16xf32>,
    } {sc.loop_unroll_factor = 1 : i64, sc.parallel_access}
    %dma_start3A_9 = arith.constant 0 : i32
    %dma_start3A_10 = arith.constant 0 : i32
    %dma_start3A_11 = tpu.memref_slice %arg5[%dma_start3A_9, %dma_start3A_10] : memref<1001x32xf32, #tpu.memory_space<hbm>> -> memref<1001x32xf32, #tpu.memory_space<hbm>>
    tpu.enqueue_indirect_dma source(%dma_start3A_11 : memref<1001x32xf32, #tpu.memory_space<hbm>>) target(%arg15 : memref<512x32xf32, #tpu.memory_space<vmem>>) offsets(%arg10 : memref<512xi32, #tpu.memory_space<vmem>>) semaphore(%arg19 : memref<!tpu.dma_semaphore, #tpu.memory_space<semaphore_mem>>)
    %dma_start3A_12 = arith.constant 64 : i32
    %dma_start3A_13 = tpu.memref_slice %arg7[%dma_start3A_12, %mul3A_2] : memref<65x16384xf32, #tpu.memory_space<hbm>> -> memref<1x512xf32, #tpu.memory_space<hbm>>
    %dma_start3A_14 = tpu.memref_squeeze %dma_start3A_13 : memref<1x512xf32, #tpu.memory_space<hbm>> -> memref<512xf32, #tpu.memory_space<hbm>>
    %dma_start3A_15 = tpu.memref_slice %arg7[%dma_start3A_12, %mul3A_2] : memref<65x16384xf32, #tpu.memory_space<hbm>> -> memref<1x512xf32, #tpu.memory_space<hbm>>
    %dma_start3A_16 = tpu.memref_squeeze %dma_start3A_15 : memref<1x512xf32, #tpu.memory_space<hbm>> -> memref<512xf32, #tpu.memory_space<hbm>>
    tpu.enqueue_dma source(%arg11 : memref<512xf32, #tpu.memory_space<vmem>>) target(%dma_start3A_16 : memref<512xf32, #tpu.memory_space<hbm>>) target_semaphore(%arg22 : memref<!tpu.dma_semaphore, #tpu.memory_space<semaphore_mem>>)
    %dma_wait3A = arith.constant 0 : i32
    %dma_wait3A_17 = arith.constant 0 : i32
    %dma_wait3A_18 = tpu.memref_slice %arg5[%dma_wait3A, %dma_wait3A_17] : memref<1001x32xf32, #tpu.memory_space<hbm>> -> memref<1001x32xf32, #tpu.memory_space<hbm>>
    tpu.wait_indirect_dma semaphore(%arg19 : memref<!tpu.dma_semaphore, #tpu.memory_space<semaphore_mem>>) src(%dma_wait3A_18 : memref<1001x32xf32, #tpu.memory_space<hbm>>) dst(%arg15 : memref<512x32xf32, #tpu.memory_space<vmem>>)
    %parallel_loop3A_19 = arith.constant 0 : i32
    %parallel_loop3A_20 = arith.constant 32 : i32
    %parallel_loop3A_21 = arith.constant 1 : i32
    scf.for %parallel_loop3A_48 = %parallel_loop3A_19 to %parallel_loop3A_20 step %parallel_loop3A_21  : i32 {
      %parallel_loop3A_49 = arith.constant 16 : i32
      %parallel_loop3A_50 = arith.muli %parallel_loop3A_48, %parallel_loop3A_49 : i32
      %parallel_loop3A_51 = vector.broadcast %parallel_loop3A_50 : i32 to vector<16xi32>
      %parallel_loop3A_52 = arith.addi %parallel_loop3A_51, %iota3A : vector<16xi32>
      %parallel_loop3A_53 = arith.constant 0 : i32
      %parallel_loop3A_54 = vector.broadcast %parallel_loop3A_53 : i32 to vector<16xi32>
      %parallel_loop3A_55 = tpu.vector_load_idx %arg15[%parallel_loop3A_52, %parallel_loop3A_54] : memref<512x32xf32, #tpu.memory_space<vmem>>[vector<16xi32>, vector<16xi32>], vector<16xf32>,
      %parallel_loop3A_56 = arith.constant 0 : i32
      %parallel_loop3A_57 = arith.index_cast %parallel_loop3A_56 : i32 to index
      %parallel_loop3A_58 = arith.index_cast %parallel_loop3A_50 : i32 to index
      %parallel_loop3A_59 = tpu.vector_load %arg16[%parallel_loop3A_57, %parallel_loop3A_58] {strides = array<i32>} : memref<32x512xf32, #tpu.memory_space<vmem>>, vector<16xf32>,
      tpu.vector_store %arg16[%parallel_loop3A_57, %parallel_loop3A_58], %parallel_loop3A_55 {strides = array<i32>} : memref<32x512xf32, #tpu.memory_space<vmem>>, vector<16xf32>,
      %parallel_loop3A_60 = arith.constant 1 : i32
      %parallel_loop3A_61 = vector.broadcast %parallel_loop3A_60 : i32 to vector<16xi32>
      %parallel_loop3A_62 = tpu.vector_load_idx %arg15[%parallel_loop3A_52, %parallel_loop3A_61] : memref<512x32xf32, #tpu.memory_space<vmem>>[vector<16xi32>, vector<16xi32>], vector<16xf32>,
      %parallel_loop3A_63 = arith.constant 1 : i32
      %parallel_loop3A_64 = arith.index_cast %parallel_loop3A_63 : i32 to index
      %parallel_loop3A_65 = arith.index_cast %parallel_loop3A_50 : i32 to index
      %parallel_loop3A_66 = tpu.vector_load %arg16[%parallel_loop3A_64, %parallel_loop3A_65] {strides = array<i32>} : memref<32x512xf32, #tpu.memory_space<vmem>>, vector<16xf32>,
      tpu.vector_store %arg16[%parallel_loop3A_64, %parallel_loop3A_65], %parallel_loop3A_62 {strides = array<i32>} : memref<32x512xf32, #tpu.memory_space<vmem>>, vector<16xf32>,
      %parallel_loop3A_67 = arith.constant 2 : i32
      %parallel_loop3A_68 = vector.broadcast %parallel_loop3A_67 : i32 to vector<16xi32>
      %parallel_loop3A_69 = tpu.vector_load_idx %arg15[%parallel_loop3A_52, %parallel_loop3A_68] : memref<512x32xf32, #tpu.memory_space<vmem>>[vector<16xi32>, vector<16xi32>], vector<16xf32>,
      %parallel_loop3A_70 = arith.constant 2 : i32
      %parallel_loop3A_71 = arith.index_cast %parallel_loop3A_70 : i32 to index
      %parallel_loop3A_72 = arith.index_cast %parallel_loop3A_50 : i32 to index
      %parallel_loop3A_73 = tpu.vector_load %arg16[%parallel_loop3A_71, %parallel_loop3A_72] {strides = array<i32>} : memref<32x512xf32, #tpu.memory_space<vmem>>, vector<16xf32>,
      tpu.vector_store %arg16[%parallel_loop3A_71, %parallel_loop3A_72], %parallel_loop3A_69 {strides = array<i32>} : memref<32x512xf32, #tpu.memory_space<vmem>>, vector<16xf32>,
      %parallel_loop3A_74 = arith.constant 3 : i32
      %parallel_loop3A_75 = vector.broadcast %parallel_loop3A_74 : i32 to vector<16xi32>
      %parallel_loop3A_76 = tpu.vector_load_idx %arg15[%parallel_loop3A_52, %parallel_loop3A_75] : memref<512x32xf32, #tpu.memory_space<vmem>>[vector<16xi32>, vector<16xi32>], vector<16xf32>,
      %parallel_loop3A_77 = arith.constant 3 : i32
      %parallel_loop3A_78 = arith.index_cast %parallel_loop3A_77 : i32 to index
      %parallel_loop3A_79 = arith.index_cast %parallel_loop3A_50 : i32 to index
      %parallel_loop3A_80 = tpu.vector_load %arg16[%parallel_loop3A_78, %parallel_loop3A_79] {strides = array<i32>} : memref<32x512xf32, #tpu.memory_space<vmem>>, vector<16xf32>,
      tpu.vector_store %arg16[%parallel_loop3A_78, %parallel_loop3A_79], %parallel_loop3A_76 {strides = array<i32>} : memref<32x512xf32, #tpu.memory_space<vmem>>, vector<16xf32>,
      %parallel_loop3A_81 = arith.constant 4 : i32
      %parallel_loop3A_82 = vector.broadcast %parallel_loop3A_81 : i32 to vector<16xi32>
      %parallel_loop3A_83 = tpu.vector_load_idx %arg15[%parallel_loop3A_52, %parallel_loop3A_82] : memref<512x32xf32, #tpu.memory_space<vmem>>[vector<16xi32>, vector<16xi32>], vector<16xf32>,
      %parallel_loop3A_84 = arith.constant 4 : i32
      %parallel_loop3A_85 = arith.index_cast %parallel_loop3A_84 : i32 to index
      %parallel_loop3A_86 = arith.index_cast %parallel_loop3A_50 : i32 to index
      %parallel_loop3A_87 = tpu.vector_load %arg16[%parallel_loop3A_85, %parallel_loop3A_86] {strides = array<i32>} : memref<32x512xf32, #tpu.memory_space<vmem>>, vector<16xf32>,
      tpu.vector_store %arg16[%parallel_loop3A_85, %parallel_loop3A_86], %parallel_loop3A_83 {strides = array<i32>} : memref<32x512xf32, #tpu.memory_space<vmem>>, vector<16xf32>,
      %parallel_loop3A_88 = arith.constant 5 : i32
      %parallel_loop3A_89 = vector.broadcast %parallel_loop3A_88 : i32 to vector<16xi32>
      %parallel_loop3A_90 = tpu.vector_load_idx %arg15[%parallel_loop3A_52, %parallel_loop3A_89] : memref<512x32xf32, #tpu.memory_space<vmem>>[vector<16xi32>, vector<16xi32>], vector<16xf32>,
      %parallel_loop3A_91 = arith.constant 5 : i32
      %parallel_loop3A_92 = arith.index_cast %parallel_loop3A_91 : i32 to index
      %parallel_loop3A_93 = arith.index_cast %parallel_loop3A_50 : i32 to index
      %parallel_loop3A_94 = tpu.vector_load %arg16[%parallel_loop3A_92, %parallel_loop3A_93] {strides = array<i32>} : memref<32x512xf32, #tpu.memory_space<vmem>>, vector<16xf32>,
      tpu.vector_store %arg16[%parallel_loop3A_92, %parallel_loop3A_93], %parallel_loop3A_90 {strides = array<i32>} : memref<32x512xf32, #tpu.memory_space<vmem>>, vector<16xf32>,
      %parallel_loop3A_95 = arith.constant 6 : i32
      %parallel_loop3A_96 = vector.broadcast %parallel_loop3A_95 : i32 to vector<16xi32>
      %parallel_loop3A_97 = tpu.vector_load_idx %arg15[%parallel_loop3A_52, %parallel_loop3A_96] : memref<512x32xf32, #tpu.memory_space<vmem>>[vector<16xi32>, vector<16xi32>], vector<16xf32>,
      %parallel_loop3A_98 = arith.constant 6 : i32
      %parallel_loop3A_99 = arith.index_cast %parallel_loop3A_98 : i32 to index
      %parallel_loop3A_100 = arith.index_cast %parallel_loop3A_50 : i32 to index
      %parallel_loop3A_101 = tpu.vector_load %arg16[%parallel_loop3A_99, %parallel_loop3A_100] {strides = array<i32>} : memref<32x512xf32, #tpu.memory_space<vmem>>, vector<16xf32>,
      tpu.vector_store %arg16[%parallel_loop3A_99, %parallel_loop3A_100], %parallel_loop3A_97 {strides = array<i32>} : memref<32x512xf32, #tpu.memory_space<vmem>>, vector<16xf32>,
      %parallel_loop3A_102 = arith.constant 7 : i32
      %parallel_loop3A_103 = vector.broadcast %parallel_loop3A_102 : i32 to vector<16xi32>
      %parallel_loop3A_104 = tpu.vector_load_idx %arg15[%parallel_loop3A_52, %parallel_loop3A_103] : memref<512x32xf32, #tpu.memory_space<vmem>>[vector<16xi32>, vector<16xi32>], vector<16xf32>,
      %parallel_loop3A_105 = arith.constant 7 : i32
      %parallel_loop3A_106 = arith.index_cast %parallel_loop3A_105 : i32 to index
      %parallel_loop3A_107 = arith.index_cast %parallel_loop3A_50 : i32 to index
      %parallel_loop3A_108 = tpu.vector_load %arg16[%parallel_loop3A_106, %parallel_loop3A_107] {strides = array<i32>} : memref<32x512xf32, #tpu.memory_space<vmem>>, vector<16xf32>,
      tpu.vector_store %arg16[%parallel_loop3A_106, %parallel_loop3A_107], %parallel_loop3A_104 {strides = array<i32>} : memref<32x512xf32, #tpu.memory_space<vmem>>, vector<16xf32>,
      %parallel_loop3A_109 = arith.constant 8 : i32
      %parallel_loop3A_110 = vector.broadcast %parallel_loop3A_109 : i32 to vector<16xi32>
      %parallel_loop3A_111 = tpu.vector_load_idx %arg15[%parallel_loop3A_52, %parallel_loop3A_110] : memref<512x32xf32, #tpu.memory_space<vmem>>[vector<16xi32>, vector<16xi32>], vector<16xf32>,
      %parallel_loop3A_112 = arith.constant 8 : i32
      %parallel_loop3A_113 = arith.index_cast %parallel_loop3A_112 : i32 to index
      %parallel_loop3A_114 = arith.index_cast %parallel_loop3A_50 : i32 to index
      %parallel_loop3A_115 = tpu.vector_load %arg16[%parallel_loop3A_113, %parallel_loop3A_114] {strides = array<i32>} : memref<32x512xf32, #tpu.memory_space<vmem>>, vector<16xf32>,
      tpu.vector_store %arg16[%parallel_loop3A_113, %parallel_loop3A_114], %parallel_loop3A_111 {strides = array<i32>} : memref<32x512xf32, #tpu.memory_space<vmem>>, vector<16xf32>,
      %parallel_loop3A_116 = arith.constant 9 : i32
      %parallel_loop3A_117 = vector.broadcast %parallel_loop3A_116 : i32 to vector<16xi32>
      %parallel_loop3A_118 = tpu.vector_load_idx %arg15[%parallel_loop3A_52, %parallel_loop3A_117] : memref<512x32xf32, #tpu.memory_space<vmem>>[vector<16xi32>, vector<16xi32>], vector<16xf32>,
      %parallel_loop3A_119 = arith.constant 9 : i32
      %parallel_loop3A_120 = arith.index_cast %parallel_loop3A_119 : i32 to index
      %parallel_loop3A_121 = arith.index_cast %parallel_loop3A_50 : i32 to index
      %parallel_loop3A_122 = tpu.vector_load %arg16[%parallel_loop3A_120, %parallel_loop3A_121] {strides = array<i32>} : memref<32x512xf32, #tpu.memory_space<vmem>>, vector<16xf32>,
      tpu.vector_store %arg16[%parallel_loop3A_120, %parallel_loop3A_121], %parallel_loop3A_118 {strides = array<i32>} : memref<32x512xf32, #tpu.memory_space<vmem>>, vector<16xf32>,
      %parallel_loop3A_123 = arith.constant 10 : i32
      %parallel_loop3A_124 = vector.broadcast %parallel_loop3A_123 : i32 to vector<16xi32>
      %parallel_loop3A_125 = tpu.vector_load_idx %arg15[%parallel_loop3A_52, %parallel_loop3A_124] : memref<512x32xf32, #tpu.memory_space<vmem>>[vector<16xi32>, vector<16xi32>], vector<16xf32>,
      %parallel_loop3A_126 = arith.constant 10 : i32
      %parallel_loop3A_127 = arith.index_cast %parallel_loop3A_126 : i32 to index
      %parallel_loop3A_128 = arith.index_cast %parallel_loop3A_50 : i32 to index
      %parallel_loop3A_129 = tpu.vector_load %arg16[%parallel_loop3A_127, %parallel_loop3A_128] {strides = array<i32>} : memref<32x512xf32, #tpu.memory_space<vmem>>, vector<16xf32>,
      tpu.vector_store %arg16[%parallel_loop3A_127, %parallel_loop3A_128], %parallel_loop3A_125 {strides = array<i32>} : memref<32x512xf32, #tpu.memory_space<vmem>>, vector<16xf32>,
      %parallel_loop3A_130 = arith.constant 11 : i32
      %parallel_loop3A_131 = vector.broadcast %parallel_loop3A_130 : i32 to vector<16xi32>
      %parallel_loop3A_132 = tpu.vector_load_idx %arg15[%parallel_loop3A_52, %parallel_loop3A_131] : memref<512x32xf32, #tpu.memory_space<vmem>>[vector<16xi32>, vector<16xi32>], vector<16xf32>,
      %parallel_loop3A_133 = arith.constant 11 : i32
      %parallel_loop3A_134 = arith.index_cast %parallel_loop3A_133 : i32 to index
      %parallel_loop3A_135 = arith.index_cast %parallel_loop3A_50 : i32 to index
      %parallel_loop3A_136 = tpu.vector_load %arg16[%parallel_loop3A_134, %parallel_loop3A_135] {strides = array<i32>} : memref<32x512xf32, #tpu.memory_space<vmem>>, vector<16xf32>,
      tpu.vector_store %arg16[%parallel_loop3A_134, %parallel_loop3A_135], %parallel_loop3A_132 {strides = array<i32>} : memref<32x512xf32, #tpu.memory_space<vmem>>, vector<16xf32>,
      %parallel_loop3A_137 = arith.constant 12 : i32
      %parallel_loop3A_138 = vector.broadcast %parallel_loop3A_137 : i32 to vector<16xi32>
      %parallel_loop3A_139 = tpu.vector_load_idx %arg15[%parallel_loop3A_52, %parallel_loop3A_138] : memref<512x32xf32, #tpu.memory_space<vmem>>[vector<16xi32>, vector<16xi32>], vector<16xf32>,
      %parallel_loop3A_140 = arith.constant 12 : i32
      %parallel_loop3A_141 = arith.index_cast %parallel_loop3A_140 : i32 to index
      %parallel_loop3A_142 = arith.index_cast %parallel_loop3A_50 : i32 to index
      %parallel_loop3A_143 = tpu.vector_load %arg16[%parallel_loop3A_141, %parallel_loop3A_142] {strides = array<i32>} : memref<32x512xf32, #tpu.memory_space<vmem>>, vector<16xf32>,
      tpu.vector_store %arg16[%parallel_loop3A_141, %parallel_loop3A_142], %parallel_loop3A_139 {strides = array<i32>} : memref<32x512xf32, #tpu.memory_space<vmem>>, vector<16xf32>,
      %parallel_loop3A_144 = arith.constant 13 : i32
      %parallel_loop3A_145 = vector.broadcast %parallel_loop3A_144 : i32 to vector<16xi32>
      %parallel_loop3A_146 = tpu.vector_load_idx %arg15[%parallel_loop3A_52, %parallel_loop3A_145] : memref<512x32xf32, #tpu.memory_space<vmem>>[vector<16xi32>, vector<16xi32>], vector<16xf32>,
      %parallel_loop3A_147 = arith.constant 13 : i32
      %parallel_loop3A_148 = arith.index_cast %parallel_loop3A_147 : i32 to index
      %parallel_loop3A_149 = arith.index_cast %parallel_loop3A_50 : i32 to index
      %parallel_loop3A_150 = tpu.vector_load %arg16[%parallel_loop3A_148, %parallel_loop3A_149] {strides = array<i32>} : memref<32x512xf32, #tpu.memory_space<vmem>>, vector<16xf32>,
      tpu.vector_store %arg16[%parallel_loop3A_148, %parallel_loop3A_149], %parallel_loop3A_146 {strides = array<i32>} : memref<32x512xf32, #tpu.memory_space<vmem>>, vector<16xf32>,
      %parallel_loop3A_151 = arith.constant 14 : i32
      %parallel_loop3A_152 = vector.broadcast %parallel_loop3A_151 : i32 to vector<16xi32>
      %parallel_loop3A_153 = tpu.vector_load_idx %arg15[%parallel_loop3A_52, %parallel_loop3A_152] : memref<512x32xf32, #tpu.memory_space<vmem>>[vector<16xi32>, vector<16xi32>], vector<16xf32>,
      %parallel_loop3A_154 = arith.constant 14 : i32
      %parallel_loop3A_155 = arith.index_cast %parallel_loop3A_154 : i32 to index
      %parallel_loop3A_156 = arith.index_cast %parallel_loop3A_50 : i32 to index
      %parallel_loop3A_157 = tpu.vector_load %arg16[%parallel_loop3A_155, %parallel_loop3A_156] {strides = array<i32>} : memref<32x512xf32, #tpu.memory_space<vmem>>, vector<16xf32>,
      tpu.vector_store %arg16[%parallel_loop3A_155, %parallel_loop3A_156], %parallel_loop3A_153 {strides = array<i32>} : memref<32x512xf32, #tpu.memory_space<vmem>>, vector<16xf32>,
      %parallel_loop3A_158 = arith.constant 15 : i32
      %parallel_loop3A_159 = vector.broadcast %parallel_loop3A_158 : i32 to vector<16xi32>
      %parallel_loop3A_160 = tpu.vector_load_idx %arg15[%parallel_loop3A_52, %parallel_loop3A_159] : memref<512x32xf32, #tpu.memory_space<vmem>>[vector<16xi32>, vector<16xi32>], vector<16xf32>,
      %parallel_loop3A_161 = arith.constant 15 : i32
      %parallel_loop3A_162 = arith.index_cast %parallel_loop3A_161 : i32 to index
      %parallel_loop3A_163 = arith.index_cast %parallel_loop3A_50 : i32 to index
      %parallel_loop3A_164 = tpu.vector_load %arg16[%parallel_loop3A_162, %parallel_loop3A_163] {strides = array<i32>} : memref<32x512xf32, #tpu.memory_space<vmem>>, vector<16xf32>,
      tpu.vector_store %arg16[%parallel_loop3A_162, %parallel_loop3A_163], %parallel_loop3A_160 {strides = array<i32>} : memref<32x512xf32, #tpu.memory_space<vmem>>, vector<16xf32>,
      %parallel_loop3A_165 = arith.constant 16 : i32
      %parallel_loop3A_166 = vector.broadcast %parallel_loop3A_165 : i32 to vector<16xi32>
      %parallel_loop3A_167 = tpu.vector_load_idx %arg15[%parallel_loop3A_52, %parallel_loop3A_166] : memref<512x32xf32, #tpu.memory_space<vmem>>[vector<16xi32>, vector<16xi32>], vector<16xf32>,
      %parallel_loop3A_168 = arith.constant 16 : i32
      %parallel_loop3A_169 = arith.index_cast %parallel_loop3A_168 : i32 to index
      %parallel_loop3A_170 = arith.index_cast %parallel_loop3A_50 : i32 to index
      %parallel_loop3A_171 = tpu.vector_load %arg16[%parallel_loop3A_169, %parallel_loop3A_170] {strides = array<i32>} : memref<32x512xf32, #tpu.memory_space<vmem>>, vector<16xf32>,
      tpu.vector_store %arg16[%parallel_loop3A_169, %parallel_loop3A_170], %parallel_loop3A_167 {strides = array<i32>} : memref<32x512xf32, #tpu.memory_space<vmem>>, vector<16xf32>,
      %parallel_loop3A_172 = arith.constant 17 : i32
      %parallel_loop3A_173 = vector.broadcast %parallel_loop3A_172 : i32 to vector<16xi32>
      %parallel_loop3A_174 = tpu.vector_load_idx %arg15[%parallel_loop3A_52, %parallel_loop3A_173] : memref<512x32xf32, #tpu.memory_space<vmem>>[vector<16xi32>, vector<16xi32>], vector<16xf32>,
      %parallel_loop3A_175 = arith.constant 17 : i32
      %parallel_loop3A_176 = arith.index_cast %parallel_loop3A_175 : i32 to index
      %parallel_loop3A_177 = arith.index_cast %parallel_loop3A_50 : i32 to index
      %parallel_loop3A_178 = tpu.vector_load %arg16[%parallel_loop3A_176, %parallel_loop3A_177] {strides = array<i32>} : memref<32x512xf32, #tpu.memory_space<vmem>>, vector<16xf32>,
      tpu.vector_store %arg16[%parallel_loop3A_176, %parallel_loop3A_177], %parallel_loop3A_174 {strides = array<i32>} : memref<32x512xf32, #tpu.memory_space<vmem>>, vector<16xf32>,
      %parallel_loop3A_179 = arith.constant 18 : i32
      %parallel_loop3A_180 = vector.broadcast %parallel_loop3A_179 : i32 to vector<16xi32>
      %parallel_loop3A_181 = tpu.vector_load_idx %arg15[%parallel_loop3A_52, %parallel_loop3A_180] : memref<512x32xf32, #tpu.memory_space<vmem>>[vector<16xi32>, vector<16xi32>], vector<16xf32>,
      %parallel_loop3A_182 = arith.constant 18 : i32
      %parallel_loop3A_183 = arith.index_cast %parallel_loop3A_182 : i32 to index
      %parallel_loop3A_184 = arith.index_cast %parallel_loop3A_50 : i32 to index
      %parallel_loop3A_185 = tpu.vector_load %arg16[%parallel_loop3A_183, %parallel_loop3A_184] {strides = array<i32>} : memref<32x512xf32, #tpu.memory_space<vmem>>, vector<16xf32>,
      tpu.vector_store %arg16[%parallel_loop3A_183, %parallel_loop3A_184], %parallel_loop3A_181 {strides = array<i32>} : memref<32x512xf32, #tpu.memory_space<vmem>>, vector<16xf32>,
      %parallel_loop3A_186 = arith.constant 19 : i32
      %parallel_loop3A_187 = vector.broadcast %parallel_loop3A_186 : i32 to vector<16xi32>
      %parallel_loop3A_188 = tpu.vector_load_idx %arg15[%parallel_loop3A_52, %parallel_loop3A_187] : memref<512x32xf32, #tpu.memory_space<vmem>>[vector<16xi32>, vector<16xi32>], vector<16xf32>,
      %parallel_loop3A_189 = arith.constant 19 : i32
      %parallel_loop3A_190 = arith.index_cast %parallel_loop3A_189 : i32 to index
      %parallel_loop3A_191 = arith.index_cast %parallel_loop3A_50 : i32 to index
      %parallel_loop3A_192 = tpu.vector_load %arg16[%parallel_loop3A_190, %parallel_loop3A_191] {strides = array<i32>} : memref<32x512xf32, #tpu.memory_space<vmem>>, vector<16xf32>,
      tpu.vector_store %arg16[%parallel_loop3A_190, %parallel_loop3A_191], %parallel_loop3A_188 {strides = array<i32>} : memref<32x512xf32, #tpu.memory_space<vmem>>, vector<16xf32>,
      %parallel_loop3A_193 = arith.constant 20 : i32
      %parallel_loop3A_194 = vector.broadcast %parallel_loop3A_193 : i32 to vector<16xi32>
      %parallel_loop3A_195 = tpu.vector_load_idx %arg15[%parallel_loop3A_52, %parallel_loop3A_194] : memref<512x32xf32, #tpu.memory_space<vmem>>[vector<16xi32>, vector<16xi32>], vector<16xf32>,
      %parallel_loop3A_196 = arith.constant 20 : i32
      %parallel_loop3A_197 = arith.index_cast %parallel_loop3A_196 : i32 to index
      %parallel_loop3A_198 = arith.index_cast %parallel_loop3A_50 : i32 to index
      %parallel_loop3A_199 = tpu.vector_load %arg16[%parallel_loop3A_197, %parallel_loop3A_198] {strides = array<i32>} : memref<32x512xf32, #tpu.memory_space<vmem>>, vector<16xf32>,
      tpu.vector_store %arg16[%parallel_loop3A_197, %parallel_loop3A_198], %parallel_loop3A_195 {strides = array<i32>} : memref<32x512xf32, #tpu.memory_space<vmem>>, vector<16xf32>,
      %parallel_loop3A_200 = arith.constant 21 : i32
      %parallel_loop3A_201 = vector.broadcast %parallel_loop3A_200 : i32 to vector<16xi32>
      %parallel_loop3A_202 = tpu.vector_load_idx %arg15[%parallel_loop3A_52, %parallel_loop3A_201] : memref<512x32xf32, #tpu.memory_space<vmem>>[vector<16xi32>, vector<16xi32>], vector<16xf32>,
      %parallel_loop3A_203 = arith.constant 21 : i32
      %parallel_loop3A_204 = arith.index_cast %parallel_loop3A_203 : i32 to index
      %parallel_loop3A_205 = arith.index_cast %parallel_loop3A_50 : i32 to index
      %parallel_loop3A_206 = tpu.vector_load %arg16[%parallel_loop3A_204, %parallel_loop3A_205] {strides = array<i32>} : memref<32x512xf32, #tpu.memory_space<vmem>>, vector<16xf32>,
      tpu.vector_store %arg16[%parallel_loop3A_204, %parallel_loop3A_205], %parallel_loop3A_202 {strides = array<i32>} : memref<32x512xf32, #tpu.memory_space<vmem>>, vector<16xf32>,
      %parallel_loop3A_207 = arith.constant 22 : i32
      %parallel_loop3A_208 = vector.broadcast %parallel_loop3A_207 : i32 to vector<16xi32>
      %parallel_loop3A_209 = tpu.vector_load_idx %arg15[%parallel_loop3A_52, %parallel_loop3A_208] : memref<512x32xf32, #tpu.memory_space<vmem>>[vector<16xi32>, vector<16xi32>], vector<16xf32>,
      %parallel_loop3A_210 = arith.constant 22 : i32
      %parallel_loop3A_211 = arith.index_cast %parallel_loop3A_210 : i32 to index
      %parallel_loop3A_212 = arith.index_cast %parallel_loop3A_50 : i32 to index
      %parallel_loop3A_213 = tpu.vector_load %arg16[%parallel_loop3A_211, %parallel_loop3A_212] {strides = array<i32>} : memref<32x512xf32, #tpu.memory_space<vmem>>, vector<16xf32>,
      tpu.vector_store %arg16[%parallel_loop3A_211, %parallel_loop3A_212], %parallel_loop3A_209 {strides = array<i32>} : memref<32x512xf32, #tpu.memory_space<vmem>>, vector<16xf32>,
      %parallel_loop3A_214 = arith.constant 23 : i32
      %parallel_loop3A_215 = vector.broadcast %parallel_loop3A_214 : i32 to vector<16xi32>
      %parallel_loop3A_216 = tpu.vector_load_idx %arg15[%parallel_loop3A_52, %parallel_loop3A_215] : memref<512x32xf32, #tpu.memory_space<vmem>>[vector<16xi32>, vector<16xi32>], vector<16xf32>,
      %parallel_loop3A_217 = arith.constant 23 : i32
      %parallel_loop3A_218 = arith.index_cast %parallel_loop3A_217 : i32 to index
      %parallel_loop3A_219 = arith.index_cast %parallel_loop3A_50 : i32 to index
      %parallel_loop3A_220 = tpu.vector_load %arg16[%parallel_loop3A_218, %parallel_loop3A_219] {strides = array<i32>} : memref<32x512xf32, #tpu.memory_space<vmem>>, vector<16xf32>,
      tpu.vector_store %arg16[%parallel_loop3A_218, %parallel_loop3A_219], %parallel_loop3A_216 {strides = array<i32>} : memref<32x512xf32, #tpu.memory_space<vmem>>, vector<16xf32>,
      %parallel_loop3A_221 = arith.constant 24 : i32
      %parallel_loop3A_222 = vector.broadcast %parallel_loop3A_221 : i32 to vector<16xi32>
      %parallel_loop3A_223 = tpu.vector_load_idx %arg15[%parallel_loop3A_52, %parallel_loop3A_222] : memref<512x32xf32, #tpu.memory_space<vmem>>[vector<16xi32>, vector<16xi32>], vector<16xf32>,
      %parallel_loop3A_224 = arith.constant 24 : i32
      %parallel_loop3A_225 = arith.index_cast %parallel_loop3A_224 : i32 to index
      %parallel_loop3A_226 = arith.index_cast %parallel_loop3A_50 : i32 to index
      %parallel_loop3A_227 = tpu.vector_load %arg16[%parallel_loop3A_225, %parallel_loop3A_226] {strides = array<i32>} : memref<32x512xf32, #tpu.memory_space<vmem>>, vector<16xf32>,
      tpu.vector_store %arg16[%parallel_loop3A_225, %parallel_loop3A_226], %parallel_loop3A_223 {strides = array<i32>} : memref<32x512xf32, #tpu.memory_space<vmem>>, vector<16xf32>,
      %parallel_loop3A_228 = arith.constant 25 : i32
      %parallel_loop3A_229 = vector.broadcast %parallel_loop3A_228 : i32 to vector<16xi32>
      %parallel_loop3A_230 = tpu.vector_load_idx %arg15[%parallel_loop3A_52, %parallel_loop3A_229] : memref<512x32xf32, #tpu.memory_space<vmem>>[vector<16xi32>, vector<16xi32>], vector<16xf32>,
      %parallel_loop3A_231 = arith.constant 25 : i32
      %parallel_loop3A_232 = arith.index_cast %parallel_loop3A_231 : i32 to index
      %parallel_loop3A_233 = arith.index_cast %parallel_loop3A_50 : i32 to index
      %parallel_loop3A_234 = tpu.vector_load %arg16[%parallel_loop3A_232, %parallel_loop3A_233] {strides = array<i32>} : memref<32x512xf32, #tpu.memory_space<vmem>>, vector<16xf32>,
      tpu.vector_store %arg16[%parallel_loop3A_232, %parallel_loop3A_233], %parallel_loop3A_230 {strides = array<i32>} : memref<32x512xf32, #tpu.memory_space<vmem>>, vector<16xf32>,
      %parallel_loop3A_235 = arith.constant 26 : i32
      %parallel_loop3A_236 = vector.broadcast %parallel_loop3A_235 : i32 to vector<16xi32>
      %parallel_loop3A_237 = tpu.vector_load_idx %arg15[%parallel_loop3A_52, %parallel_loop3A_236] : memref<512x32xf32, #tpu.memory_space<vmem>>[vector<16xi32>, vector<16xi32>], vector<16xf32>,
      %parallel_loop3A_238 = arith.constant 26 : i32
      %parallel_loop3A_239 = arith.index_cast %parallel_loop3A_238 : i32 to index
      %parallel_loop3A_240 = arith.index_cast %parallel_loop3A_50 : i32 to index
      %parallel_loop3A_241 = tpu.vector_load %arg16[%parallel_loop3A_239, %parallel_loop3A_240] {strides = array<i32>} : memref<32x512xf32, #tpu.memory_space<vmem>>, vector<16xf32>,
      tpu.vector_store %arg16[%parallel_loop3A_239, %parallel_loop3A_240], %parallel_loop3A_237 {strides = array<i32>} : memref<32x512xf32, #tpu.memory_space<vmem>>, vector<16xf32>,
      %parallel_loop3A_242 = arith.constant 27 : i32
      %parallel_loop3A_243 = vector.broadcast %parallel_loop3A_242 : i32 to vector<16xi32>
      %parallel_loop3A_244 = tpu.vector_load_idx %arg15[%parallel_loop3A_52, %parallel_loop3A_243] : memref<512x32xf32, #tpu.memory_space<vmem>>[vector<16xi32>, vector<16xi32>], vector<16xf32>,
      %parallel_loop3A_245 = arith.constant 27 : i32
      %parallel_loop3A_246 = arith.index_cast %parallel_loop3A_245 : i32 to index
      %parallel_loop3A_247 = arith.index_cast %parallel_loop3A_50 : i32 to index
      %parallel_loop3A_248 = tpu.vector_load %arg16[%parallel_loop3A_246, %parallel_loop3A_247] {strides = array<i32>} : memref<32x512xf32, #tpu.memory_space<vmem>>, vector<16xf32>,
      tpu.vector_store %arg16[%parallel_loop3A_246, %parallel_loop3A_247], %parallel_loop3A_244 {strides = array<i32>} : memref<32x512xf32, #tpu.memory_space<vmem>>, vector<16xf32>,
      %parallel_loop3A_249 = arith.constant 28 : i32
      %parallel_loop3A_250 = vector.broadcast %parallel_loop3A_249 : i32 to vector<16xi32>
      %parallel_loop3A_251 = tpu.vector_load_idx %arg15[%parallel_loop3A_52, %parallel_loop3A_250] : memref<512x32xf32, #tpu.memory_space<vmem>>[vector<16xi32>, vector<16xi32>], vector<16xf32>,
      %parallel_loop3A_252 = arith.constant 28 : i32
      %parallel_loop3A_253 = arith.index_cast %parallel_loop3A_252 : i32 to index
      %parallel_loop3A_254 = arith.index_cast %parallel_loop3A_50 : i32 to index
      %parallel_loop3A_255 = tpu.vector_load %arg16[%parallel_loop3A_253, %parallel_loop3A_254] {strides = array<i32>} : memref<32x512xf32, #tpu.memory_space<vmem>>, vector<16xf32>,
      tpu.vector_store %arg16[%parallel_loop3A_253, %parallel_loop3A_254], %parallel_loop3A_251 {strides = array<i32>} : memref<32x512xf32, #tpu.memory_space<vmem>>, vector<16xf32>,
      %parallel_loop3A_256 = arith.constant 29 : i32
      %parallel_loop3A_257 = vector.broadcast %parallel_loop3A_256 : i32 to vector<16xi32>
      %parallel_loop3A_258 = tpu.vector_load_idx %arg15[%parallel_loop3A_52, %parallel_loop3A_257] : memref<512x32xf32, #tpu.memory_space<vmem>>[vector<16xi32>, vector<16xi32>], vector<16xf32>,
      %parallel_loop3A_259 = arith.constant 29 : i32
      %parallel_loop3A_260 = arith.index_cast %parallel_loop3A_259 : i32 to index
      %parallel_loop3A_261 = arith.index_cast %parallel_loop3A_50 : i32 to index
      %parallel_loop3A_262 = tpu.vector_load %arg16[%parallel_loop3A_260, %parallel_loop3A_261] {strides = array<i32>} : memref<32x512xf32, #tpu.memory_space<vmem>>, vector<16xf32>,
      tpu.vector_store %arg16[%parallel_loop3A_260, %parallel_loop3A_261], %parallel_loop3A_258 {strides = array<i32>} : memref<32x512xf32, #tpu.memory_space<vmem>>, vector<16xf32>,
      %parallel_loop3A_263 = arith.constant 30 : i32
      %parallel_loop3A_264 = vector.broadcast %parallel_loop3A_263 : i32 to vector<16xi32>
      %parallel_loop3A_265 = tpu.vector_load_idx %arg15[%parallel_loop3A_52, %parallel_loop3A_264] : memref<512x32xf32, #tpu.memory_space<vmem>>[vector<16xi32>, vector<16xi32>], vector<16xf32>,
      %parallel_loop3A_266 = arith.constant 30 : i32
      %parallel_loop3A_267 = arith.index_cast %parallel_loop3A_266 : i32 to index
      %parallel_loop3A_268 = arith.index_cast %parallel_loop3A_50 : i32 to index
      %parallel_loop3A_269 = tpu.vector_load %arg16[%parallel_loop3A_267, %parallel_loop3A_268] {strides = array<i32>} : memref<32x512xf32, #tpu.memory_space<vmem>>, vector<16xf32>,
      tpu.vector_store %arg16[%parallel_loop3A_267, %parallel_loop3A_268], %parallel_loop3A_265 {strides = array<i32>} : memref<32x512xf32, #tpu.memory_space<vmem>>, vector<16xf32>,
      %parallel_loop3A_270 = arith.constant 31 : i32
      %parallel_loop3A_271 = vector.broadcast %parallel_loop3A_270 : i32 to vector<16xi32>
      %parallel_loop3A_272 = tpu.vector_load_idx %arg15[%parallel_loop3A_52, %parallel_loop3A_271] : memref<512x32xf32, #tpu.memory_space<vmem>>[vector<16xi32>, vector<16xi32>], vector<16xf32>,
      %parallel_loop3A_273 = arith.constant 31 : i32
      %parallel_loop3A_274 = arith.index_cast %parallel_loop3A_273 : i32 to index
      %parallel_loop3A_275 = arith.index_cast %parallel_loop3A_50 : i32 to index
      %parallel_loop3A_276 = tpu.vector_load %arg16[%parallel_loop3A_274, %parallel_loop3A_275] {strides = array<i32>} : memref<32x512xf32, #tpu.memory_space<vmem>>, vector<16xf32>,
      tpu.vector_store %arg16[%parallel_loop3A_274, %parallel_loop3A_275], %parallel_loop3A_272 {strides = array<i32>} : memref<32x512xf32, #tpu.memory_space<vmem>>, vector<16xf32>,
    } {sc.loop_unroll_factor = 1 : i64, sc.parallel_access}
    %dma_start3A_22 = arith.constant 32 : i32
    %dma_start3A_23 = tpu.memref_slice %arg7[%dma_start3A_22, %mul3A_2] : memref<65x16384xf32, #tpu.memory_space<hbm>> -> memref<32x512xf32, #tpu.memory_space<hbm>>
    %dma_start3A_24 = arith.constant 32 : i32
    %dma_start3A_25 = tpu.memref_slice %arg7[%dma_start3A_24, %mul3A_2] : memref<65x16384xf32, #tpu.memory_space<hbm>> -> memref<32x512xf32, #tpu.memory_space<hbm>>
    tpu.enqueue_dma source(%arg16 : memref<32x512xf32, #tpu.memory_space<vmem>>) target(%dma_start3A_25 : memref<32x512xf32, #tpu.memory_space<hbm>>) target_semaphore(%arg21 : memref<!tpu.dma_semaphore, #tpu.memory_space<semaphore_mem>>)
    %dma_wait3A_26 = arith.constant 0 : i32
    %dma_wait3A_27 = tpu.memref_slice %arg4[%dma_wait3A_26] : memref<3200032xf32, #tpu.memory_space<hbm>> -> memref<3200032xf32, #tpu.memory_space<hbm>>
    tpu.wait_indirect_dma semaphore(%arg18 : memref<!tpu.dma_semaphore, #tpu.memory_space<semaphore_mem>>) src(%dma_wait3A_27 : memref<3200032xf32, #tpu.memory_space<hbm>>) dst(%arg13 : memref<16384xf32, #tpu.memory_space<vmem>>)
    %parallel_loop3A_28 = arith.constant 0 : i32
    %parallel_loop3A_29 = arith.constant 64 : i32
    %parallel_loop3A_30 = arith.constant 1 : i32
    scf.for %parallel_loop3A_48 = %parallel_loop3A_28 to %parallel_loop3A_29 step %parallel_loop3A_30  : i32 {
      %parallel_loop3A_49 = arith.constant 2 : i32
      %parallel_loop3A_50 = arith.divsi %parallel_loop3A_48, %parallel_loop3A_49 : i32
      %parallel_loop3A_51 = arith.constant 0 : i32
      %parallel_loop3A_52 = arith.cmpi sgt, %parallel_loop3A_48, %parallel_loop3A_51 : i32
      %parallel_loop3A_53 = arith.extui %parallel_loop3A_52 : i1 to i32
      %parallel_loop3A_54 = arith.constant 0 : i32
      %parallel_loop3A_55 = arith.cmpi slt, %parallel_loop3A_48, %parallel_loop3A_54 : i32
      %parallel_loop3A_56 = arith.extui %parallel_loop3A_55 : i1 to i32
      %parallel_loop3A_57 = arith.subi %parallel_loop3A_53, %parallel_loop3A_56 : i32
      %parallel_loop3A_58 = arith.constant 0 : i32
      %parallel_loop3A_59 = arith.cmpi sgt, %parallel_loop3A_49, %parallel_loop3A_58 : i32
      %parallel_loop3A_60 = arith.extui %parallel_loop3A_59 : i1 to i32
      %parallel_loop3A_61 = arith.constant 0 : i32
      %parallel_loop3A_62 = arith.cmpi slt, %parallel_loop3A_49, %parallel_loop3A_61 : i32
      %parallel_loop3A_63 = arith.extui %parallel_loop3A_62 : i1 to i32
      %parallel_loop3A_64 = arith.subi %parallel_loop3A_60, %parallel_loop3A_63 : i32
      %parallel_loop3A_65 = arith.cmpi ne, %parallel_loop3A_57, %parallel_loop3A_64 : i32
      %parallel_loop3A_66 = arith.remsi %parallel_loop3A_48, %parallel_loop3A_49 : i32
      %parallel_loop3A_67 = arith.constant 0 : i32
      %parallel_loop3A_68 = arith.cmpi ne, %parallel_loop3A_66, %parallel_loop3A_67 : i32
      %parallel_loop3A_69 = arith.andi %parallel_loop3A_65, %parallel_loop3A_68 : i1
      %parallel_loop3A_70 = arith.constant 1 : i32
      %parallel_loop3A_71 = arith.subi %parallel_loop3A_50, %parallel_loop3A_70 : i32
      %parallel_loop3A_72 = arith.select %parallel_loop3A_69, %parallel_loop3A_71, %parallel_loop3A_50 : i32
      %parallel_loop3A_73 = arith.constant 2 : i32
      %parallel_loop3A_74 = arith.constant 0 : i32
      %parallel_loop3A_75 = arith.cmpi eq, %parallel_loop3A_73, %parallel_loop3A_74 : i32
      %parallel_loop3A_76 = arith.constant 1 : i32
      %parallel_loop3A_77 = arith.select %parallel_loop3A_75, %parallel_loop3A_76, %parallel_loop3A_73 : i32
      %parallel_loop3A_78 = arith.remsi %parallel_loop3A_48, %parallel_loop3A_77 : i32
      %parallel_loop3A_79 = arith.constant 0 : i32
      %parallel_loop3A_80 = arith.cmpi ne, %parallel_loop3A_78, %parallel_loop3A_79 : i32
      %parallel_loop3A_81 = arith.constant 0 : i32
      %parallel_loop3A_82 = arith.cmpi slt, %parallel_loop3A_78, %parallel_loop3A_81 : i32
      %parallel_loop3A_83 = arith.constant 0 : i32
      %parallel_loop3A_84 = arith.cmpi slt, %parallel_loop3A_77, %parallel_loop3A_83 : i32
      %parallel_loop3A_85 = arith.xori %parallel_loop3A_82, %parallel_loop3A_84 : i1
      %parallel_loop3A_86 = arith.andi %parallel_loop3A_85, %parallel_loop3A_80 : i1
      %parallel_loop3A_87 = arith.addi %parallel_loop3A_78, %parallel_loop3A_77 : i32
      %parallel_loop3A_88 = arith.select %parallel_loop3A_86, %parallel_loop3A_87, %parallel_loop3A_78 : i32
      %parallel_loop3A_89 = arith.constant 256 : i32
      %parallel_loop3A_90 = arith.muli %parallel_loop3A_88, %parallel_loop3A_89 : i32
      %parallel_loop3A_91 = arith.constant 0 : i32
      %parallel_loop3A_92 = arith.addi %parallel_loop3A_90, %parallel_loop3A_91 : i32
      %parallel_loop3A_93 = arith.constant 512 : i32
      %parallel_loop3A_94 = arith.muli %parallel_loop3A_72, %parallel_loop3A_93 : i32
      %parallel_loop3A_95 = arith.addi %parallel_loop3A_94, %parallel_loop3A_92 : i32
      %parallel_loop3A_96 = arith.index_cast %parallel_loop3A_95 : i32 to index
      %parallel_loop3A_97 = tpu.vector_load %arg13[%parallel_loop3A_96] {strides = array<i32>} : memref<16384xf32, #tpu.memory_space<vmem>>, vector<16xf32>,
      %parallel_loop3A_98 = arith.index_cast %parallel_loop3A_72 : i32 to index
      %parallel_loop3A_99 = arith.index_cast %parallel_loop3A_92 : i32 to index
      %parallel_loop3A_100 = tpu.vector_load %arg14[%parallel_loop3A_98, %parallel_loop3A_99] {strides = array<i32>} : memref<32x512xf32, #tpu.memory_space<vmem>>, vector<16xf32>,
      tpu.vector_store %arg14[%parallel_loop3A_98, %parallel_loop3A_99], %parallel_loop3A_97 {strides = array<i32>} : memref<32x512xf32, #tpu.memory_space<vmem>>, vector<16xf32>,
      %parallel_loop3A_101 = arith.constant 16 : i32
      %parallel_loop3A_102 = arith.addi %parallel_loop3A_90, %parallel_loop3A_101 : i32
      %parallel_loop3A_103 = arith.constant 512 : i32
      %parallel_loop3A_104 = arith.muli %parallel_loop3A_72, %parallel_loop3A_103 : i32
      %parallel_loop3A_105 = arith.addi %parallel_loop3A_104, %parallel_loop3A_102 : i32
      %parallel_loop3A_106 = arith.index_cast %parallel_loop3A_105 : i32 to index
      %parallel_loop3A_107 = tpu.vector_load %arg13[%parallel_loop3A_106] {strides = array<i32>} : memref<16384xf32, #tpu.memory_space<vmem>>, vector<16xf32>,
      %parallel_loop3A_108 = arith.index_cast %parallel_loop3A_72 : i32 to index
      %parallel_loop3A_109 = arith.index_cast %parallel_loop3A_102 : i32 to index
      %parallel_loop3A_110 = tpu.vector_load %arg14[%parallel_loop3A_108, %parallel_loop3A_109] {strides = array<i32>} : memref<32x512xf32, #tpu.memory_space<vmem>>, vector<16xf32>,
      tpu.vector_store %arg14[%parallel_loop3A_108, %parallel_loop3A_109], %parallel_loop3A_107 {strides = array<i32>} : memref<32x512xf32, #tpu.memory_space<vmem>>, vector<16xf32>,
      %parallel_loop3A_111 = arith.constant 32 : i32
      %parallel_loop3A_112 = arith.addi %parallel_loop3A_90, %parallel_loop3A_111 : i32
      %parallel_loop3A_113 = arith.constant 512 : i32
      %parallel_loop3A_114 = arith.muli %parallel_loop3A_72, %parallel_loop3A_113 : i32
      %parallel_loop3A_115 = arith.addi %parallel_loop3A_114, %parallel_loop3A_112 : i32
      %parallel_loop3A_116 = arith.index_cast %parallel_loop3A_115 : i32 to index
      %parallel_loop3A_117 = tpu.vector_load %arg13[%parallel_loop3A_116] {strides = array<i32>} : memref<16384xf32, #tpu.memory_space<vmem>>, vector<16xf32>,
      %parallel_loop3A_118 = arith.index_cast %parallel_loop3A_72 : i32 to index
      %parallel_loop3A_119 = arith.index_cast %parallel_loop3A_112 : i32 to index
      %parallel_loop3A_120 = tpu.vector_load %arg14[%parallel_loop3A_118, %parallel_loop3A_119] {strides = array<i32>} : memref<32x512xf32, #tpu.memory_space<vmem>>, vector<16xf32>,
      tpu.vector_store %arg14[%parallel_loop3A_118, %parallel_loop3A_119], %parallel_loop3A_117 {strides = array<i32>} : memref<32x512xf32, #tpu.memory_space<vmem>>, vector<16xf32>,
      %parallel_loop3A_121 = arith.constant 48 : i32
      %parallel_loop3A_122 = arith.addi %parallel_loop3A_90, %parallel_loop3A_121 : i32
      %parallel_loop3A_123 = arith.constant 512 : i32
      %parallel_loop3A_124 = arith.muli %parallel_loop3A_72, %parallel_loop3A_123 : i32
      %parallel_loop3A_125 = arith.addi %parallel_loop3A_124, %parallel_loop3A_122 : i32
      %parallel_loop3A_126 = arith.index_cast %parallel_loop3A_125 : i32 to index
      %parallel_loop3A_127 = tpu.vector_load %arg13[%parallel_loop3A_126] {strides = array<i32>} : memref<16384xf32, #tpu.memory_space<vmem>>, vector<16xf32>,
      %parallel_loop3A_128 = arith.index_cast %parallel_loop3A_72 : i32 to index
      %parallel_loop3A_129 = arith.index_cast %parallel_loop3A_122 : i32 to index
      %parallel_loop3A_130 = tpu.vector_load %arg14[%parallel_loop3A_128, %parallel_loop3A_129] {strides = array<i32>} : memref<32x512xf32, #tpu.memory_space<vmem>>, vector<16xf32>,
      tpu.vector_store %arg14[%parallel_loop3A_128, %parallel_loop3A_129], %parallel_loop3A_127 {strides = array<i32>} : memref<32x512xf32, #tpu.memory_space<vmem>>, vector<16xf32>,
      %parallel_loop3A_131 = arith.constant 64 : i32
      %parallel_loop3A_132 = arith.addi %parallel_loop3A_90, %parallel_loop3A_131 : i32
      %parallel_loop3A_133 = arith.constant 512 : i32
      %parallel_loop3A_134 = arith.muli %parallel_loop3A_72, %parallel_loop3A_133 : i32
      %parallel_loop3A_135 = arith.addi %parallel_loop3A_134, %parallel_loop3A_132 : i32
      %parallel_loop3A_136 = arith.index_cast %parallel_loop3A_135 : i32 to index
      %parallel_loop3A_137 = tpu.vector_load %arg13[%parallel_loop3A_136] {strides = array<i32>} : memref<16384xf32, #tpu.memory_space<vmem>>, vector<16xf32>,
      %parallel_loop3A_138 = arith.index_cast %parallel_loop3A_72 : i32 to index
      %parallel_loop3A_139 = arith.index_cast %parallel_loop3A_132 : i32 to index
      %parallel_loop3A_140 = tpu.vector_load %arg14[%parallel_loop3A_138, %parallel_loop3A_139] {strides = array<i32>} : memref<32x512xf32, #tpu.memory_space<vmem>>, vector<16xf32>,
      tpu.vector_store %arg14[%parallel_loop3A_138, %parallel_loop3A_139], %parallel_loop3A_137 {strides = array<i32>} : memref<32x512xf32, #tpu.memory_space<vmem>>, vector<16xf32>,
      %parallel_loop3A_141 = arith.constant 80 : i32
      %parallel_loop3A_142 = arith.addi %parallel_loop3A_90, %parallel_loop3A_141 : i32
      %parallel_loop3A_143 = arith.constant 512 : i32
      %parallel_loop3A_144 = arith.muli %parallel_loop3A_72, %parallel_loop3A_143 : i32
      %parallel_loop3A_145 = arith.addi %parallel_loop3A_144, %parallel_loop3A_142 : i32
      %parallel_loop3A_146 = arith.index_cast %parallel_loop3A_145 : i32 to index
      %parallel_loop3A_147 = tpu.vector_load %arg13[%parallel_loop3A_146] {strides = array<i32>} : memref<16384xf32, #tpu.memory_space<vmem>>, vector<16xf32>,
      %parallel_loop3A_148 = arith.index_cast %parallel_loop3A_72 : i32 to index
      %parallel_loop3A_149 = arith.index_cast %parallel_loop3A_142 : i32 to index
      %parallel_loop3A_150 = tpu.vector_load %arg14[%parallel_loop3A_148, %parallel_loop3A_149] {strides = array<i32>} : memref<32x512xf32, #tpu.memory_space<vmem>>, vector<16xf32>,
      tpu.vector_store %arg14[%parallel_loop3A_148, %parallel_loop3A_149], %parallel_loop3A_147 {strides = array<i32>} : memref<32x512xf32, #tpu.memory_space<vmem>>, vector<16xf32>,
      %parallel_loop3A_151 = arith.constant 96 : i32
      %parallel_loop3A_152 = arith.addi %parallel_loop3A_90, %parallel_loop3A_151 : i32
      %parallel_loop3A_153 = arith.constant 512 : i32
      %parallel_loop3A_154 = arith.muli %parallel_loop3A_72, %parallel_loop3A_153 : i32
      %parallel_loop3A_155 = arith.addi %parallel_loop3A_154, %parallel_loop3A_152 : i32
      %parallel_loop3A_156 = arith.index_cast %parallel_loop3A_155 : i32 to index
      %parallel_loop3A_157 = tpu.vector_load %arg13[%parallel_loop3A_156] {strides = array<i32>} : memref<16384xf32, #tpu.memory_space<vmem>>, vector<16xf32>,
      %parallel_loop3A_158 = arith.index_cast %parallel_loop3A_72 : i32 to index
      %parallel_loop3A_159 = arith.index_cast %parallel_loop3A_152 : i32 to index
      %parallel_loop3A_160 = tpu.vector_load %arg14[%parallel_loop3A_158, %parallel_loop3A_159] {strides = array<i32>} : memref<32x512xf32, #tpu.memory_space<vmem>>, vector<16xf32>,
      tpu.vector_store %arg14[%parallel_loop3A_158, %parallel_loop3A_159], %parallel_loop3A_157 {strides = array<i32>} : memref<32x512xf32, #tpu.memory_space<vmem>>, vector<16xf32>,
      %parallel_loop3A_161 = arith.constant 112 : i32
      %parallel_loop3A_162 = arith.addi %parallel_loop3A_90, %parallel_loop3A_161 : i32
      %parallel_loop3A_163 = arith.constant 512 : i32
      %parallel_loop3A_164 = arith.muli %parallel_loop3A_72, %parallel_loop3A_163 : i32
      %parallel_loop3A_165 = arith.addi %parallel_loop3A_164, %parallel_loop3A_162 : i32
      %parallel_loop3A_166 = arith.index_cast %parallel_loop3A_165 : i32 to index
      %parallel_loop3A_167 = tpu.vector_load %arg13[%parallel_loop3A_166] {strides = array<i32>} : memref<16384xf32, #tpu.memory_space<vmem>>, vector<16xf32>,
      %parallel_loop3A_168 = arith.index_cast %parallel_loop3A_72 : i32 to index
      %parallel_loop3A_169 = arith.index_cast %parallel_loop3A_162 : i32 to index
      %parallel_loop3A_170 = tpu.vector_load %arg14[%parallel_loop3A_168, %parallel_loop3A_169] {strides = array<i32>} : memref<32x512xf32, #tpu.memory_space<vmem>>, vector<16xf32>,
      tpu.vector_store %arg14[%parallel_loop3A_168, %parallel_loop3A_169], %parallel_loop3A_167 {strides = array<i32>} : memref<32x512xf32, #tpu.memory_space<vmem>>, vector<16xf32>,
      %parallel_loop3A_171 = arith.constant 128 : i32
      %parallel_loop3A_172 = arith.addi %parallel_loop3A_90, %parallel_loop3A_171 : i32
      %parallel_loop3A_173 = arith.constant 512 : i32
      %parallel_loop3A_174 = arith.muli %parallel_loop3A_72, %parallel_loop3A_173 : i32
      %parallel_loop3A_175 = arith.addi %parallel_loop3A_174, %parallel_loop3A_172 : i32
      %parallel_loop3A_176 = arith.index_cast %parallel_loop3A_175 : i32 to index
      %parallel_loop3A_177 = tpu.vector_load %arg13[%parallel_loop3A_176] {strides = array<i32>} : memref<16384xf32, #tpu.memory_space<vmem>>, vector<16xf32>,
      %parallel_loop3A_178 = arith.index_cast %parallel_loop3A_72 : i32 to index
      %parallel_loop3A_179 = arith.index_cast %parallel_loop3A_172 : i32 to index
      %parallel_loop3A_180 = tpu.vector_load %arg14[%parallel_loop3A_178, %parallel_loop3A_179] {strides = array<i32>} : memref<32x512xf32, #tpu.memory_space<vmem>>, vector<16xf32>,
      tpu.vector_store %arg14[%parallel_loop3A_178, %parallel_loop3A_179], %parallel_loop3A_177 {strides = array<i32>} : memref<32x512xf32, #tpu.memory_space<vmem>>, vector<16xf32>,
      %parallel_loop3A_181 = arith.constant 144 : i32
      %parallel_loop3A_182 = arith.addi %parallel_loop3A_90, %parallel_loop3A_181 : i32
      %parallel_loop3A_183 = arith.constant 512 : i32
      %parallel_loop3A_184 = arith.muli %parallel_loop3A_72, %parallel_loop3A_183 : i32
      %parallel_loop3A_185 = arith.addi %parallel_loop3A_184, %parallel_loop3A_182 : i32
      %parallel_loop3A_186 = arith.index_cast %parallel_loop3A_185 : i32 to index
      %parallel_loop3A_187 = tpu.vector_load %arg13[%parallel_loop3A_186] {strides = array<i32>} : memref<16384xf32, #tpu.memory_space<vmem>>, vector<16xf32>,
      %parallel_loop3A_188 = arith.index_cast %parallel_loop3A_72 : i32 to index
      %parallel_loop3A_189 = arith.index_cast %parallel_loop3A_182 : i32 to index
      %parallel_loop3A_190 = tpu.vector_load %arg14[%parallel_loop3A_188, %parallel_loop3A_189] {strides = array<i32>} : memref<32x512xf32, #tpu.memory_space<vmem>>, vector<16xf32>,
      tpu.vector_store %arg14[%parallel_loop3A_188, %parallel_loop3A_189], %parallel_loop3A_187 {strides = array<i32>} : memref<32x512xf32, #tpu.memory_space<vmem>>, vector<16xf32>,
      %parallel_loop3A_191 = arith.constant 160 : i32
      %parallel_loop3A_192 = arith.addi %parallel_loop3A_90, %parallel_loop3A_191 : i32
      %parallel_loop3A_193 = arith.constant 512 : i32
      %parallel_loop3A_194 = arith.muli %parallel_loop3A_72, %parallel_loop3A_193 : i32
      %parallel_loop3A_195 = arith.addi %parallel_loop3A_194, %parallel_loop3A_192 : i32
      %parallel_loop3A_196 = arith.index_cast %parallel_loop3A_195 : i32 to index
      %parallel_loop3A_197 = tpu.vector_load %arg13[%parallel_loop3A_196] {strides = array<i32>} : memref<16384xf32, #tpu.memory_space<vmem>>, vector<16xf32>,
      %parallel_loop3A_198 = arith.index_cast %parallel_loop3A_72 : i32 to index
      %parallel_loop3A_199 = arith.index_cast %parallel_loop3A_192 : i32 to index
      %parallel_loop3A_200 = tpu.vector_load %arg14[%parallel_loop3A_198, %parallel_loop3A_199] {strides = array<i32>} : memref<32x512xf32, #tpu.memory_space<vmem>>, vector<16xf32>,
      tpu.vector_store %arg14[%parallel_loop3A_198, %parallel_loop3A_199], %parallel_loop3A_197 {strides = array<i32>} : memref<32x512xf32, #tpu.memory_space<vmem>>, vector<16xf32>,
      %parallel_loop3A_201 = arith.constant 176 : i32
      %parallel_loop3A_202 = arith.addi %parallel_loop3A_90, %parallel_loop3A_201 : i32
      %parallel_loop3A_203 = arith.constant 512 : i32
      %parallel_loop3A_204 = arith.muli %parallel_loop3A_72, %parallel_loop3A_203 : i32
      %parallel_loop3A_205 = arith.addi %parallel_loop3A_204, %parallel_loop3A_202 : i32
      %parallel_loop3A_206 = arith.index_cast %parallel_loop3A_205 : i32 to index
      %parallel_loop3A_207 = tpu.vector_load %arg13[%parallel_loop3A_206] {strides = array<i32>} : memref<16384xf32, #tpu.memory_space<vmem>>, vector<16xf32>,
      %parallel_loop3A_208 = arith.index_cast %parallel_loop3A_72 : i32 to index
      %parallel_loop3A_209 = arith.index_cast %parallel_loop3A_202 : i32 to index
      %parallel_loop3A_210 = tpu.vector_load %arg14[%parallel_loop3A_208, %parallel_loop3A_209] {strides = array<i32>} : memref<32x512xf32, #tpu.memory_space<vmem>>, vector<16xf32>,
      tpu.vector_store %arg14[%parallel_loop3A_208, %parallel_loop3A_209], %parallel_loop3A_207 {strides = array<i32>} : memref<32x512xf32, #tpu.memory_space<vmem>>, vector<16xf32>,
      %parallel_loop3A_211 = arith.constant 192 : i32
      %parallel_loop3A_212 = arith.addi %parallel_loop3A_90, %parallel_loop3A_211 : i32
      %parallel_loop3A_213 = arith.constant 512 : i32
      %parallel_loop3A_214 = arith.muli %parallel_loop3A_72, %parallel_loop3A_213 : i32
      %parallel_loop3A_215 = arith.addi %parallel_loop3A_214, %parallel_loop3A_212 : i32
      %parallel_loop3A_216 = arith.index_cast %parallel_loop3A_215 : i32 to index
      %parallel_loop3A_217 = tpu.vector_load %arg13[%parallel_loop3A_216] {strides = array<i32>} : memref<16384xf32, #tpu.memory_space<vmem>>, vector<16xf32>,
      %parallel_loop3A_218 = arith.index_cast %parallel_loop3A_72 : i32 to index
      %parallel_loop3A_219 = arith.index_cast %parallel_loop3A_212 : i32 to index
      %parallel_loop3A_220 = tpu.vector_load %arg14[%parallel_loop3A_218, %parallel_loop3A_219] {strides = array<i32>} : memref<32x512xf32, #tpu.memory_space<vmem>>, vector<16xf32>,
      tpu.vector_store %arg14[%parallel_loop3A_218, %parallel_loop3A_219], %parallel_loop3A_217 {strides = array<i32>} : memref<32x512xf32, #tpu.memory_space<vmem>>, vector<16xf32>,
      %parallel_loop3A_221 = arith.constant 208 : i32
      %parallel_loop3A_222 = arith.addi %parallel_loop3A_90, %parallel_loop3A_221 : i32
      %parallel_loop3A_223 = arith.constant 512 : i32
      %parallel_loop3A_224 = arith.muli %parallel_loop3A_72, %parallel_loop3A_223 : i32
      %parallel_loop3A_225 = arith.addi %parallel_loop3A_224, %parallel_loop3A_222 : i32
      %parallel_loop3A_226 = arith.index_cast %parallel_loop3A_225 : i32 to index
      %parallel_loop3A_227 = tpu.vector_load %arg13[%parallel_loop3A_226] {strides = array<i32>} : memref<16384xf32, #tpu.memory_space<vmem>>, vector<16xf32>,
      %parallel_loop3A_228 = arith.index_cast %parallel_loop3A_72 : i32 to index
      %parallel_loop3A_229 = arith.index_cast %parallel_loop3A_222 : i32 to index
      %parallel_loop3A_230 = tpu.vector_load %arg14[%parallel_loop3A_228, %parallel_loop3A_229] {strides = array<i32>} : memref<32x512xf32, #tpu.memory_space<vmem>>, vector<16xf32>,
      tpu.vector_store %arg14[%parallel_loop3A_228, %parallel_loop3A_229], %parallel_loop3A_227 {strides = array<i32>} : memref<32x512xf32, #tpu.memory_space<vmem>>, vector<16xf32>,
      %parallel_loop3A_231 = arith.constant 224 : i32
      %parallel_loop3A_232 = arith.addi %parallel_loop3A_90, %parallel_loop3A_231 : i32
      %parallel_loop3A_233 = arith.constant 512 : i32
      %parallel_loop3A_234 = arith.muli %parallel_loop3A_72, %parallel_loop3A_233 : i32
      %parallel_loop3A_235 = arith.addi %parallel_loop3A_234, %parallel_loop3A_232 : i32
      %parallel_loop3A_236 = arith.index_cast %parallel_loop3A_235 : i32 to index
      %parallel_loop3A_237 = tpu.vector_load %arg13[%parallel_loop3A_236] {strides = array<i32>} : memref<16384xf32, #tpu.memory_space<vmem>>, vector<16xf32>,
      %parallel_loop3A_238 = arith.index_cast %parallel_loop3A_72 : i32 to index
      %parallel_loop3A_239 = arith.index_cast %parallel_loop3A_232 : i32 to index
      %parallel_loop3A_240 = tpu.vector_load %arg14[%parallel_loop3A_238, %parallel_loop3A_239] {strides = array<i32>} : memref<32x512xf32, #tpu.memory_space<vmem>>, vector<16xf32>,
      tpu.vector_store %arg14[%parallel_loop3A_238, %parallel_loop3A_239], %parallel_loop3A_237 {strides = array<i32>} : memref<32x512xf32, #tpu.memory_space<vmem>>, vector<16xf32>,
      %parallel_loop3A_241 = arith.constant 240 : i32
      %parallel_loop3A_242 = arith.addi %parallel_loop3A_90, %parallel_loop3A_241 : i32
      %parallel_loop3A_243 = arith.constant 512 : i32
      %parallel_loop3A_244 = arith.muli %parallel_loop3A_72, %parallel_loop3A_243 : i32
      %parallel_loop3A_245 = arith.addi %parallel_loop3A_244, %parallel_loop3A_242 : i32
      %parallel_loop3A_246 = arith.index_cast %parallel_loop3A_245 : i32 to index
      %parallel_loop3A_247 = tpu.vector_load %arg13[%parallel_loop3A_246] {strides = array<i32>} : memref<16384xf32, #tpu.memory_space<vmem>>, vector<16xf32>,
      %parallel_loop3A_248 = arith.index_cast %parallel_loop3A_72 : i32 to index
      %parallel_loop3A_249 = arith.index_cast %parallel_loop3A_242 : i32 to index
      %parallel_loop3A_250 = tpu.vector_load %arg14[%parallel_loop3A_248, %parallel_loop3A_249] {strides = array<i32>} : memref<32x512xf32, #tpu.memory_space<vmem>>, vector<16xf32>,
      tpu.vector_store %arg14[%parallel_loop3A_248, %parallel_loop3A_249], %parallel_loop3A_247 {strides = array<i32>} : memref<32x512xf32, #tpu.memory_space<vmem>>, vector<16xf32>,
    } {sc.loop_unroll_factor = 1 : i64, sc.parallel_access}
    %dma_start3A_31 = arith.constant 0 : i32
    %dma_start3A_32 = tpu.memref_slice %arg7[%dma_start3A_31, %mul3A_2] : memref<65x16384xf32, #tpu.memory_space<hbm>> -> memref<32x512xf32, #tpu.memory_space<hbm>>
    %dma_start3A_33 = arith.constant 0 : i32
    %dma_start3A_34 = tpu.memref_slice %arg7[%dma_start3A_33, %mul3A_2] : memref<65x16384xf32, #tpu.memory_space<hbm>> -> memref<32x512xf32, #tpu.memory_space<hbm>>
    tpu.enqueue_dma source(%arg14 : memref<32x512xf32, #tpu.memory_space<vmem>>) target(%dma_start3A_34 : memref<32x512xf32, #tpu.memory_space<hbm>>) target_semaphore(%arg20 : memref<!tpu.dma_semaphore, #tpu.memory_space<semaphore_mem>>)
    %dma_wait3A_35 = arith.constant 0 : i32
    %dma_wait3A_36 = tpu.memref_slice %arg7[%dma_wait3A_35, %mul3A_2] : memref<65x16384xf32, #tpu.memory_space<hbm>> -> memref<32x512xf32, #tpu.memory_space<hbm>>
    %dma_wait3A_37 = arith.constant 0 : i32
    %dma_wait3A_38 = tpu.memref_slice %arg7[%dma_wait3A_37, %mul3A_2] : memref<65x16384xf32, #tpu.memory_space<hbm>> -> memref<32x512xf32, #tpu.memory_space<hbm>>
    tpu.wait_dma2 semaphore(%arg20 : memref<!tpu.dma_semaphore, #tpu.memory_space<semaphore_mem>>) src(%arg14 : memref<32x512xf32, #tpu.memory_space<vmem>>) dst(%dma_wait3A_38 : memref<32x512xf32, #tpu.memory_space<hbm>>)
    %dma_wait3A_39 = arith.constant 32 : i32
    %dma_wait3A_40 = tpu.memref_slice %arg7[%dma_wait3A_39, %mul3A_2] : memref<65x16384xf32, #tpu.memory_space<hbm>> -> memref<32x512xf32, #tpu.memory_space<hbm>>
    %dma_wait3A_41 = arith.constant 32 : i32
    %dma_wait3A_42 = tpu.memref_slice %arg7[%dma_wait3A_41, %mul3A_2] : memref<65x16384xf32, #tpu.memory_space<hbm>> -> memref<32x512xf32, #tpu.memory_space<hbm>>
    tpu.wait_dma2 semaphore(%arg21 : memref<!tpu.dma_semaphore, #tpu.memory_space<semaphore_mem>>) src(%arg16 : memref<32x512xf32, #tpu.memory_space<vmem>>) dst(%dma_wait3A_42 : memref<32x512xf32, #tpu.memory_space<hbm>>)
    %dma_wait3A_43 = arith.constant 64 : i32
    %dma_wait3A_44 = tpu.memref_slice %arg7[%dma_wait3A_43, %mul3A_2] : memref<65x16384xf32, #tpu.memory_space<hbm>> -> memref<1x512xf32, #tpu.memory_space<hbm>>
    %dma_wait3A_45 = tpu.memref_squeeze %dma_wait3A_44 : memref<1x512xf32, #tpu.memory_space<hbm>> -> memref<512xf32, #tpu.memory_space<hbm>>
    %dma_wait3A_46 = tpu.memref_slice %arg7[%dma_wait3A_43, %mul3A_2] : memref<65x16384xf32, #tpu.memory_space<hbm>> -> memref<1x512xf32, #tpu.memory_space<hbm>>
    %dma_wait3A_47 = tpu.memref_squeeze %dma_wait3A_46 : memref<1x512xf32, #tpu.memory_space<hbm>> -> memref<512xf32, #tpu.memory_space<hbm>>
    tpu.wait_dma2 semaphore(%arg22 : memref<!tpu.dma_semaphore, #tpu.memory_space<semaphore_mem>>) src(%arg11 : memref<512xf32, #tpu.memory_space<vmem>>) dst(%dma_wait3A_47 : memref<512xf32, #tpu.memory_space<hbm>>)
    return
  }
}

</mosaic_0001>

<sc_bundles>
// kernel: kernel.3.cloned.1.call-start
scs
__scs_entry_jumppad:
0x0: {  	(pc) =	sbr.rel $0x88, $3  }
0x1: {  	(tag) =	ssettag $0x0;
	lr =	simm.s32 $0x1  }
0x2: {  	[smem:$0x3F9C] =	sst lr;
	_ =	strace $0xD0000000  }
0x3: {  	_ = 	snop  }
0x4: {  	_ = 	snop  }
0x5: {  	_ = 	snop  }
0x6: {  	_ = 	snop  }
0x7: {  	_ = 	snop  }
__scs_overlays_trampoline_lowered:
0x8: {  	[smem:$0x3FAB] =	sst s0  }
0x9: {  	[smem:$0x3FAC] =	sst s1  }
0xa: {  	[smem:$0x3FAD] =	sst s2  }
0xb: {  	[smem:$0x3FAE] =	sst s3  }
0xc: {  	[smem:$0x3FAF] =	sst s4  }
0xd: {  	[smem:$0x3FB0] =	sst s5  }
0xe: {  	[smem:$0x3FB1] =	sst s6  }
0xf: {  	[smem:$0x3FB2] =	sst s7  }
0x10: {  	[smem:$0x3FB3] =	sst s8  }
0x11: {  	[smem:$0x3FB4] =	sst s9;
	s0 =	simm.s32 @!p0 $0x0  }
0x12: {  	s1 =	sld [smem:$0x3F9A];
	s0 =	simm.s32 @p0 $0x1  }
0x13: {  	[smem:$0x3FB5] =	sst s0;
	s0 =	simm.s32 @!p1 $0x0  }
0x14: {  	s2 =	sld [smem:$0x3F99];
	s0 =	simm.s32 @p1 $0x1  }
0x15: {  	[smem:$0x3FB6] =	sst s0;
	s0 =	simm.s32 @!p2 $0x0  }
0x16: {  	s3 =	sld [smem:$0x3FDB];
	s0 =	simm.s32 @p2 $0x1  }
0x17: {  	s4 =	simm.s32 $0x1BF5;
	[smem:$0x3FB8] =	sst s0  }
0x18: {  	s0 =	sld [smem:$0x3F9B];
	_ =	swait.ge [sflag:s4], $0x0  }
0x19: {  	s7 =	sld [smem:$0x3F9C]  }
0x1a: {  	s8 =	sadd.s32 $0xFFFFE003, lr  }
0x1b: {  	s9 =	sadd.s32 $0xFFFFFEF7, lr;
	s5 =	simm.s32 $0xFFFFFFFF;
	p2 =	slt.u32 s8, $0xFFFFF086  }
0x1c: {  	p1 =	slt.u32 s9, $0xF7A;
	s5 =	simm.s32 @!p2 $0x0  }
0x1d: {  	s5 =	simm.s32 @p1 $0x1;
	p0 =	seq.s32 s7, s2  }
0x1e: {  	s7 =	smul.u32 @!p0 $0xF7A, s2;
	p2 =	seq.s32 @!p0 s5, $0x0  }
0x1f: {  	s9 =	smul.u32 $0xF7A, s1;
	s8 =	simm.s32 @!p0 $0x1BF5;
	p2 =	por !p2, p0  }
0x20: {  	[sflag:s8] =	ssyncset.s32 @!p0 $0xFFFFF086;
	s6 =	sadd.s32 @!p0 s3, s7;
	s7 =	simm.s32 @!p0 $0x108  }
0x21: {  	s3 =	sadd.s32 s3, s9;
	s6 =	sadd.s32 @!p0 $0x88, s6;
	s7 =	simm.s32 @p2 $0x1082  }
0x22: {  	[simem:s7], [sflag:s8] =	dma.local @!p0 [hbm:s6], $0xF7A  }
0x23: {  	s9 =	sor.u32 $0xD0000000, s2;
	s6 =	simm.s32 $0x108;
	_ =	swait.ge @!p0 [sflag:s8], $0x0  }
0x24: {  	s3 =	sadd.s32 $0x88, s3;
	s6 =	simm.s32 @!p1 $0x1082;
	[sflag:s4] =	ssyncset.s32 $0xFFFFF086  }
0x25: {  	[simem:s6], [sflag:s4] =	dma.local [hbm:s3], $0xF7A  }
0x26: {  	[smem:$0x3F9C] =	sst s1;
	(tag) =	ssettag s2;
	_ =	strace s9  }
0x27: {  	s1 =	sld [smem:$0x3FAC]  }
0x28: {  	s2 =	sld [smem:$0x3FAD]  }
0x29: {  	s4 =	sld [smem:$0x3FAF]  }
0x2a: {  	p0 =	seq.s32 s5, $0x0;
	s5 =	sld [smem:$0x3FB0]  }
0x2b: {  	s6 =	sld [smem:$0x3FB1]  }
0x2c: {  	s7 =	sld [smem:$0x3FB2]  }
0x2d: {  	s3 =	simm.s32 $0x108;
	s8 =	sld [smem:$0x3FB3]  }
0x2e: {  	s3 =	simm.s32 @!p0 $0x1082;
	s9 =	sld [smem:$0x3FB4]  }
0x2f: {  	lr =	sadd.s32 s0, s3;
	s0 =	sld [smem:$0x3FAB]  }
0x30: {  	s3 =	sld [smem:$0x3FAE]  }
0x31: {  	[smem:$0x3FB7] =	sst s10  }
0x32: {  	s10 =	sld [smem:$0x3FB5];
	_ =	sdelay $0x3  }
0x33: {  	p0 =	seq.s32 s10, $0x1;
	s10 =	sld [smem:$0x3FB7];
	_ =	sdelay $0x3  }
0x34: {  	[smem:$0x3FB7] =	sst s10  }
0x35: {  	s10 =	sld [smem:$0x3FB6];
	_ =	sdelay $0x3  }
0x36: {  	p1 =	seq.s32 s10, $0x1;
	s10 =	sld [smem:$0x3FB7];
	_ =	sdelay $0x3  }
0x37: {  	[smem:$0x3FB7] =	sst s10  }
0x38: {  	s10 =	sld [smem:$0x3FB8]  }
0x39: {  	_ = 	snop;
	(pc) =	sbr.ind lr, $3  }
0x3a: {  	_ = 	snop  }
0x3b: {  	_ = 	snop  }
0x3c: {  	p2 =	seq.s32 s10, $0x1;
	s10 =	sld [smem:$0x3FB7]  }
0x3d: {  	_ =	shalt  }
0x3e: {  	_ =	shalt  }
0x3f: {  	_ =	shalt  }
0x40: {  	_ =	shalt  }
0x41: {  	_ =	shalt  }
0x42: {  	_ =	shalt  }
0x43: {  	_ =	shalt  }
0x44: {  	_ =	shalt  }
0x45: {  	_ =	shalt  }
0x46: {  	_ =	shalt  }
0x47: {  	_ =	shalt  }
0x48: {  	_ =	shalt  }
0x49: {  	_ =	shalt  }
0x4a: {  	_ =	shalt  }
0x4b: {  	_ =	shalt  }
0x4c: {  	_ =	shalt  }
0x4d: {  	_ =	shalt  }
0x4e: {  	_ =	shalt  }
0x4f: {  	_ =	shalt  }
0x50: {  	_ =	shalt  }
0x51: {  	_ =	shalt  }
0x52: {  	_ =	shalt  }
0x53: {  	_ =	shalt  }
0x54: {  	_ =	shalt  }
0x55: {  	_ =	shalt  }
0x56: {  	_ =	shalt  }
0x57: {  	_ =	shalt  }
0x58: {  	_ =	shalt  }
0x59: {  	_ =	shalt  }
0x5a: {  	_ =	shalt  }
0x5b: {  	_ =	shalt  }
0x5c: {  	_ =	shalt  }
0x5d: {  	_ =	shalt  }
0x5e: {  	_ =	shalt  }
0x5f: {  	_ =	shalt  }
0x60: {  	_ =	shalt  }
0x61: {  	_ =	shalt  }
0x62: {  	_ =	shalt  }
0x63: {  	_ =	shalt  }
0x64: {  	_ =	shalt  }
0x65: {  	_ =	shalt  }
0x66: {  	_ =	shalt  }
0x67: {  	_ =	shalt  }
0x68: {  	_ =	shalt  }
0x69: {  	_ =	shalt  }
0x6a: {  	_ =	shalt  }
0x6b: {  	_ =	shalt  }
0x6c: {  	_ =	shalt  }
0x6d: {  	_ =	shalt  }
0x6e: {  	_ =	shalt  }
0x6f: {  	_ =	shalt  }
0x70: {  	_ =	shalt  }
0x71: {  	_ =	shalt  }
0x72: {  	_ =	shalt  }
0x73: {  	_ =	shalt  }
0x74: {  	_ =	shalt  }
0x75: {  	_ =	shalt  }
0x76: {  	_ =	shalt  }
0x77: {  	_ =	shalt  }
0x78: {  	_ =	shalt  }
0x79: {  	_ =	shalt  }
0x7a: {  	_ =	shalt  }
0x7b: {  	_ =	shalt  }
0x7c: {  	_ =	shalt  }
0x7d: {  	_ =	shalt  }
0x7e: {  	_ =	shalt  }
0x7f: {  	_ =	shalt  }
0x80: {  	_ =	shalt  }
0x81: {  	_ =	shalt  }
0x82: {  	_ =	shalt  }
0x83: {  	_ =	shalt  }
0x84: {  	_ =	shalt  }
0x85: {  	_ =	shalt  }
0x86: {  	_ =	shalt  }
0x87: {  	_ =	shalt  }
.Lfunc_end0:
.L_simem_size_0:
called_computation_lowered:
.L_overlay_start_0:
0x88: {  	s2 =	sld [smem:$0x3FD9]  }
0x89: {  	s3 =	sld [smem:$0x3FFE];
	_ =	sdelay $0x1  }
0x8a: {  	s1 =	srdreg.scid  }
0x8b: {  	s0 =	sand.u32 $0x1, s1  }
0x8c: {  	s17 =	sshll.u32 s0, $0xA;
	s2 =	sadd.s32 s3, s2  }
0x8d: {  	s2 =	sadd.s32 s2, s17  }
0x8e: {  	[smem:$0x3FC3] =	sst s2  }
0x8f: {  	_ = 	snop  }
0x90: {  	s2 =	sld [smem:$0x3FC9]  }
0x91: {  	s18 =	sld [smem:$0x3FC8]  }
0x92: {  	s4 =	sld [smem:$0x3FC5]  }
0x93: {  	s5 =	sld [smem:$0x3FD0];
	(tm) =	ssettm $0x1  }
0x94: {  	s6 =	sld [smem:$0x3FFB];
	_ =	sdelay $0x3  }
0x95: {  	_ =	strace s6  }
0x96: {  	s6 =	sld [smem:$0x3FFC];
	_ =	sdelay $0x3  }
0x97: {  	_ =	strace s6  }
0x98: {  	s6 =	sld [smem:$0x3FFD];
	_ =	sdelay $0x3  }
0x99: {  	_ =	strace s6  }
0x9a: {  	_ =	strace $0x8FFFFFFF  }
0x9b: {  	s19 =	sld [smem:$0x3FDB];
	_ =	sdelay $0x1  }
0x9c: {  	s7 =	simm.s32 $_scs_section_size  }
0x9d: {  	s8 =	simm.s32 $_size__tile_overlayer_lowered;
	s9 =	simm.s32 $_tile_overlayer_lowered  }
0x9e: {  	s22 =	simm.s32 $0x1BFF;
	s21 =	sshll.u32 s9, $0x1;
	s6 =	sadd.s32 s7, s19  }
0x9f: {  	s10 =	simm.s32 $0x0;
	s20 =	sshll.u32 s8, $0x1;
	s8 =	sadd.s32 s21, s6  }
0xa0: {  	[timem:s10], [sflag:s22] =	dma.local [hbm:s8], s20  }
0xa1: {  	_ =	swait.ge [sflag:s22], s20  }
0xa2: {  	s7 =	ssub.s32 $0x0, s20;
	[sflag:s22] =	ssyncset.done $0x0  }
0xa3: {  	[sflag:s22] =	ssyncadd.s32 s7;
	_ =	sdelay $0x1  }
0xa4: {  	s23 =	simm.s32 $0x1B8B  }
0xa5: {  	_ =	swait.ge [sflag:s23], $0x1  }
0xa6: {  	[sflag:s23] =	ssyncset.done $0x0  }
0xa7: {  	s25 =	simm.s32 $0x1B8E;
	s24 =	sld [smem:$0x3FFE];
	[sflag:s23] =	ssyncadd.s32 $0xFFFFFFFF  }
0xa8: {  	s26 =	simm.s32 $execute0_lowered;
	[smem:$0x3FD2] =	sst s25  }
0xa9: {  	s8 =	sshll.u32 s26, $0x1;
	_ =	strace $0x80000046;
	[dreg:$0x1] =	wrdreg $0xFFFFFFFF  }
0xaa: {  	s28 =	simm.s32 $_size_execute0_lowered;
	s6 =	sadd.s32 s6, s8;
	[dreg:$0x0] =	wrdreg $0x0  }
0xab: {  	s8 =	sshll.u32 s28, $0x1;
	[dreg:$0x2] =	wrdreg s6  }
0xac: {  	[dreg:$0x3] =	wrdreg s8  }
0xad: {  	[dreg:$0x4] =	wrdreg $0xC0  }
0xae: {  	_ =	task [dreg:s10], $0x5FFFF  }
0xaf: {  	[dreg:$0x1] =	wrdreg $0xFFFFFFFF  }
0xb0: {  	[dreg:$0x0] =	wrdreg $0x60  }
0xb1: {  	[dreg:$0x2] =	wrdreg s2  }
0xb2: {  	[dreg:$0x3] =	wrdreg s18  }
0xb3: {  	[dreg:$0x4] =	wrdreg s24  }
0xb4: {  	[dreg:$0x5] =	wrdreg s5  }
0xb5: {  	[dreg:$0x6] =	wrdreg s4  }
0xb6: {  	[dreg:$0x7] =	wrdreg $0x9  }
0xb7: {  	_ =	task.clear_ibuf [dreg:s10], $0x8FFFF;
	_ =	strace $0x90000046  }
0xb8: {  	s29 =	simm.s32 $0x9;
	_ =	strace $0x80000048  }
0xb9: {  	_ =	swait.ge [sflag:s29], $0x1  }
0xba: {  	[sflag:s29] =	ssyncadd.s32 $0xFFFFFFFF  }
0xbb: {  	_ =	strace $0x90000048  }
0xbc: {  	_ =	sfence  }
0xbd: {  	s30 =	sld [smem:$0x0];
	_ =	sdelay $0x2  }
0xbe: {  	s31 =	sshll.u32 s1, $0xD;
	s1 =	sshrl.u32 s1, $0x2  }
0xbf: {  	s3 =	sand.u32 $0x4000, s31;
	s1 =	sadd.s32 s1, s30  }
0xc0: {  	s0 =	sor.u32 s3, s0;
	s1 =	sshll.u32 s1, $0x11  }
0xc1: {  	s0 =	sor.u32 s1, s0  }
0xc2: {  	s0 =	sadd.s32 $0x8F2B, s0  }
0xc3: {  	[sflag:s0] =	ssyncadd.remote.s32 $0x1  }
0xc4: {  	_ =	sfence.sel $0xFFFF  }
0xc5: {  	[dreg:$0x0] =	wrdreg $0xFFFFFFFF;
	(pc) =	sbr.abs _section_cstart, $3  }
0xc6: {  	[dreg:$0x1] =	wrdreg $0xFFFFFFFF  }
0xc7: {  	_ =	task.clear_ibuf [dreg:s10], $0x2FFFF;
	_ =	strace $0x9FFFFFFF  }
0xc8: {  	(tm) =	ssettm $0x7FFFFFFF  }
0xc9: {  	_ =	shalt  }
tec
execute0_lowered:
.L_overlay_start_1:
0x0: {  	(tag) =	ssettag $0x1  }
0x1: {  	s0 =	rddreg [dreg:$0x0]  }
0x2: {  	s1 =	rddreg [dreg:$0x1]  }
0x3: {  	s2 =	rddreg [dreg:$0x2];
	s3 =	srdreg.scid  }
0x4: {  	s5 =	simm.s32 $0x0;
	s4 =	stileid.u32;
	s12 =	simm.s32 $0x6  }
0x5: {  	s6 =	simm.s32 $0x4000;
	s16 =	simm.s32 $0x200;
	s3 =	sand.u32 $0x1, s3  }
0x6: {  	s17 =	simm.s32 $0x14800;
	s4 =	sshll.u32 s4, $0x7;
	s21 =	sshll.u32 s3, $0x6  }
0x7: {  	[smem:$0x7FF] =	sst s5;
	s22 =	sadd.s32 $0x400, s2;
	s4 =	sor.u32 s21, s4  }
0x8: {  	_ =	strace $0x80000047;
	[dreg:$0x6] =	wrdreg s22;
	s0 =	sadd.s32 s0, s4  }
0x9: {  	s2 =	sadd.s32 s4, s2;
	s24 =	sadd.s32 s1, s4;
	[dreg:$0x7] =	wrdreg s0  }
0xa: {  	v0 =	vimm.s32 $0x1F4;
	s3 =	ssub.s32 $0x2, s3;
	[dreg:$0x8] =	wrdreg s24;
	s25 =	sadd.s32 $0x82000, s2  }
0xb: {  	s23 =	sshrl.u32 s3, $0x1;
	s26 =	sadd.s32 $0x72000, s2;
	[dreg:$0x9] =	wrdreg s25  }
0xc: {  	s3 =	ssub.s32 s3, s23;
	s30 =	sadd.s32 $0x62000, s2;
	[dreg:$0xa] =	wrdreg s26  }
0xd: {  	s19 =	simm.s32 $0xC800;
	v3 =	vlaneseq.u32;
	s31 =	smax.u32 s3, $0x1;
	[dreg:$0xb] =	wrdreg s30  }
0xe: {  	v1 =	vimm.s32 $0x0;
	v2 =	vimm.s32 $0xFA;
	s28 =	simm.s32 $0x5;
	s29 =	simm.s32 $0x0;
	v3 =	vmul.u32 $0x20, v3;
	[dreg:$0xc] =	wrdreg s31  }
.LBB2_1:
0xf: {  	s0 =	simm.s32 $0x0;
	s1 =	rddreg [dreg:$0x7]  }
0x10: {  	[tilespmem:s0], [sflag:$0x6] =	stream.linear.gather [hbm4b:s1+s0], $0x200, $0x38;
	[tilespmem:$0x14BE8] =	vst v63  }
0x11: {  	_ =	swait.ge [sflag:s12], $0x200  }
0x12: {  	[sflag:s12] =	ssyncset.done $0x0  }
0x13: {  	s0 =	simm.s32 $0x0;
	[sflag:s12] =	ssyncadd.s32 $0xFFFFFE00  }
0x14: {  	v9 =	vld [tilespmem:s0+$0x0];
	_ =	sdelay $0x4  }
0x15: {  	[tilespmem:s0+$0x800] =	vst v9;
	v4 =	vadd.s32 $0x2F4D7F, v9  }
0x16: {  	v5 =	vadd.s32 $0x2DC6DE, v9;
	[tilespmem:s0+$0x4600] =	vst v4  }
0x17: {  	v6 =	vadd.s32 $0x927C6, v9;
	[tilespmem:s0+$0x4400] =	vst v5  }
0x18: {  	v7 =	vadd.s32 $0xAAE67, v9;
	[tilespmem:s0+$0x1400] =	vst v6  }
0x19: {  	v10 =	vadd.s32 $0xC3508, v9;
	[tilespmem:s0+$0x1600] =	vst v7  }
0x1a: {  	v4 =	vadd.s32 $0x2C403D, v9;
	[tilespmem:s0+$0x1800] =	vst v10  }
0x1b: {  	v5 =	vadd.s32 $0x2AB99C, v9;
	[tilespmem:s0+$0x4200] =	vst v4  }
0x1c: {  	v4 =	vadd.s32 $0x27AC5A, v9;
	[tilespmem:s0+$0x4000] =	vst v5  }
0x1d: {  	v5 =	vadd.s32 $0x2625B9, v9;
	[tilespmem:s0+$0x3C00] =	vst v4  }
0x1e: {  	v4 =	vadd.s32 $0x249F18, v9;
	[tilespmem:s0+$0x3A00] =	vst v5  }
0x1f: {  	v5 =	vadd.s32 $0x231877, v9;
	[tilespmem:s0+$0x3800] =	vst v4  }
0x20: {  	v4 =	vadd.s32 $0x2191D6, v9;
	[tilespmem:s0+$0x3600] =	vst v5  }
0x21: {  	v5 =	vadd.s32 $0x200B35, v9;
	[tilespmem:s0+$0x3400] =	vst v4  }
0x22: {  	v4 =	vadd.s32 $0x1E8494, v9;
	[tilespmem:s0+$0x3200] =	vst v5  }
0x23: {  	v5 =	vadd.s32 $0x1CFDF3, v9;
	[tilespmem:s0+$0x3000] =	vst v4  }
0x24: {  	v4 =	vadd.s32 $0x1B7752, v9;
	[tilespmem:s0+$0x2E00] =	vst v5  }
0x25: {  	v5 =	vadd.s32 $0x19F0B1, v9;
	[tilespmem:s0+$0x2C00] =	vst v4  }
0x26: {  	v4 =	vadd.s32 $0x186A10, v9;
	[tilespmem:s0+$0x2A00] =	vst v5  }
0x27: {  	v5 =	vadd.s32 $0x16E36F, v9;
	[tilespmem:s0+$0x2800] =	vst v4  }
0x28: {  	v4 =	vadd.s32 $0x155CCE, v9;
	[tilespmem:s0+$0x2600] =	vst v5  }
0x29: {  	v5 =	vadd.s32 $0x186A1, v9;
	[tilespmem:s0+$0x2400] =	vst v4  }
0x2a: {  	v4 =	vadd.s32 $0x30D42, v9;
	[tilespmem:s0+$0xA00] =	vst v5  }
0x2b: {  	v5 =	vadd.s32 $0x493E3, v9;
	[tilespmem:s0+$0xC00] =	vst v4  }
0x2c: {  	v8 =	vadd.s32 $0x124F8C, v9;
	v4 =	vadd.s32 $0x61A84, v9;
	[tilespmem:s0+$0xE00] =	vst v5  }
0x2d: {  	v6 =	vadd.s32 $0x10C8EB, v9;
	v7 =	vadd.s32 $0xF424A, v9;
	v5 =	vadd.s32 $0x7A125, v9;
	[tilespmem:s0+$0x1000] =	vst v4  }
0x2e: {  	s1 =	simm.s32 $0x40;
	[tilespmem:s0+$0x1200] =	vst v5;
	v4 =	vadd.s32 $0x2932FB, v9;
	v5 =	vadd.s32 $0xDBBA9, v9;
	v9 =	vadd.s32 $0x13D62D, v9  }
.LBB2_2:
0x2f: {  	s2 =	sshra.s32 s1, $0x2;
	p0 =	sne.s32 s1, $0x7C0;
	s1 =	sadd.s32 $0x40, s1;
	[tilespmem:s0+$0x1A00] =	vst v5  }
0x30: {  	v10 =	vld [tilespmem:s2+$0x0];
	[tilespmem:s0+$0x1C00] =	vst v7  }
0x31: {  	[tilespmem:s0+$0x1E00] =	vst v6  }
0x32: {  	[tilespmem:s0+$0x2000] =	vst v8  }
0x33: {  	[tilespmem:s0+$0x2200] =	vst v9  }
0x34: {  	[tilespmem:s0+$0x3E00] =	vst v4;
	s0 =	smov.u32 s2  }
0x35: {  	[tilespmem:s0+$0x800] =	vst v10;
	v11 =	vadd.s32 $0x186A1, v10;
	v4 =	vadd.s32 $0x2932FB, v10;
	v5 =	vadd.s32 $0x2F4D7F, v10  }
0x36: {  	v12 =	vadd.s32 $0x30D42, v10;
	v13 =	vadd.s32 $0x155CCE, v10;
	v6 =	vadd.s32 $0x2DC6DE, v10;
	[tilespmem:s0+$0x4600] =	vst v5  }
0x37: {  	v14 =	vadd.s32 $0x493E3, v10;
	v15 =	vadd.s32 $0x16E36F, v10;
	v5 =	vadd.s32 $0x2C403D, v10;
	[tilespmem:s0+$0x4400] =	vst v6  }
0x38: {  	v16 =	vadd.s32 $0x61A84, v10;
	v17 =	vadd.s32 $0x186A10, v10;
	v6 =	vadd.s32 $0x2AB99C, v10;
	[tilespmem:s0+$0x4200] =	vst v5  }
0x39: {  	v18 =	vadd.s32 $0x7A125, v10;
	v19 =	vadd.s32 $0x19F0B1, v10;
	v5 =	vadd.s32 $0x27AC5A, v10;
	[tilespmem:s0+$0x4000] =	vst v6  }
0x3a: {  	v20 =	vadd.s32 $0x927C6, v10;
	v21 =	vadd.s32 $0x1B7752, v10;
	v6 =	vadd.s32 $0x2625B9, v10;
	[tilespmem:s0+$0x3C00] =	vst v5  }
0x3b: {  	v22 =	vadd.s32 $0xAAE67, v10;
	v23 =	vadd.s32 $0x1CFDF3, v10;
	v5 =	vadd.s32 $0x249F18, v10;
	[tilespmem:s0+$0x3A00] =	vst v6  }
0x3c: {  	v24 =	vadd.s32 $0xC3508, v10;
	v9 =	vadd.s32 $0x1E8494, v10;
	v6 =	vadd.s32 $0x231877, v10;
	[tilespmem:s0+$0x3800] =	vst v5  }
0x3d: {  	v8 =	vadd.s32 $0x200B35, v10;
	v25 =	vadd.s32 $0x2191D6, v10;
	v5 =	vadd.s32 $0xDBBA9, v10;
	[tilespmem:s0+$0x3600] =	vst v6  }
0x3e: {  	v7 =	vadd.s32 $0xF424A, v10;
	[tilespmem:s0+$0x3400] =	vst v25  }
0x3f: {  	v6 =	vadd.s32 $0x10C8EB, v10;
	[tilespmem:s0+$0x3200] =	vst v8  }
0x40: {  	v8 =	vadd.s32 $0x124F8C, v10;
	[tilespmem:s0+$0x3000] =	vst v9  }
0x41: {  	v9 =	vadd.s32 $0x13D62D, v10;
	[tilespmem:s0+$0x2E00] =	vst v23  }
0x42: {  	[tilespmem:s0+$0x2C00] =	vst v21  }
0x43: {  	[tilespmem:s0+$0x2A00] =	vst v19  }
0x44: {  	[tilespmem:s0+$0x2800] =	vst v17  }
0x45: {  	[tilespmem:s0+$0x2600] =	vst v15  }
0x46: {  	[tilespmem:s0+$0x2400] =	vst v13  }
0x47: {  	[tilespmem:s0+$0xA00] =	vst v11  }
0x48: {  	[tilespmem:s0+$0xC00] =	vst v12  }
0x49: {  	[tilespmem:s0+$0xE00] =	vst v14  }
.Ltmp0:
0x4a: {  	[tilespmem:s0+$0x1000] =	vst v16;
	(pc) =	sbr.rel @p0 .LBB2_2-.Ltmp0, $4  }
0x4b: {  	[tilespmem:s0+$0x1200] =	vst v18  }
0x4c: {  	[tilespmem:s0+$0x1400] =	vst v20  }
0x4d: {  	[tilespmem:s0+$0x1600] =	vst v22  }
0x4e: {  	[tilespmem:s0+$0x1800] =	vst v24  }
0x4f: {  	[tilespmem:s0+$0x1A00] =	vst v5  }
0x50: {  	[tilespmem:s0+$0x1C00] =	vst v7  }
0x51: {  	[tilespmem:s0+$0x1E00] =	vst v6  }
0x52: {  	[tilespmem:s0+$0x2000] =	vst v8  }
0x53: {  	[tilespmem:s0+$0x2200] =	vst v9  }
0x54: {  	[tilespmem:s0+$0x3E00] =	vst v4  }
0x55: {  	s1 =	simm.s32 $0x800;
	s2 =	simm.s32 $0x4800;
	s0 =	rddreg [dreg:$0x6]  }
0x56: {  	[tilespmem:s2], [sflag:$0x1] =	stream.indirect.gather [hbm4b:s0+s6], $0x1, s1, s6, $0xb8;
	[tilespmem:$0x14BE8] =	vst v63  }
0x57: {  	s25 =	simm.s32 $0x0;
	s26 =	rddreg [dreg:$0x8]  }
0x58: {  	[tilespmem:s16], [sflag:$0x6] =	stream.linear.gather [hbm4b:s26+s25], $0x200, $0x38;
	[tilespmem:$0x14BE8] =	vst v63  }
0x59: {  	_ =	swait.ge [sflag:s12], $0x200  }
0x5a: {  	[sflag:s12] =	ssyncset.done $0x0  }
0x5b: {  	[sflag:s12] =	ssyncadd.s32 $0xFFFFFE00  }
0x5c: {  	s31 =	rddreg [dreg:$0x4]  }
0x5d: {  	[tilespmem:s17], [sflag:$0x6] =	stream.linear.gather [hbm4b:s31+s25], $0x3E8, $0x38;
	[tilespmem:$0x14BE8] =	vst v63  }
0x5e: {  	_ =	swait.ge [sflag:s12], $0x3E8  }
0x5f: {  	[sflag:s12] =	ssyncset.done $0x0  }
0x60: {  	[sflag:s12] =	ssyncadd.s32 $0xFFFFFC18  }
0x61: {  	s1 =	simm.s32 $0x0;
	v5 =	vld.idx.msk [tilespmem:v0+s17+$0x0], $0xffff  }
0x62: {  	v4 =	vld [tilespmem:s1+$0x200];
	_ =	sdelay $0x4  }
0x63: {  	vm0 =	vle.f32 v5, v4  }
0x64: {  	v5 =	vsel vm0, $0x2EE, v2;
	_ =	sdelay $0x4  }
0x65: {  	v6 =	vld.idx.msk [tilespmem:v5+s17+$0x0], $0xffff;
	_ =	sdelay $0x4  }
0x66: {  	s0 =	simm.s32 $0x10;
	v7 =	vsel vm0, $0x3E8, v0;
	vm1 =	vle.f32 v6, v4;
	v6 =	vld.idx.msk [tilespmem:v0+s17+$0x0], $0xffff  }
0x67: {  	v9 =	vsel vm0, $0x1F5, v1;
	v8 =	vor.u32 $0x1, v5;
	v7 =	vsel vm1, v7, v5;
	v5 =	vld [tilespmem:s0+$0x200]  }
0x68: {  	v8 =	vsel vm1, v8, v9;
	v9 =	vadd.s32 $0xFFFFFFFF, v7  }
0x69: {  	v9 =	vadd.s32 v9, v8  }
0x6a: {  	v9 =	vadd.s32 $0x1, v9  }
0x6b: {  	v9 =	vshrl.u32 v9, $0x1  }
0x6c: {  	vm6 =	vle.f32 v6, v5  }
0x6d: {  	v6 =	vsel vm6, $0x2EE, v2;
	_ =	sdelay $0x2  }
0x6e: {  	v10 =	vld.idx.msk [tilespmem:v9+s17+$0x0], $0xffff;
	_ =	sdelay $0x1  }
0x6f: {  	v11 =	vld.idx.msk [tilespmem:v6+s17+$0x0], $0xffff;
	_ =	sdelay $0x2  }
0x70: {  	v13 =	vsel vm6, $0x1F5, v1;
	vm7 =	vle.f32 v10, v4;
	v10 =	vadd.s32 $0x1, v9  }
0x71: {  	v12 =	vor.u32 $0x1, v6;
	v8 =	vsel vm7, v10, v8;
	v7 =	vsel vm7, v7, v9  }
0x72: {  	v9 =	vsel vm6, $0x3E8, v0;
	vm8 =	vle.f32 v11, v5;
	v10 =	vxor.u32 v7, v8  }
0x73: {  	v9 =	vsel vm8, v9, v6;
	v6 =	vand.u32 v7, v8;
	v10 =	vshrl.u32 v10, $0x1  }
0x74: {  	s2 =	simm.s32 $0x20;
	v11 =	vsel vm8, v12, v13;
	v13 =	vld.idx.msk [tilespmem:v0+s17+$0x0], $0xffff;
	v12 =	vadd.s32 $0xFFFFFFFF, v9;
	v10 =	vadd.s32 v10, v6  }
0x75: {  	v6 =	vld [tilespmem:s2+$0x200];
	v12 =	vadd.s32 v12, v11  }
0x76: {  	v12 =	vadd.s32 $0x1, v12  }
0x77: {  	v12 =	vshrl.u32 v12, $0x1;
	_ =	sdelay $0x1  }
0x78: {  	v14 =	vld.idx.msk [tilespmem:v10+s17+$0x0], $0xffff  }
0x79: {  	vm9 =	vle.f32 v13, v6  }
0x7a: {  	v13 =	vsel vm9, $0x2EE, v2  }
0x7b: {  	v15 =	vld.idx.msk [tilespmem:v12+s17+$0x0], $0xffff;
	_ =	sdelay $0x1  }
0x7c: {  	v16 =	vadd.s32 $0x1, v10;
	vm10 =	vle.f32 v14, v4  }
0x7d: {  	v8 =	vsel vm10, v16, v8;
	v10 =	vsel vm10, v7, v10  }
0x7e: {  	v7 =	vld.idx.msk [tilespmem:v13+s17+$0x0], $0xffff;
	v14 =	vadd.s32 v10, v8  }
0x7f: {  	v14 =	vshrl.u32 v14, $0x1;
	vm11 =	vle.f32 v15, v5;
	v15 =	vadd.s32 $0x1, v12  }
0x80: {  	v11 =	vsel vm11, v15, v11;
	v9 =	vsel vm11, v9, v12  }
0x81: {  	v12 =	vxor.u32 v9, v11  }
0x82: {  	v15 =	vand.u32 v9, v11;
	v12 =	vshrl.u32 v12, $0x1  }
0x83: {  	v17 =	vld.idx.msk [tilespmem:v0+s17+$0x0], $0xffff;
	v16 =	vsel vm9, $0x3E8, v0;
	vm12 =	vle.f32 v7, v6;
	v12 =	vadd.s32 v12, v15  }
0x84: {  	s3 =	simm.s32 $0x30;
	v7 =	vor.u32 $0x1, v13;
	v15 =	vsel vm9, $0x1F5, v1;
	v13 =	vsel vm12, v16, v13;
	v16 =	vld.idx.msk [tilespmem:v14+s17+$0x0], $0xffff  }
0x85: {  	v15 =	vsel vm12, v7, v15;
	v18 =	vadd.s32 $0xFFFFFFFF, v13;
	v7 =	vld [tilespmem:s3+$0x200]  }
0x86: {  	v18 =	vadd.s32 v18, v15  }
0x87: {  	v18 =	vadd.s32 $0x1, v18  }
0x88: {  	v18 =	vshrl.u32 v18, $0x1;
	v19 =	vld.idx.msk [tilespmem:v12+s17+$0x0], $0xffff;
	_ =	sdelay $0x1  }
0x89: {  	v20 =	vadd.s32 $0x1, v14;
	vm13 =	vle.f32 v16, v4;
	vm14 =	vle.f32 v17, v7  }
0x8a: {  	v16 =	vsel vm13, v20, v8;
	v10 =	vsel vm13, v10, v14;
	v14 =	vsel vm14, $0x2EE, v2  }
0x8b: {  	v8 =	vadd.s32 v10, v16  }
0x8c: {  	v17 =	vshrl.u32 v8, $0x1;
	v8 =	vadd.s32 $0x1, v12;
	v20 =	vld.idx.msk [tilespmem:v18+s17+$0x0], $0xffff;
	vm15 =	vle.f32 v19, v5  }
0x8d: {  	v11 =	vsel vm15, v8, v11;
	v9 =	vsel vm15, v9, v12  }
0x8e: {  	v22 =	vld.idx.msk [tilespmem:v0+s17+$0x0], $0xffff;
	v8 =	vadd.s32 v9, v11  }
0x8f: {  	s14 =	simm.s32 $0x40;
	v12 =	vld.idx.msk [tilespmem:v14+s17+$0x0], $0xffff;
	v19 =	vshrl.u32 v8, $0x1  }
0x90: {  	v8 =	vld [tilespmem:s14+$0x200]  }
0x91: {  	v21 =	vld.idx.msk [tilespmem:v17+s17+$0x0], $0xffff;
	vm4 =	vle.f32 v20, v6;
	v20 =	vadd.s32 $0x1, v18  }
0x92: {  	v23 =	vor.u32 $0x1, v14;
	v15 =	vsel vm4, v20, v15;
	v13 =	vsel vm4, v13, v18  }
0x93: {  	v26 =	vadd.s32 $0x1, v17;
	v18 =	vsel vm14, $0x1F5, v1;
	v24 =	vxor.u32 v13, v15  }
0x94: {  	vm5 =	vle.f32 v12, v7;
	v12 =	vand.u32 v13, v15;
	v24 =	vshrl.u32 v24, $0x1;
	v25 =	vld.idx.msk [tilespmem:v19+s17+$0x0], $0xffff  }
0x95: {  	v20 =	vsel vm14, $0x3E8, v0;
	v12 =	vadd.s32 v24, v12;
	v18 =	vsel vm5, v23, v18  }
0x96: {  	v14 =	vsel vm5, v20, v14;
	vm7 =	vle.f32 v22, v8;
	vm6 =	vle.f32 v21, v4  }
0x97: {  	v20 =	vadd.s32 $0xFFFFFFFF, v14;
	v17 =	vsel vm6, v10, v17;
	v16 =	vsel vm6, v26, v16  }
0x98: {  	v21 =	vsel vm7, $0x2EE, v2;
	v20 =	vadd.s32 v20, v18;
	v10 =	vadd.s32 v17, v16  }
0x99: {  	v22 =	vshrl.u32 v10, $0x1;
	v10 =	vadd.s32 $0x1, v19;
	vm8 =	vle.f32 v25, v5  }
0x9a: {  	v20 =	vadd.s32 $0x1, v20;
	v11 =	vsel vm8, v10, v11;
	v19 =	vsel vm8, v9, v19  }
0x9b: {  	v20 =	vshrl.u32 v20, $0x1;
	v23 =	vld.idx.msk [tilespmem:v12+s17+$0x0], $0xffff;
	v9 =	vadd.s32 v19, v11  }
0x9c: {  	v24 =	vshrl.u32 v9, $0x1  }
0x9d: {  	v25 =	vld.idx.msk [tilespmem:v21+s17+$0x0], $0xffff  }
0x9e: {  	v27 =	vadd.f32 $-5.000000000e-01, v4;
	v9 =	vld.idx.msk [tilespmem:v22+s17+$0x0], $0xffff;
	_ =	sdelay $0x1  }
0x9f: {  	v43 =	vmul.f32 $3.464101790e+00, v27;
	v10 =	vadd.s32 $0x1, v12;
	vm9 =	vle.f32 v23, v6;
	v23 =	vld.idx.msk [tilespmem:v20+s17+$0x0], $0xffff  }
0xa0: {  	v30 =	vor.u32 $0x1, v21;
	v15 =	vsel vm9, v10, v15;
	v12 =	vsel vm9, v13, v12;
	v13 =	vld.idx.msk [tilespmem:v24+s17+$0x0], $0xffff  }
0xa1: {  	s30 =	simm.s32 $0x50;
	v29 =	vld.idx.msk [tilespmem:v0+s17+$0x0], $0xffff;
	v28 =	vadd.s32 $0x1, v22;
	v10 =	vadd.f32 $-5.000000000e-01, v5;
	v26 =	vadd.s32 v12, v15  }
0xa2: {  	vm13 =	vle.f32 v25, v8;
	v26 =	vshrl.u32 v26, $0x1;
	vm10 =	vle.f32 v9, v4;
	v9 =	vld [tilespmem:s30+$0x200]  }
0xa3: {  	v16 =	vsel vm10, v28, v16;
	v17 =	vsel vm10, v17, v22;
	v28 =	vsel vm7, $0x3E8, v0  }
0xa4: {  	vm11 =	vle.f32 v23, v7;
	v23 =	vadd.s32 $0x1, v20;
	v31 =	vadd.s32 v17, v16  }
0xa5: {  	v18 =	vsel vm11, v23, v18;
	v20 =	vsel vm11, v14, v20;
	vm12 =	vle.f32 v13, v5  }
0xa6: {  	v31 =	vshrl.u32 v31, $0x1;
	v13 =	vadd.s32 $0x1, v24;
	v19 =	vsel vm12, v19, v24  }
0xa7: {  	v14 =	vld.idx.msk [tilespmem:v26+s17+$0x0], $0xffff;
	v23 =	vsel vm12, v13, v11;
	vm14 =	vle.f32 v29, v9;
	v11 =	vxor.u32 v20, v18  }
0xa8: {  	v13 =	vand.u32 v20, v18;
	v24 =	vsel vm14, $0x2EE, v2;
	v11 =	vshrl.u32 v11, $0x1  }
0xa9: {  	v22 =	vsel vm7, $0x1F5, v1;
	v21 =	vsel vm13, v28, v21;
	v28 =	vadd.s32 v11, v13  }
0xaa: {  	v22 =	vsel vm13, v30, v22;
	v35 =	vadd.s32 $0x1, v31;
	v11 =	vadd.s32 v19, v23  }
0xab: {  	v37 =	vsel vm14, $0x1F5, v1;
	v13 =	vadd.s32 $0xFFFFFFFF, v21;
	v25 =	vld.idx.msk [tilespmem:v31+s17+$0x0], $0xffff;
	v29 =	vshrl.u32 v11, $0x1  }
0xac: {  	v11 =	vadd.s32 $0x1, v26;
	v13 =	vadd.s32 v13, v22;
	vm15 =	vle.f32 v14, v6  }
0xad: {  	v38 =	vsel vm14, $0x3E8, v0;
	v14 =	vadd.s32 $0x1, v13;
	v30 =	vsel vm15, v11, v15;
	v15 =	vld.idx.msk [tilespmem:v24+s17+$0x0], $0xffff  }
0xae: {  	v50 =	vadd.s32 $0x1, v28;
	v26 =	vsel vm15, v12, v26;
	v32 =	vshrl.u32 v14, $0x1;
	v33 =	vld.idx.msk [tilespmem:v28+s17+$0x0], $0xffff  }
0xaf: {  	v13 =	vadd.f32 $-5.000000000e-01, v6;
	v41 =	vadd.s32 $0x1, v29;
	v11 =	vadd.s32 v26, v30  }
0xb0: {  	v14 =	vadd.f32 $-5.000000000e-01, v7;
	v34 =	vshrl.u32 v11, $0x1;
	vm4 =	vle.f32 v25, v4;
	v36 =	vld.idx.msk [tilespmem:v29+s17+$0x0], $0xffff  }
0xb1: {  	v12 =	vadd.f32 $-5.000000000e-01, v8;
	v16 =	vsel vm4, v35, v16;
	v31 =	vsel vm4, v17, v31  }
0xb2: {  	v51 =	vld.idx.msk [tilespmem:v0+s17+$0x0], $0xffff;
	v11 =	vadd.f32 $-5.000000000e-01, v9;
	v17 =	vor.u32 $0x1, v24;
	v25 =	vadd.s32 v31, v16  }
0xb3: {  	s15 =	simm.s32 $0x60;
	v40 =	vld.idx.msk [tilespmem:v32+s17+$0x0], $0xffff;
	v39 =	vshrl.u32 v25, $0x1;
	vm5 =	vle.f32 v15, v9;
	vm6 =	vle.f32 v33, v7  }
0xb4: {  	v15 =	vld [tilespmem:s15+$0x200];
	v25 =	vsel vm5, v17, v37;
	v18 =	vsel vm6, v50, v18;
	v20 =	vsel vm6, v20, v28  }
0xb5: {  	v17 =	vld.idx.msk [tilespmem:v34+s17+$0x0], $0xffff;
	v55 =	vadd.s32 $0x1, v39;
	vm7 =	vle.f32 v36, v5;
	v35 =	vadd.s32 v20, v18  }
0xb6: {  	v28 =	vsel vm5, v38, v24;
	v19 =	vsel vm7, v19, v29;
	v29 =	vshrl.u32 v35, $0x1  }
0xb7: {  	v24 =	vadd.s32 $0x1, v34;
	v36 =	vsel vm7, v41, v23;
	v52 =	vadd.s32 $0xFFFFFFFF, v28  }
0xb8: {  	v23 =	vadd.s32 v19, v36;
	vm8 =	vle.f32 v40, v8;
	v27 =	vadd.s32 v52, v25;
	v53 =	vld.idx.msk [tilespmem:v39+s17+$0x0], $0xffff  }
0xb9: {  	v54 =	vshrl.u32 v23, $0x1;
	v23 =	vadd.s32 $0x1, v32;
	v42 =	vsel vm8, v21, v32  }
0xba: {  	vm10 =	vle.f32 v51, v15;
	v56 =	vsel vm8, v23, v22;
	vm9 =	vle.f32 v17, v6  }
0xbb: {  	v57 =	vsel vm10, $0x2EE, v2;
	v62 =	vsel vm10, $0x1F5, v1;
	v21 =	vxor.u32 v42, v56;
	v22 =	vld.idx.msk [tilespmem:v29+s17+$0x0], $0xffff  }
0xbc: {  	v17 =	vand.u32 v42, v56;
	v23 =	vsel vm9, v26, v34;
	v21 =	vshrl.u32 v21, $0x1  }
0xbd: {  	v24 =	vsel vm9, v24, v30;
	v58 =	vadd.s32 v21, v17;
	vm11 =	vle.f32 v53, v4  }
0xbe: {  	v26 =	vadd.s32 v23, v24;
	v21 =	vld.idx.msk [tilespmem:v54+s17+$0x0], $0xffff;
	v17 =	vsel vm11, v55, v16;
	v30 =	vsel vm11, v31, v39  }
0xbf: {  	v63 =	vsel vm10, $0x3E8, v0;
	v26 =	vshrl.u32 v26, $0x1;
	v30 =	vadd.s32 v30, v17  }
0xc0: {  	v31 =	vadd.s32 $0x1, v29;
	v60 =	vld.idx.msk [tilespmem:v57+s17+$0x0], $0xffff;
	v59 =	vshrl.u32 v30, $0x1;
	vm12 =	vle.f32 v22, v7  }
0xc1: {  	v30 =	vadd.s32 $0x1, v27;
	v27 =	vsel vm12, v31, v18;
	v29 =	vsel vm12, v20, v29  }
0xc2: {  	v61 =	vadd.s32 $0x1, v58;
	v44 =	vld.idx.msk [tilespmem:v58+s17+$0x0], $0xffff;
	v35 =	vshrl.u32 v30, $0x1;
	v18 =	vadd.s32 v29, v27  }
0xc3: {  	v22 =	vadd.s32 $0x1, v54;
	vm13 =	vle.f32 v21, v5;
	v30 =	vshrl.u32 v18, $0x1  }
0xc4: {  	v34 =	vadd.s32 $0x1, v26;
	v31 =	vld.idx.msk [tilespmem:v26+s17+$0x0], $0xffff;
	v19 =	vsel vm13, v19, v54;
	v18 =	vsel vm13, v22, v36  }
0xc5: {  	v16 =	vadd.f32 $-5.000000000e-01, v15;
	vm14 =	vle.f32 v60, v15;
	v20 =	vadd.s32 v19, v18  }
0xc6: {  	v22 =	vor.u32 $0x1, v57;
	v37 =	vsel vm14, v63, v57;
	v21 =	vld.idx.msk [tilespmem:v59+s17+$0x0], $0xffff;
	v20 =	vshrl.u32 v20, $0x1  }
0xc7: {  	v39 =	vsel vm14, v22, v62;
	v22 =	vadd.s32 $0x1, v59;
	v40 =	vld.idx.msk [tilespmem:v35+s17+$0x0], $0xffff;
	vm15 =	vle.f32 v44, v8  }
0xc8: {  	s4 =	simm.s32 $0x1C0;
	[tilespmem:s1+$0x600] =	vst v43;
	v38 =	vadd.s32 $0xFFFFFFFF, v37;
	v32 =	vsel vm15, v61, v56;
	v33 =	vsel vm15, v42, v58;
	v36 =	vld.idx.msk [tilespmem:v30+s17+$0x0], $0xffff  }
.LBB2_4:
0xc9: {  	s5 =	sshra.s32 s4, $0x2;
	v41 =	vld.idx.msk [tilespmem:v0+s17+$0x0], $0xffff;
	p0 =	sne.s32 s4, $0x7C0;
	s4 =	sadd.s32 $0x40, s4;
	v42 =	vadd.s32 v33, v32;
	vm0 =	vle.f32 v31, v6  }
0xca: {  	v31 =	vld [tilespmem:s5+$0x200];
	v42 =	vshrl.u32 v42, $0x1;
	v34 =	vsel vm0, v34, v24;
	v43 =	vsel vm0, v23, v26  }
0xcb: {  	vm0 =	vle.f32 v21, v4;
	v4 =	vmovc v5;
	v5 =	vmov v6;
	v23 =	vadd.s32 v43, v34;
	v26 =	vld.idx.msk [tilespmem:v20+s17+$0x0], $0xffff  }
0xcc: {  	v21 =	vadd.s32 $0x1, v30;
	v6 =	vmovc v7;
	v7 =	vmovc v8;
	v17 =	vsel vm0, v22, v17;
	v44 =	vshrl.u32 v23, $0x1  }
0xcd: {  	v8 =	vmovc v9;
	v22 =	vadd.s32 $0x1, v35;
	vm0 =	vle.f32 v40, v9;
	v40 =	vadd.s32 $0x1, v20;
	v9 =	vmovc v15;
	[tilespmem:s1+$0x400] =	vst v17;
	s1 =	smov.u32 s0;
	s0 =	smov.u32 s2;
	s2 =	smov.u32 s3  }
0xce: {  	v45 =	vsel vm0, v22, v25;
	v46 =	vsel vm0, v28, v35;
	vm1 =	vle.f32 v36, v6;
	v25 =	vmovc v39;
	s3 =	smov.u32 s14;
	s14 =	smov.u32 s30;
	s30 =	smov.u32 s15  }
0xcf: {  	s15 =	smov.u32 s5;
	v17 =	vand.u32 v46, v45;
	v35 =	vxor.u32 v46, v45;
	vm0 =	vle.f32 v41, v31;
	v22 =	vld.idx.msk [tilespmem:v42+s17+$0x0], $0xffff  }
0xd0: {  	v28 =	vmovc v37;
	v23 =	vsel vm1, v29, v30;
	v24 =	vshrl.u32 v35, $0x1;
	v15 =	vmovc v31;
	v36 =	vsel vm0, $0x2EE, v2  }
0xd1: {  	v41 =	vadd.s32 v24, v17;
	v24 =	vsel vm1, v21, v27;
	vm1 =	vle.f32 v26, v4;
	v21 =	vld.idx.msk [tilespmem:v44+s17+$0x0], $0xffff  }
0xd2: {  	v26 =	vadd.s32 v23, v24;
	v17 =	vsel vm1, v40, v18;
	v18 =	vsel vm1, v19, v20  }
0xd3: {  	v19 =	vadd.f32 $-5.000000000e-01, v15;
	v26 =	vshrl.u32 v26, $0x1;
	v18 =	vadd.s32 v18, v17  }
0xd4: {  	v39 =	vmul.f32 $3.464101790e+00, v10;
	v10 =	vmovc v13;
	v13 =	vmovc v14;
	v20 =	vadd.s32 $0x1, v42;
	v37 =	vshrl.u32 v18, $0x1  }
0xd5: {  	v14 =	vmovc v12;
	v18 =	vadd.s32 v38, v25;
	vm1 =	vle.f32 v22, v7;
	v22 =	vadd.s32 $0x1, v44;
	v40 =	vld.idx.msk [tilespmem:v36+s17+$0x0], $0xffff  }
0xd6: {  	v12 =	vmovc v11;
	v18 =	vadd.s32 $0x1, v18;
	v27 =	vsel vm1, v20, v32;
	v29 =	vsel vm1, v33, v42;
	v38 =	vld.idx.msk [tilespmem:v41+s17+$0x0], $0xffff  }
0xd7: {  	v11 =	vmovc v16;
	v16 =	vmovc v19;
	v35 =	vshrl.u32 v18, $0x1;
	v18 =	vadd.s32 v29, v27;
	vm1 =	vle.f32 v21, v5  }
0xd8: {  	v30 =	vshrl.u32 v18, $0x1;
	v18 =	vsel vm1, v22, v34;
	v19 =	vsel vm1, v43, v44;
	v31 =	vld.idx.msk [tilespmem:v26+s17+$0x0], $0xffff  }
.Ltmp1:
0xd9: {  	v32 =	vor.u32 $0x1, v36;
	v33 =	vadd.s32 $0x1, v41;
	v20 =	vadd.s32 v19, v18;
	v21 =	vld.idx.msk [tilespmem:v37+s17+$0x0], $0xffff;
	(pc) =	sbr.rel @p0 .LBB2_4-.Ltmp1, $4  }
0xda: {  	v42 =	vsel vm0, $0x1F5, v1;
	v43 =	vsel vm0, $0x3E8, v0;
	v20 =	vshrl.u32 v20, $0x1;
	[tilespmem:s1+$0x600] =	vst v39  }
0xdb: {  	v34 =	vadd.s32 $0x1, v26;
	v22 =	vadd.s32 $0x1, v37;
	vm0 =	vle.f32 v40, v15  }
0xdc: {  	v39 =	vsel vm0, v32, v42;
	v37 =	vsel vm0, v43, v36;
	vm0 =	vle.f32 v38, v8;
	v40 =	vld.idx.msk [tilespmem:v35+s17+$0x0], $0xffff  }
0xdd: {  	v38 =	vadd.s32 $0xFFFFFFFF, v37;
	v32 =	vsel vm0, v33, v45;
	v33 =	vsel vm0, v46, v41;
	v36 =	vld.idx.msk [tilespmem:v30+s17+$0x0], $0xffff  }
0xde: {  	v38 =	vadd.s32 v38, v39  }
0xdf: {  	v38 =	vadd.s32 $0x1, v38  }
0xe0: {  	v38 =	vshrl.u32 v38, $0x1;
	_ =	sdelay $0x4  }
0xe1: {  	v41 =	vld.idx.msk [tilespmem:v38+s17+$0x0], $0xffff;
	_ =	sdelay $0x2  }
0xe2: {  	v53 =	vadd.s32 $0x1, v35;
	vm0 =	vle.f32 v40, v9  }
0xe3: {  	v54 =	vadd.s32 $0x1, v38;
	v25 =	vsel vm0, v53, v25;
	v28 =	vsel vm0, v28, v35  }
0xe4: {  	v35 =	vand.u32 v28, v25;
	v40 =	vxor.u32 v28, v25;
	vm7 =	vle.f32 v41, v15  }
0xe5: {  	v40 =	vshrl.u32 v40, $0x1;
	v55 =	vsel vm7, v54, v39;
	v37 =	vsel vm7, v37, v38  }
0xe6: {  	v35 =	vadd.s32 v40, v35;
	v38 =	vxor.u32 v37, v55  }
0xe7: {  	v56 =	vand.u32 v37, v55;
	v38 =	vshrl.u32 v38, $0x1  }
0xe8: {  	v38 =	vadd.s32 v38, v56;
	_ =	sdelay $0x2  }
0xe9: {  	v57 =	vld.idx.msk [tilespmem:v35+s17+$0x0], $0xffff;
	_ =	sdelay $0x1  }
0xea: {  	v58 =	vld.idx.msk [tilespmem:v38+s17+$0x0], $0xffff;
	_ =	sdelay $0x2  }
0xeb: {  	v42 =	vadd.s32 v33, v32;
	v43 =	vadd.s32 $0x1, v35;
	vm8 =	vle.f32 v57, v9  }
0xec: {  	v59 =	vshrl.u32 v42, $0x1;
	v25 =	vsel vm8, v43, v25;
	v28 =	vsel vm8, v28, v35  }
0xed: {  	v60 =	vadd.s32 $0x1, v38;
	v35 =	vadd.s32 v28, v25;
	vm9 =	vle.f32 v58, v15  }
0xee: {  	v35 =	vshrl.u32 v35, $0x1;
	v39 =	vsel vm9, v60, v55;
	v37 =	vsel vm9, v37, v38  }
0xef: {  	v38 =	vadd.s32 v37, v39  }
0xf0: {  	v38 =	vshrl.u32 v38, $0x1  }
0xf1: {  	v61 =	vld.idx.msk [tilespmem:v59+s17+$0x0], $0xffff;
	_ =	sdelay $0x1  }
0xf2: {  	v62 =	vld.idx.msk [tilespmem:v35+s17+$0x0], $0xffff;
	_ =	sdelay $0x1  }
0xf3: {  	v63 =	vld.idx.msk [tilespmem:v38+s17+$0x0], $0xffff  }
0xf4: {  	v44 =	vadd.s32 $0x1, v59;
	vm10 =	vle.f32 v61, v8  }
0xf5: {  	v45 =	vsel vm10, v44, v32;
	v46 =	vsel vm10, v33, v59  }
0xf6: {  	v40 =	vadd.s32 v46, v45;
	v47 =	vadd.s32 $0x1, v35;
	vm11 =	vle.f32 v62, v9  }
0xf7: {  	v40 =	vshrl.u32 v40, $0x1;
	v25 =	vsel vm11, v47, v25;
	v28 =	vsel vm11, v28, v35  }
0xf8: {  	v48 =	vadd.s32 $0x1, v38;
	v35 =	vadd.s32 v28, v25;
	vm12 =	vle.f32 v63, v15  }
0xf9: {  	v35 =	vshrl.u32 v35, $0x1;
	v39 =	vsel vm12, v48, v39;
	v37 =	vsel vm12, v37, v38  }
0xfa: {  	v38 =	vadd.s32 v37, v39  }
0xfb: {  	v38 =	vshrl.u32 v38, $0x1  }
0xfc: {  	v49 =	vld.idx.msk [tilespmem:v40+s17+$0x0], $0xffff;
	_ =	sdelay $0x1  }
0xfd: {  	v50 =	vld.idx.msk [tilespmem:v35+s17+$0x0], $0xffff  }
0xfe: {  	v51 =	vadd.s32 $0x1, v30;
	vm13 =	vle.f32 v36, v7  }
0xff: {  	v29 =	vsel vm13, v29, v30;
	v27 =	vsel vm13, v51, v27;
	v52 =	vld.idx.msk [tilespmem:v38+s17+$0x0], $0xffff  }
0x100: {  	v36 =	vadd.s32 v29, v27;
	v53 =	vadd.s32 $0x1, v40;
	vm14 =	vle.f32 v49, v8  }
0x101: {  	v36 =	vshrl.u32 v36, $0x1;
	v33 =	vsel vm14, v46, v40;
	v32 =	vsel vm14, v53, v45  }
0x102: {  	v40 =	vadd.s32 v33, v32;
	v54 =	vadd.s32 $0x1, v35;
	vm15 =	vle.f32 v50, v9  }
0x103: {  	v55 =	vshrl.u32 v40, $0x1;
	v28 =	vsel vm15, v28, v35;
	v25 =	vsel vm15, v54, v25  }
0x104: {  	v57 =	vadd.s32 $0x1, v38;
	v56 =	vadd.s32 v28, v25;
	vm4 =	vle.f32 v52, v15  }
0x105: {  	v58 =	vshrl.u32 v56, $0x1;
	v37 =	vsel vm4, v37, v38;
	v59 =	vsel vm4, v57, v39  }
0x106: {  	v60 =	vld.idx.msk [tilespmem:v36+s17+$0x0], $0xffff;
	v61 =	vadd.s32 v37, v59  }
0x107: {  	v40 =	vshrl.u32 v61, $0x1  }
0x108: {  	vm5 =	vle.f32 v31, v6;
	v62 =	vld.idx.msk [tilespmem:v55+s17+$0x0], $0xffff  }
0x109: {  	v24 =	vsel vm5, v34, v24;
	v23 =	vsel vm5, v23, v26  }
0x10a: {  	v42 =	vadd.s32 v23, v24;
	v63 =	vld.idx.msk [tilespmem:v58+s17+$0x0], $0xffff  }
0x10b: {  	v31 =	vshrl.u32 v42, $0x1;
	v43 =	vadd.s32 $0x1, v36;
	vm6 =	vle.f32 v60, v7  }
0x10c: {  	v27 =	vsel vm6, v43, v27;
	v29 =	vsel vm6, v29, v36;
	v44 =	vld.idx.msk [tilespmem:v40+s17+$0x0], $0xffff  }
0x10d: {  	v45 =	vadd.s32 $0x1, v55;
	v36 =	vadd.s32 v29, v27;
	vm7 =	vle.f32 v62, v8  }
0x10e: {  	v36 =	vshrl.u32 v36, $0x1;
	v32 =	vsel vm7, v45, v32;
	v33 =	vsel vm7, v33, v55  }
0x10f: {  	v35 =	vadd.s32 v33, v32;
	v46 =	vadd.s32 $0x1, v58;
	vm8 =	vle.f32 v63, v9  }
0x110: {  	v48 =	vld.idx.msk [tilespmem:v31+s17+$0x0], $0xffff;
	v47 =	vshrl.u32 v35, $0x1;
	v25 =	vsel vm8, v46, v25;
	v28 =	vsel vm8, v28, v58  }
0x111: {  	v50 =	vadd.s32 $0x1, v40;
	v49 =	vadd.s32 v28, v25;
	vm9 =	vle.f32 v44, v15  }
0x112: {  	v51 =	vshrl.u32 v49, $0x1;
	v52 =	vsel vm9, v50, v59;
	v37 =	vsel vm9, v37, v40  }
0x113: {  	v53 =	vld.idx.msk [tilespmem:v36+s17+$0x0], $0xffff;
	v39 =	vadd.s32 v37, v52  }
0x114: {  	v39 =	vshrl.u32 v39, $0x1  }
0x115: {  	v55 =	vadd.s32 $0x1, v31;
	vm10 =	vle.f32 v48, v6;
	v54 =	vld.idx.msk [tilespmem:v47+s17+$0x0], $0xffff  }
0x116: {  	v24 =	vsel vm10, v55, v24;
	v23 =	vsel vm10, v23, v31  }
0x117: {  	v31 =	vadd.s32 v23, v24;
	v56 =	vld.idx.msk [tilespmem:v51+s17+$0x0], $0xffff  }
0x118: {  	vm11 =	vle.f32 v53, v7;
	v31 =	vshrl.u32 v31, $0x1;
	v57 =	vadd.s32 $0x1, v36  }
0x119: {  	v29 =	vsel vm11, v29, v36;
	v27 =	vsel vm11, v57, v27;
	v58 =	vld.idx.msk [tilespmem:v39+s17+$0x0], $0xffff  }
0x11a: {  	v60 =	vadd.s32 $0x1, v47;
	vm12 =	vle.f32 v54, v8;
	v59 =	vadd.s32 v29, v27  }
0x11b: {  	v32 =	vsel vm12, v60, v32;
	v26 =	vsel vm12, v33, v47;
	v38 =	vshrl.u32 v59, $0x1  }
0x11c: {  	v61 =	vld.idx.msk [tilespmem:v20+s17+$0x0], $0xffff;
	v62 =	vadd.s32 v26, v32;
	v63 =	vadd.s32 $0x1, v51;
	vm13 =	vle.f32 v56, v9  }
0x11d: {  	v45 =	vld.idx.msk [tilespmem:v31+s17+$0x0], $0xffff;
	v44 =	vshrl.u32 v62, $0x1;
	v25 =	vsel vm13, v63, v25;
	v28 =	vsel vm13, v28, v51  }
0x11e: {  	v47 =	vadd.s32 $0x1, v39;
	v46 =	vadd.s32 v28, v25;
	vm14 =	vle.f32 v58, v15  }
0x11f: {  	v48 =	vshrl.u32 v46, $0x1;
	v35 =	vsel vm14, v47, v52;
	v37 =	vsel vm14, v37, v39  }
0x120: {  	v53 =	vadd.s32 $0x1, v31;
	v49 =	vld.idx.msk [tilespmem:v38+s17+$0x0], $0xffff;
	v50 =	vadd.s32 v37, v35  }
0x121: {  	vm15 =	vle.f32 v61, v5;
	v51 =	vadd.s32 $0x1, v20;
	v52 =	vshrl.u32 v50, $0x1  }
0x122: {  	vm4 =	vle.f32 v45, v6;
	v19 =	vsel vm15, v19, v20;
	v20 =	vld.idx.msk [tilespmem:v44+s17+$0x0], $0xffff;
	v18 =	vsel vm15, v51, v18  }
0x123: {  	v24 =	vsel vm4, v53, v24;
	v23 =	vsel vm4, v23, v31;
	v19 =	vadd.s32 v19, v18  }
0x124: {  	v23 =	vadd.s32 v23, v24;
	v19 =	vshrl.u32 v19, $0x1;
	v54 =	vld.idx.msk [tilespmem:v48+s17+$0x0], $0xffff  }
0x125: {  	v23 =	vshrl.u32 v23, $0x1;
	v55 =	vadd.s32 $0x1, v38;
	vm5 =	vle.f32 v49, v7  }
0x126: {  	v57 =	vadd.s32 $0x1, v44;
	v27 =	vsel vm5, v55, v27;
	v29 =	vsel vm5, v29, v38;
	v56 =	vld.idx.msk [tilespmem:v52+s17+$0x0], $0xffff  }
0x127: {  	vm9 =	vle.f32 v21, v4;
	vm6 =	vle.f32 v20, v8;
	v29 =	vadd.s32 v29, v27  }
0x128: {  	v26 =	vsel vm6, v26, v44;
	v58 =	vsel vm6, v57, v32;
	v20 =	vshrl.u32 v29, $0x1  }
0x129: {  	v59 =	vadd.s32 $0x1, v48;
	v60 =	vld.idx.msk [tilespmem:v19+s17+$0x0], $0xffff;
	v26 =	vadd.s32 v26, v58;
	vm7 =	vle.f32 v54, v9  }
0x12a: {  	v26 =	vshrl.u32 v26, $0x1;
	v25 =	vsel vm7, v59, v25;
	v28 =	vsel vm7, v28, v48  }
0x12b: {  	v62 =	vld.idx.msk [tilespmem:v23+s17+$0x0], $0xffff;
	v61 =	vadd.s32 $0x1, v52;
	v28 =	vadd.s32 v28, v25;
	vm8 =	vle.f32 v56, v15  }
0x12c: {  	v4 =	vshrl.u32 v28, $0x1;
	v30 =	vsel vm8, v61, v35;
	v33 =	vsel vm8, v37, v52  }
0x12d: {  	v10 =	vmul.f32 $3.464101790e+00, v10;
	v17 =	vsel vm9, v22, v17;
	v21 =	vld.idx.msk [tilespmem:v20+s17+$0x0], $0xffff;
	v22 =	vadd.s32 v33, v30  }
0x12e: {  	[tilespmem:s1+$0x400] =	vst v17;
	v17 =	vadd.s32 $0x1, v19;
	vm10 =	vle.f32 v60, v5;
	v5 =	vshrl.u32 v22, $0x1  }
0x12f: {  	v13 =	vmul.f32 $3.464101790e+00, v13;
	[tilespmem:s0+$0x600] =	vst v10;
	v10 =	vsel vm10, v17, v18;
	v17 =	vld.idx.msk [tilespmem:v26+s17+$0x0], $0xffff  }
0x130: {  	vm11 =	vle.f32 v62, v6;
	[tilespmem:s0+$0x400] =	vst v10;
	v10 =	vadd.s32 $0x1, v23  }
0x131: {  	[tilespmem:s2+$0x600] =	vst v13;
	v6 =	vsel vm11, v10, v24;
	v10 =	vmul.f32 $3.464101790e+00, v14;
	v13 =	vld.idx.msk [tilespmem:v4+s17+$0x0], $0xffff  }
0x132: {  	[tilespmem:s2+$0x400] =	vst v6;
	v6 =	vadd.s32 $0x1, v20;
	vm12 =	vle.f32 v21, v7  }
0x133: {  	[tilespmem:s3+$0x600] =	vst v10;
	v7 =	vmul.f32 $3.464101790e+00, v12;
	v6 =	vsel vm12, v6, v27;
	v10 =	vld.idx.msk [tilespmem:v5+s17+$0x0], $0xffff  }
0x134: {  	vm13 =	vle.f32 v17, v8;
	[tilespmem:s3+$0x400] =	vst v6;
	v6 =	vadd.s32 $0x1, v26  }
0x135: {  	[tilespmem:s14+$0x600] =	vst v7;
	v7 =	vmul.f32 $3.464101790e+00, v11;
	v6 =	vsel vm13, v6, v58  }
0x136: {  	v4 =	vadd.s32 $0x1, v4;
	[tilespmem:s14+$0x400] =	vst v6;
	vm14 =	vle.f32 v13, v9  }
0x137: {  	[tilespmem:s30+$0x600] =	vst v7;
	v6 =	vmul.f32 $3.464101790e+00, v16;
	v4 =	vsel vm14, v4, v25  }
0x138: {  	[tilespmem:s30+$0x400] =	vst v4;
	v4 =	vadd.s32 $0x1, v5;
	vm15 =	vle.f32 v10, v15  }
0x139: {  	s11 =	simm.s32 $0x0;
	[tilespmem:s15+$0x600] =	vst v6;
	v4 =	vsel vm15, v4, v30  }
0x13a: {  	s13 =	rddreg [dreg:$0x3];
	s14 =	simm.s32 $0x400;
	[tilespmem:s15+$0x400] =	vst v4;
	v4 =	vmov s11  }
0x13b: {  	[tilespmem:s19], [sflag:$0x2] =	stream.indirect.gather [hbm4b:s13+s16], $0x20, s14, s16, $0xb8;
	v4 =	vshll.u32 v4, $0x5;
	[tilespmem:$0x14BE8] =	vst v63  }
0x13c: {  	s18 =	simm.s32 $0x600;
	s20 =	simm.s32 $0x2;
	s15 =	rddreg [dreg:$0x9];
	v10 =	vor.u32 v3, v4  }
0x13d: {  	[hbm4b:s15+s11] =	stream.linear.scatter [tilespmem:s18], [sflag:$0x5], $0x200, $0x38;
	[tilespmem:$0x14BE8] =	vst v63  }
0x13e: {  	_ =	swait.ge [sflag:s20], $0x4000  }
0x13f: {  	[sflag:s20] =	ssyncset.done $0x0  }
0x140: {  	[sflag:s20] =	ssyncadd.s32 $0xFFFFC000  }
0x141: {  	v4 =	vld.idx.msk [tilespmem:v10+s19+$0x0], $0xffff  }
0x142: {  	v5 =	vor.u32 $0x1, v10;
	_ =	sdelay $0x2  }
0x143: {  	s3 =	simm.s32 $0x12800  }
0x144: {  	[tilespmem:s3+$0xFFFFE000] =	vst v4  }
0x145: {  	v4 =	vld.idx.msk [tilespmem:v5+s19+$0x0], $0xffff  }
0x146: {  	v5 =	vor.u32 $0x2, v10;
	_ =	sdelay $0x3  }
0x147: {  	[tilespmem:s3+$0xFFFFE200] =	vst v4  }
0x148: {  	v4 =	vld.idx.msk [tilespmem:v5+s19+$0x0], $0xffff  }
0x149: {  	v5 =	vor.u32 $0x3, v10;
	_ =	sdelay $0x3  }
0x14a: {  	[tilespmem:s3+$0xFFFFE400] =	vst v4  }
0x14b: {  	v4 =	vld.idx.msk [tilespmem:v5+s19+$0x0], $0xffff  }
0x14c: {  	s21 =	simm.s32 $0x10;
	v5 =	vor.u32 $0x4, v10  }
0x14d: {  	v6 =	vmov s21  }
0x14e: {  	v6 =	vshll.u32 v6, $0x5  }
0x14f: {  	v6 =	vor.u32 v3, v6  }
0x150: {  	[tilespmem:s3+$0xFFFFE600] =	vst v4  }
0x151: {  	v4 =	vld.idx.msk [tilespmem:v5+s19+$0x0], $0xffff  }
0x152: {  	v5 =	vor.u32 $0x5, v10;
	_ =	sdelay $0x1  }
0x153: {  	v7 =	vld.idx.msk [tilespmem:v6+s19+$0x0], $0xffff  }
0x154: {  	v8 =	vor.u32 $0x1, v6  }
0x155: {  	[tilespmem:s3+$0xFFFFE800] =	vst v4  }
0x156: {  	v4 =	vld.idx.msk [tilespmem:v5+s19+$0x0], $0xffff  }
0x157: {  	s0 =	simm.s32 $0x12810;
	v5 =	vor.u32 $0x6, v10  }
0x158: {  	[tilespmem:s0+$0xFFFFE000] =	vst v7  }
0x159: {  	v7 =	vld.idx.msk [tilespmem:v8+s19+$0x0], $0xffff  }
0x15a: {  	v8 =	vor.u32 $0x2, v6  }
0x15b: {  	[tilespmem:s3+$0xFFFFEA00] =	vst v4  }
0x15c: {  	v4 =	vld.idx.msk [tilespmem:v5+s19+$0x0], $0xffff  }
0x15d: {  	v5 =	vor.u32 $0x7, v10  }
0x15e: {  	[tilespmem:s0+$0xFFFFE200] =	vst v7  }
0x15f: {  	v7 =	vld.idx.msk [tilespmem:v8+s19+$0x0], $0xffff  }
0x160: {  	v8 =	vor.u32 $0x3, v6  }
0x161: {  	[tilespmem:s3+$0xFFFFEC00] =	vst v4  }
0x162: {  	v4 =	vld.idx.msk [tilespmem:v5+s19+$0x0], $0xffff  }
0x163: {  	v5 =	vor.u32 $0x8, v10  }
0x164: {  	[tilespmem:s0+$0xFFFFE400] =	vst v7  }
0x165: {  	v7 =	vld.idx.msk [tilespmem:v8+s19+$0x0], $0xffff  }
0x166: {  	v8 =	vor.u32 $0x4, v6  }
0x167: {  	s22 =	simm.s32 $0x20;
	[tilespmem:s3+$0xFFFFEE00] =	vst v4  }
0x168: {  	v4 =	vmov s22;
	v5 =	vld.idx.msk [tilespmem:v5+s19+$0x0], $0xffff  }
0x169: {  	v9 =	vor.u32 $0x9, v10;
	v4 =	vshll.u32 v4, $0x5  }
0x16a: {  	[tilespmem:s0+$0xFFFFE600] =	vst v7;
	v4 =	vor.u32 v3, v4  }
0x16b: {  	v7 =	vld.idx.msk [tilespmem:v8+s19+$0x0], $0xffff  }
0x16c: {  	v8 =	vor.u32 $0x5, v6  }
0x16d: {  	[tilespmem:s3+$0xFFFFF000] =	vst v5  }
0x16e: {  	v5 =	vld.idx.msk [tilespmem:v9+s19+$0x0], $0xffff  }
0x16f: {  	v11 =	vor.u32 $0xA, v10;
	v9 =	vld.idx.msk [tilespmem:v4+s19+$0x0], $0xffff  }
0x170: {  	[tilespmem:s0+$0xFFFFE800] =	vst v7;
	v12 =	vor.u32 $0x1, v4  }
0x171: {  	v7 =	vld.idx.msk [tilespmem:v8+s19+$0x0], $0xffff  }
0x172: {  	v8 =	vor.u32 $0x6, v6  }
0x173: {  	s30 =	simm.s32 $0x12820;
	[tilespmem:s3+$0xFFFFF200] =	vst v5  }
0x174: {  	[tilespmem:s30+$0xFFFFE000] =	vst v9;
	v5 =	vld.idx.msk [tilespmem:v11+s19+$0x0], $0xffff  }
0x175: {  	v9 =	vld.idx.msk [tilespmem:v12+s19+$0x0], $0xffff;
	v11 =	vor.u32 $0xB, v10  }
0x176: {  	[tilespmem:s0+$0xFFFFEA00] =	vst v7;
	v12 =	vor.u32 $0x2, v4  }
0x177: {  	v7 =	vld.idx.msk [tilespmem:v8+s19+$0x0], $0xffff  }
0x178: {  	v8 =	vor.u32 $0x7, v6  }
0x179: {  	[tilespmem:s3+$0xFFFFF400] =	vst v5  }
0x17a: {  	[tilespmem:s30+$0xFFFFE200] =	vst v9;
	v5 =	vld.idx.msk [tilespmem:v11+s19+$0x0], $0xffff  }
0x17b: {  	v9 =	vld.idx.msk [tilespmem:v12+s19+$0x0], $0xffff;
	v11 =	vor.u32 $0xC, v10  }
0x17c: {  	[tilespmem:s0+$0xFFFFEC00] =	vst v7;
	v12 =	vor.u32 $0x3, v4  }
0x17d: {  	v7 =	vld.idx.msk [tilespmem:v8+s19+$0x0], $0xffff  }
0x17e: {  	v8 =	vor.u32 $0x8, v6  }
0x17f: {  	[tilespmem:s3+$0xFFFFF600] =	vst v5  }
0x180: {  	[tilespmem:s30+$0xFFFFE400] =	vst v9;
	v5 =	vld.idx.msk [tilespmem:v11+s19+$0x0], $0xffff  }
0x181: {  	v9 =	vld.idx.msk [tilespmem:v12+s19+$0x0], $0xffff;
	v11 =	vor.u32 $0xD, v10  }
0x182: {  	s23 =	simm.s32 $0x30;
	[tilespmem:s0+$0xFFFFEE00] =	vst v7;
	v12 =	vor.u32 $0x4, v4  }
0x183: {  	v7 =	vld.idx.msk [tilespmem:v8+s19+$0x0], $0xffff;
	v8 =	vmov s23  }
0x184: {  	v13 =	vor.u32 $0x9, v6;
	v8 =	vshll.u32 v8, $0x5  }
0x185: {  	[tilespmem:s3+$0xFFFFF800] =	vst v5;
	v5 =	vor.u32 v3, v8  }
0x186: {  	[tilespmem:s30+$0xFFFFE600] =	vst v9;
	v8 =	vld.idx.msk [tilespmem:v11+s19+$0x0], $0xffff  }
0x187: {  	v9 =	vld.idx.msk [tilespmem:v12+s19+$0x0], $0xffff;
	v11 =	vor.u32 $0xE, v10  }
0x188: {  	[tilespmem:s0+$0xFFFFF000] =	vst v7;
	v12 =	vor.u32 $0x5, v4  }
0x189: {  	v7 =	vld.idx.msk [tilespmem:v13+s19+$0x0], $0xffff  }
0x18a: {  	v14 =	vor.u32 $0xA, v6;
	v13 =	vld.idx.msk [tilespmem:v5+s19+$0x0], $0xffff  }
0x18b: {  	[tilespmem:s3+$0xFFFFFA00] =	vst v8;
	v8 =	vor.u32 $0x1, v5  }
0x18c: {  	[tilespmem:s30+$0xFFFFE800] =	vst v9;
	v9 =	vld.idx.msk [tilespmem:v11+s19+$0x0], $0xffff  }
0x18d: {  	v11 =	vld.idx.msk [tilespmem:v12+s19+$0x0], $0xffff;
	v12 =	vor.u32 $0xF, v10  }
0x18e: {  	s31 =	simm.s32 $0x12830;
	v15 =	vor.u32 $0x6, v4;
	[tilespmem:s0+$0xFFFFF200] =	vst v7  }
0x18f: {  	v7 =	vld.idx.msk [tilespmem:v14+s19+$0x0], $0xffff;
	[tilespmem:s31+$0xFFFFE000] =	vst v13  }
0x190: {  	v13 =	vor.u32 $0xB, v6;
	v8 =	vld.idx.msk [tilespmem:v8+s19+$0x0], $0xffff  }
0x191: {  	[tilespmem:s3+$0xFFFFFC00] =	vst v9;
	v9 =	vor.u32 $0x2, v5  }
0x192: {  	[tilespmem:s30+$0xFFFFEA00] =	vst v11;
	v11 =	vld.idx.msk [tilespmem:v12+s19+$0x0], $0xffff  }
0x193: {  	v14 =	vor.u32 $0x10, v10;
	v12 =	vld.idx.msk [tilespmem:v15+s19+$0x0], $0xffff  }
0x194: {  	[tilespmem:s0+$0xFFFFF400] =	vst v7;
	v15 =	vor.u32 $0x7, v4  }
0x195: {  	v7 =	vld.idx.msk [tilespmem:v13+s19+$0x0], $0xffff;
	[tilespmem:s31+$0xFFFFE200] =	vst v8  }
0x196: {  	v8 =	vld.idx.msk [tilespmem:v9+s19+$0x0], $0xffff;
	v9 =	vor.u32 $0xC, v6  }
0x197: {  	[tilespmem:s3+$0xFFFFFE00] =	vst v11;
	v11 =	vor.u32 $0x3, v5  }
0x198: {  	[tilespmem:s30+$0xFFFFEC00] =	vst v12;
	v12 =	vld.idx.msk [tilespmem:v14+s19+$0x0], $0xffff  }
0x199: {  	v13 =	vld.idx.msk [tilespmem:v15+s19+$0x0], $0xffff;
	v14 =	vor.u32 $0x11, v10  }
0x19a: {  	v15 =	vor.u32 $0x8, v4;
	[tilespmem:s0+$0xFFFFF600] =	vst v7  }
0x19b: {  	[tilespmem:s31+$0xFFFFE400] =	vst v8;
	v7 =	vld.idx.msk [tilespmem:v9+s19+$0x0], $0xffff  }
0x19c: {  	v9 =	vor.u32 $0xD, v6;
	v8 =	vld.idx.msk [tilespmem:v11+s19+$0x0], $0xffff  }
0x19d: {  	v11 =	vor.u32 $0x4, v5;
	[tilespmem:s3+$0x0] =	vst v12  }
0x19e: {  	s24 =	simm.s32 $0x40;
	[tilespmem:s30+$0xFFFFEE00] =	vst v13;
	v12 =	vld.idx.msk [tilespmem:v14+s19+$0x0], $0xffff  }
0x19f: {  	v13 =	vld.idx.msk [tilespmem:v15+s19+$0x0], $0xffff;
	v14 =	vmov s24;
	v15 =	vor.u32 $0x12, v10  }
0x1a0: {  	v16 =	vor.u32 $0x9, v4;
	v14 =	vshll.u32 v14, $0x5;
	[tilespmem:s0+$0xFFFFF800] =	vst v7  }
0x1a1: {  	v7 =	vor.u32 v3, v14;
	[tilespmem:s31+$0xFFFFE600] =	vst v8;
	v8 =	vld.idx.msk [tilespmem:v9+s19+$0x0], $0xffff  }
0x1a2: {  	v9 =	vld.idx.msk [tilespmem:v11+s19+$0x0], $0xffff;
	v11 =	vor.u32 $0xE, v6  }
0x1a3: {  	[tilespmem:s3+$0x200] =	vst v12;
	v12 =	vor.u32 $0x5, v5  }
0x1a4: {  	[tilespmem:s30+$0xFFFFF000] =	vst v13;
	v13 =	vld.idx.msk [tilespmem:v15+s19+$0x0], $0xffff  }
0x1a5: {  	v14 =	vld.idx.msk [tilespmem:v16+s19+$0x0], $0xffff;
	v15 =	vor.u32 $0x13, v10  }
0x1a6: {  	v17 =	vor.u32 $0xA, v4;
	v16 =	vld.idx.msk [tilespmem:v7+s19+$0x0], $0xffff;
	[tilespmem:s0+$0xFFFFFA00] =	vst v8  }
0x1a7: {  	v8 =	vor.u32 $0x1, v7;
	[tilespmem:s31+$0xFFFFE800] =	vst v9;
	v9 =	vld.idx.msk [tilespmem:v11+s19+$0x0], $0xffff  }
0x1a8: {  	v11 =	vld.idx.msk [tilespmem:v12+s19+$0x0], $0xffff;
	v12 =	vor.u32 $0xF, v6  }
0x1a9: {  	[tilespmem:s3+$0x400] =	vst v13;
	v13 =	vor.u32 $0x6, v5  }
0x1aa: {  	s2 =	simm.s32 $0x12840;
	[tilespmem:s30+$0xFFFFF200] =	vst v14;
	v14 =	vld.idx.msk [tilespmem:v15+s19+$0x0], $0xffff  }
0x1ab: {  	[tilespmem:s2+$0xFFFFE000] =	vst v16;
	v15 =	vld.idx.msk [tilespmem:v17+s19+$0x0], $0xffff;
	v16 =	vor.u32 $0x14, v10  }
0x1ac: {  	v17 =	vor.u32 $0xB, v4;
	v8 =	vld.idx.msk [tilespmem:v8+s19+$0x0], $0xffff;
	[tilespmem:s0+$0xFFFFFC00] =	vst v9  }
0x1ad: {  	v9 =	vor.u32 $0x2, v7;
	[tilespmem:s31+$0xFFFFEA00] =	vst v11;
	v11 =	vld.idx.msk [tilespmem:v12+s19+$0x0], $0xffff  }
0x1ae: {  	v12 =	vld.idx.msk [tilespmem:v13+s19+$0x0], $0xffff;
	v13 =	vor.u32 $0x10, v6  }
0x1af: {  	[tilespmem:s3+$0x600] =	vst v14;
	v14 =	vor.u32 $0x7, v5  }
0x1b0: {  	[tilespmem:s30+$0xFFFFF400] =	vst v15;
	v15 =	vld.idx.msk [tilespmem:v16+s19+$0x0], $0xffff  }
0x1b1: {  	[tilespmem:s2+$0xFFFFE200] =	vst v8;
	v8 =	vld.idx.msk [tilespmem:v17+s19+$0x0], $0xffff;
	v16 =	vor.u32 $0x15, v10  }
0x1b2: {  	v17 =	vor.u32 $0xC, v4;
	v9 =	vld.idx.msk [tilespmem:v9+s19+$0x0], $0xffff;
	[tilespmem:s0+$0xFFFFFE00] =	vst v11  }
0x1b3: {  	v11 =	vor.u32 $0x3, v7;
	[tilespmem:s31+$0xFFFFEC00] =	vst v12;
	v12 =	vld.idx.msk [tilespmem:v13+s19+$0x0], $0xffff  }
0x1b4: {  	v13 =	vld.idx.msk [tilespmem:v14+s19+$0x0], $0xffff;
	v14 =	vor.u32 $0x11, v6  }
0x1b5: {  	[tilespmem:s3+$0x800] =	vst v15;
	v15 =	vor.u32 $0x8, v5  }
0x1b6: {  	[tilespmem:s30+$0xFFFFF600] =	vst v8;
	v8 =	vld.idx.msk [tilespmem:v16+s19+$0x0], $0xffff  }
0x1b7: {  	[tilespmem:s2+$0xFFFFE400] =	vst v9;
	v9 =	vld.idx.msk [tilespmem:v17+s19+$0x0], $0xffff;
	v16 =	vor.u32 $0x16, v10  }
0x1b8: {  	v17 =	vor.u32 $0xD, v4;
	v11 =	vld.idx.msk [tilespmem:v11+s19+$0x0], $0xffff;
	[tilespmem:s0+$0x0] =	vst v12  }
0x1b9: {  	s25 =	simm.s32 $0x50;
	v12 =	vor.u32 $0x4, v7;
	[tilespmem:s31+$0xFFFFEE00] =	vst v13;
	v13 =	vld.idx.msk [tilespmem:v14+s19+$0x0], $0xffff  }
0x1ba: {  	v18 =	vor.u32 $0x12, v6;
	v14 =	vld.idx.msk [tilespmem:v15+s19+$0x0], $0xffff;
	v15 =	vmov s25  }
0x1bb: {  	[tilespmem:s3+$0xA00] =	vst v8;
	v8 =	vshll.u32 v15, $0x5;
	v15 =	vor.u32 $0x9, v5  }
0x1bc: {  	[tilespmem:s30+$0xFFFFF800] =	vst v9;
	v9 =	vld.idx.msk [tilespmem:v16+s19+$0x0], $0xffff;
	v8 =	vor.u32 v3, v8  }
0x1bd: {  	[tilespmem:s2+$0xFFFFE600] =	vst v11;
	v11 =	vld.idx.msk [tilespmem:v17+s19+$0x0], $0xffff;
	v16 =	vor.u32 $0x17, v10  }
0x1be: {  	v17 =	vor.u32 $0xE, v4;
	v12 =	vld.idx.msk [tilespmem:v12+s19+$0x0], $0xffff;
	[tilespmem:s0+$0x200] =	vst v13  }
0x1bf: {  	v13 =	vor.u32 $0x5, v7;
	[tilespmem:s31+$0xFFFFF000] =	vst v14;
	v14 =	vld.idx.msk [tilespmem:v18+s19+$0x0], $0xffff  }
0x1c0: {  	v18 =	vor.u32 $0x13, v6;
	v15 =	vld.idx.msk [tilespmem:v15+s19+$0x0], $0xffff  }
0x1c1: {  	v19 =	vld.idx.msk [tilespmem:v8+s19+$0x0], $0xffff;
	[tilespmem:s3+$0xC00] =	vst v9;
	v9 =	vor.u32 $0xA, v5  }
0x1c2: {  	[tilespmem:s30+$0xFFFFFA00] =	vst v11;
	v11 =	vld.idx.msk [tilespmem:v16+s19+$0x0], $0xffff;
	v16 =	vor.u32 $0x1, v8  }
0x1c3: {  	[tilespmem:s2+$0xFFFFE800] =	vst v12;
	v12 =	vld.idx.msk [tilespmem:v17+s19+$0x0], $0xffff;
	v17 =	vor.u32 $0x18, v10  }
0x1c4: {  	v20 =	vor.u32 $0xF, v4;
	v13 =	vld.idx.msk [tilespmem:v13+s19+$0x0], $0xffff;
	[tilespmem:s0+$0x400] =	vst v14  }
0x1c5: {  	s1 =	simm.s32 $0x12850;
	v14 =	vor.u32 $0x6, v7;
	[tilespmem:s31+$0xFFFFF200] =	vst v15;
	v15 =	vld.idx.msk [tilespmem:v18+s19+$0x0], $0xffff  }
0x1c6: {  	v18 =	vor.u32 $0x14, v6;
	[tilespmem:s1+$0xFFFFE000] =	vst v19;
	v9 =	vld.idx.msk [tilespmem:v9+s19+$0x0], $0xffff  }
0x1c7: {  	v16 =	vld.idx.msk [tilespmem:v16+s19+$0x0], $0xffff;
	[tilespmem:s3+$0xE00] =	vst v11;
	v11 =	vor.u32 $0xB, v5  }
0x1c8: {  	[tilespmem:s30+$0xFFFFFC00] =	vst v12;
	v12 =	vld.idx.msk [tilespmem:v17+s19+$0x0], $0xffff;
	v17 =	vor.u32 $0x2, v8  }
0x1c9: {  	v19 =	vor.u32 $0x19, v10;
	[tilespmem:s2+$0xFFFFEA00] =	vst v13;
	v13 =	vld.idx.msk [tilespmem:v20+s19+$0x0], $0xffff  }
0x1ca: {  	v20 =	vor.u32 $0x10, v4;
	v14 =	vld.idx.msk [tilespmem:v14+s19+$0x0], $0xffff;
	[tilespmem:s0+$0x600] =	vst v15  }
0x1cb: {  	v15 =	vor.u32 $0x7, v7;
	[tilespmem:s31+$0xFFFFF400] =	vst v9;
	v9 =	vld.idx.msk [tilespmem:v18+s19+$0x0], $0xffff  }
0x1cc: {  	[tilespmem:s1+$0xFFFFE200] =	vst v16;
	v11 =	vld.idx.msk [tilespmem:v11+s19+$0x0], $0xffff;
	v16 =	vor.u32 $0x15, v6  }
0x1cd: {  	v17 =	vld.idx.msk [tilespmem:v17+s19+$0x0], $0xffff;
	[tilespmem:s3+$0x1000] =	vst v12;
	v12 =	vor.u32 $0xC, v5  }
0x1ce: {  	v18 =	vor.u32 $0x3, v8;
	[tilespmem:s30+$0xFFFFFE00] =	vst v13;
	v13 =	vld.idx.msk [tilespmem:v19+s19+$0x0], $0xffff  }
0x1cf: {  	[tilespmem:s2+$0xFFFFEC00] =	vst v14;
	v14 =	vld.idx.msk [tilespmem:v20+s19+$0x0], $0xffff;
	v19 =	vor.u32 $0x1A, v10  }
0x1d0: {  	v20 =	vor.u32 $0x11, v4;
	v15 =	vld.idx.msk [tilespmem:v15+s19+$0x0], $0xffff;
	[tilespmem:s0+$0x800] =	vst v9  }
0x1d1: {  	v9 =	vor.u32 $0x8, v7;
	[tilespmem:s31+$0xFFFFF600] =	vst v11;
	v11 =	vld.idx.msk [tilespmem:v16+s19+$0x0], $0xffff  }
0x1d2: {  	v16 =	vor.u32 $0x16, v6;
	[tilespmem:s1+$0xFFFFE400] =	vst v17;
	v12 =	vld.idx.msk [tilespmem:v12+s19+$0x0], $0xffff  }
0x1d3: {  	v17 =	vld.idx.msk [tilespmem:v18+s19+$0x0], $0xffff;
	[tilespmem:s3+$0x1200] =	vst v13;
	v13 =	vor.u32 $0xD, v5  }
0x1d4: {  	[tilespmem:s30+$0x0] =	vst v14;
	v18 =	vor.u32 $0x4, v8;
	v14 =	vld.idx.msk [tilespmem:v19+s19+$0x0], $0xffff  }
0x1d5: {  	s4 =	simm.s32 $0x60;
	[tilespmem:s2+$0xFFFFEE00] =	vst v15;
	v15 =	vld.idx.msk [tilespmem:v20+s19+$0x0], $0xffff;
	v19 =	vor.u32 $0x1B, v10  }
0x1d6: {  	v21 =	vor.u32 $0x12, v4;
	v20 =	vld.idx.msk [tilespmem:v9+s19+$0x0], $0xffff;
	v9 =	vmov s4;
	[tilespmem:s0+$0xA00] =	vst v11  }
0x1d7: {  	v9 =	vshll.u32 v9, $0x5;
	v11 =	vor.u32 $0x9, v7;
	[tilespmem:s31+$0xFFFFF800] =	vst v12;
	v12 =	vld.idx.msk [tilespmem:v16+s19+$0x0], $0xffff  }
0x1d8: {  	v9 =	vor.u32 v3, v9;
	[tilespmem:s1+$0xFFFFE600] =	vst v17;
	v13 =	vld.idx.msk [tilespmem:v13+s19+$0x0], $0xffff  }
0x1d9: {  	v17 =	vor.u32 $0x17, v6;
	v16 =	vld.idx.msk [tilespmem:v18+s19+$0x0], $0xffff;
	[tilespmem:s3+$0x1400] =	vst v14  }
0x1da: {  	v14 =	vor.u32 $0xE, v5;
	[tilespmem:s30+$0x200] =	vst v15;
	v15 =	vld.idx.msk [tilespmem:v19+s19+$0x0], $0xffff  }
0x1db: {  	v18 =	vor.u32 $0x5, v8;
	[tilespmem:s2+$0xFFFFF000] =	vst v20;
	v19 =	vld.idx.msk [tilespmem:v21+s19+$0x0], $0xffff  }
0x1dc: {  	v20 =	vor.u32 $0x1C, v10;
	v11 =	vld.idx.msk [tilespmem:v11+s19+$0x0], $0xffff  }
0x1dd: {  	v22 =	vor.u32 $0x13, v4;
	v21 =	vld.idx.msk [tilespmem:v9+s19+$0x0], $0xffff;
	[tilespmem:s0+$0xC00] =	vst v12  }
0x1de: {  	v12 =	vor.u32 $0xA, v7;
	[tilespmem:s31+$0xFFFFFA00] =	vst v13;
	v13 =	vld.idx.msk [tilespmem:v17+s19+$0x0], $0xffff  }
0x1df: {  	v17 =	vor.u32 $0x1, v9;
	[tilespmem:s1+$0xFFFFE800] =	vst v16;
	v14 =	vld.idx.msk [tilespmem:v14+s19+$0x0], $0xffff  }
0x1e0: {  	v16 =	vld.idx.msk [tilespmem:v18+s19+$0x0], $0xffff;
	v18 =	vor.u32 $0x18, v6;
	[tilespmem:s3+$0x1600] =	vst v15  }
0x1e1: {  	v15 =	vor.u32 $0xF, v5;
	[tilespmem:s30+$0x400] =	vst v19;
	v19 =	vld.idx.msk [tilespmem:v20+s19+$0x0], $0xffff  }
0x1e2: {  	s14 =	simm.s32 $0x12860;
	v20 =	vor.u32 $0x6, v8;
	[tilespmem:s2+$0xFFFFF200] =	vst v11;
	v11 =	vld.idx.msk [tilespmem:v22+s19+$0x0], $0xffff  }
0x1e3: {  	[tilespmem:s14+$0xFFFFE000] =	vst v21;
	v12 =	vld.idx.msk [tilespmem:v12+s19+$0x0], $0xffff;
	v21 =	vor.u32 $0x1D, v10  }
0x1e4: {  	v22 =	vor.u32 $0x14, v4;
	v17 =	vld.idx.msk [tilespmem:v17+s19+$0x0], $0xffff;
	[tilespmem:s0+$0xE00] =	vst v13  }
0x1e5: {  	v13 =	vor.u32 $0xB, v7;
	[tilespmem:s31+$0xFFFFFC00] =	vst v14;
	v14 =	vld.idx.msk [tilespmem:v18+s19+$0x0], $0xffff  }
0x1e6: {  	v18 =	vor.u32 $0x2, v9;
	[tilespmem:s1+$0xFFFFEA00] =	vst v16;
	v15 =	vld.idx.msk [tilespmem:v15+s19+$0x0], $0xffff  }
0x1e7: {  	v16 =	vld.idx.msk [tilespmem:v20+s19+$0x0], $0xffff;
	v20 =	vor.u32 $0x19, v6;
	[tilespmem:s3+$0x1800] =	vst v19  }
0x1e8: {  	v19 =	vor.u32 $0x10, v5;
	[tilespmem:s30+$0x600] =	vst v11;
	v11 =	vld.idx.msk [tilespmem:v21+s19+$0x0], $0xffff  }
0x1e9: {  	v21 =	vor.u32 $0x7, v8;
	[tilespmem:s2+$0xFFFFF400] =	vst v12;
	v12 =	vld.idx.msk [tilespmem:v22+s19+$0x0], $0xffff  }
0x1ea: {  	[tilespmem:s14+$0xFFFFE200] =	vst v17;
	v13 =	vld.idx.msk [tilespmem:v13+s19+$0x0], $0xffff;
	v17 =	vor.u32 $0x1E, v10  }
0x1eb: {  	v22 =	vor.u32 $0x15, v4;
	v18 =	vld.idx.msk [tilespmem:v18+s19+$0x0], $0xffff;
	[tilespmem:s0+$0x1000] =	vst v14  }
0x1ec: {  	v14 =	vor.u32 $0xC, v7;
	[tilespmem:s31+$0xFFFFFE00] =	vst v15;
	v15 =	vld.idx.msk [tilespmem:v20+s19+$0x0], $0xffff  }
0x1ed: {  	v20 =	vor.u32 $0x3, v9;
	[tilespmem:s1+$0xFFFFEC00] =	vst v16;
	v16 =	vld.idx.msk [tilespmem:v19+s19+$0x0], $0xffff  }
0x1ee: {  	v19 =	vld.idx.msk [tilespmem:v21+s19+$0x0], $0xffff;
	v21 =	vor.u32 $0x1A, v6;
	[tilespmem:s3+$0x1A00] =	vst v11  }
0x1ef: {  	v11 =	vor.u32 $0x11, v5;
	[tilespmem:s30+$0x800] =	vst v12;
	v12 =	vld.idx.msk [tilespmem:v17+s19+$0x0], $0xffff  }
0x1f0: {  	v23 =	vor.u32 $0x8, v8;
	[tilespmem:s2+$0xFFFFF600] =	vst v13;
	v22 =	vld.idx.msk [tilespmem:v22+s19+$0x0], $0xffff  }
0x1f1: {  	v63 =	vor.u32 $0x1F, v10;
	[tilespmem:s14+$0xFFFFE400] =	vst v18;
	v17 =	vld.idx.msk [tilespmem:v14+s19+$0x0], $0xffff  }
0x1f2: {  	v13 =	vor.u32 $0x16, v4;
	v20 =	vld.idx.msk [tilespmem:v20+s19+$0x0], $0xffff;
	[tilespmem:s0+$0x1200] =	vst v15  }
0x1f3: {  	v18 =	vor.u32 $0xD, v7;
	[tilespmem:s31+$0x0] =	vst v16;
	v14 =	vld.idx.msk [tilespmem:v21+s19+$0x0], $0xffff  }
0x1f4: {  	[tilespmem:s1+$0xFFFFEE00] =	vst v19;
	v15 =	vld.idx.msk [tilespmem:v11+s19+$0x0], $0xffff;
	v21 =	vor.u32 $0x4, v9  }
0x1f5: {  	s26 =	simm.s32 $0x70;
	v11 =	vor.u32 $0x1B, v6;
	v19 =	vld.idx.msk [tilespmem:v23+s19+$0x0], $0xffff;
	[tilespmem:s3+$0x1C00] =	vst v12  }
0x1f6: {  	s4 =	simm.s32 $0x80;
	v10 =	vmov s26;
	v12 =	vor.u32 $0x12, v5;
	[tilespmem:s30+$0xA00] =	vst v22;
	v16 =	vld.idx.msk [tilespmem:v63+s19+$0x0], $0xffff  }
.LBB2_6:
0x1f7: {  	p0 =	sne.s32 s4, $0x1F0;
	v10 =	vshll.u32 v10, $0x5;
	v22 =	vor.u32 $0x9, v8;
	[tilespmem:s2+$0xFFFFF800] =	vst v17;
	v13 =	vld.idx.msk [tilespmem:v13+s19+$0x0], $0xffff  }
0x1f8: {  	v10 =	vor.u32 v3, v10;
	[tilespmem:s14+$0xFFFFE600] =	vst v20;
	v17 =	vld.idx.msk [tilespmem:v18+s19+$0x0], $0xffff  }
0x1f9: {  	v20 =	vor.u32 $0x17, v4;
	v18 =	vld.idx.msk [tilespmem:v21+s19+$0x0], $0xffff;
	[tilespmem:s0+$0x1400] =	vst v14  }
0x1fa: {  	v14 =	vor.u32 $0xE, v7;
	[tilespmem:s31+$0x200] =	vst v15;
	v11 =	vld.idx.msk [tilespmem:v11+s19+$0x0], $0xffff  }
0x1fb: {  	v15 =	vor.u32 $0x5, v9;
	[tilespmem:s1+$0xFFFFF000] =	vst v19;
	v12 =	vld.idx.msk [tilespmem:v12+s19+$0x0], $0xffff  }
0x1fc: {  	v21 =	vor.u32 $0x1C, v6;
	v19 =	vld.idx.msk [tilespmem:v22+s19+$0x0], $0xffff;
	[tilespmem:s3+$0x1E00] =	vst v16;
	s3 =	smov.u32 s0;
	s0 =	smov.u32 s30;
	s30 =	smov.u32 s31  }
0x1fd: {  	v22 =	vor.u32 $0x13, v5;
	s31 =	smov.u32 s2;
	s2 =	smov.u32 s1;
	s1 =	smov.u32 s14;
	v16 =	vld.idx.msk [tilespmem:v10+s19+$0x0], $0xffff;
	[tilespmem:s0+$0xC00] =	vst v13  }
0x1fe: {  	v13 =	vor.u32 $0xA, v8;
	[tilespmem:s31+$0xFFFFFA00] =	vst v17;
	v17 =	vld.idx.msk [tilespmem:v20+s19+$0x0], $0xffff  }
0x1ff: {  	v20 =	vor.u32 $0x1, v10;
	[tilespmem:s14+$0xFFFFE800] =	vst v18;
	v14 =	vld.idx.msk [tilespmem:v14+s19+$0x0], $0xffff  }
0x200: {  	v18 =	vor.u32 $0x18, v4;
	v15 =	vld.idx.msk [tilespmem:v15+s19+$0x0], $0xffff;
	[tilespmem:s3+$0x1600] =	vst v11  }
0x201: {  	v11 =	vor.u32 $0xF, v7;
	[tilespmem:s30+$0x400] =	vst v12;
	v12 =	vld.idx.msk [tilespmem:v21+s19+$0x0], $0xffff  }
0x202: {  	s14 =	sadd.s32 $0x10, s14;
	v21 =	vor.u32 $0x6, v9;
	[tilespmem:s2+$0xFFFFF200] =	vst v19;
	v19 =	vld.idx.msk [tilespmem:v22+s19+$0x0], $0xffff  }
0x203: {  	[tilespmem:s14+$0xFFFFE000] =	vst v16;
	v13 =	vld.idx.msk [tilespmem:v13+s19+$0x0], $0xffff;
	v16 =	vor.u32 $0x1D, v6  }
0x204: {  	v22 =	vor.u32 $0x14, v5;
	v20 =	vld.idx.msk [tilespmem:v20+s19+$0x0], $0xffff;
	[tilespmem:s0+$0xE00] =	vst v17  }
0x205: {  	v17 =	vor.u32 $0xB, v8;
	[tilespmem:s31+$0xFFFFFC00] =	vst v14;
	v14 =	vld.idx.msk [tilespmem:v18+s19+$0x0], $0xffff  }
0x206: {  	v18 =	vor.u32 $0x2, v10;
	[tilespmem:s1+$0xFFFFEA00] =	vst v15;
	v11 =	vld.idx.msk [tilespmem:v11+s19+$0x0], $0xffff  }
0x207: {  	v15 =	vld.idx.msk [tilespmem:v21+s19+$0x0], $0xffff;
	v21 =	vor.u32 $0x19, v4;
	[tilespmem:s3+$0x1800] =	vst v12  }
0x208: {  	v12 =	vor.u32 $0x10, v7;
	[tilespmem:s30+$0x600] =	vst v19;
	v16 =	vld.idx.msk [tilespmem:v16+s19+$0x0], $0xffff  }
0x209: {  	v19 =	vor.u32 $0x7, v9;
	[tilespmem:s2+$0xFFFFF400] =	vst v13;
	v13 =	vld.idx.msk [tilespmem:v22+s19+$0x0], $0xffff  }
0x20a: {  	[tilespmem:s14+$0xFFFFE200] =	vst v20;
	v17 =	vld.idx.msk [tilespmem:v17+s19+$0x0], $0xffff;
	v20 =	vor.u32 $0x1E, v6  }
0x20b: {  	v22 =	vor.u32 $0x15, v5;
	v18 =	vld.idx.msk [tilespmem:v18+s19+$0x0], $0xffff;
	[tilespmem:s0+$0x1000] =	vst v14  }
0x20c: {  	v14 =	vor.u32 $0xC, v8;
	[tilespmem:s31+$0xFFFFFE00] =	vst v11;
	v11 =	vld.idx.msk [tilespmem:v21+s19+$0x0], $0xffff  }
0x20d: {  	v21 =	vor.u32 $0x3, v10;
	[tilespmem:s1+$0xFFFFEC00] =	vst v15;
	v12 =	vld.idx.msk [tilespmem:v12+s19+$0x0], $0xffff  }
0x20e: {  	v15 =	vld.idx.msk [tilespmem:v19+s19+$0x0], $0xffff;
	v19 =	vor.u32 $0x1A, v4;
	[tilespmem:s3+$0x1A00] =	vst v16  }
0x20f: {  	v16 =	vor.u32 $0x11, v7;
	[tilespmem:s30+$0x800] =	vst v13;
	v23 =	vld.idx.msk [tilespmem:v20+s19+$0x0], $0xffff  }
0x210: {  	v24 =	vor.u32 $0x8, v9;
	[tilespmem:s2+$0xFFFFF600] =	vst v17;
	v22 =	vld.idx.msk [tilespmem:v22+s19+$0x0], $0xffff  }
0x211: {  	v25 =	vor.u32 $0x1F, v6;
	v6 =	vmovc v4;
	v4 =	vmovc v5;
	v5 =	vmov v7;
	v7 =	vmov v8;
	[tilespmem:s14+$0xFFFFE400] =	vst v18;
	v17 =	vld.idx.msk [tilespmem:v14+s19+$0x0], $0xffff  }
.Ltmp2:
0x212: {  	v8 =	vmov v9;
	v9 =	vmov v10;
	v13 =	vor.u32 $0x16, v4;
	v20 =	vld.idx.msk [tilespmem:v21+s19+$0x0], $0xffff;
	[tilespmem:s0+$0x1200] =	vst v11;
	(pc) =	sbr.rel @p0 .LBB2_6-.Ltmp2, $4  }
0x213: {  	v18 =	vor.u32 $0xD, v7;
	[tilespmem:s31+$0x0] =	vst v12;
	v14 =	vld.idx.msk [tilespmem:v19+s19+$0x0], $0xffff  }
0x214: {  	v21 =	vor.u32 $0x4, v9;
	[tilespmem:s1+$0xFFFFEE00] =	vst v15;
	v15 =	vld.idx.msk [tilespmem:v16+s19+$0x0], $0xffff  }
0x215: {  	v11 =	vor.u32 $0x1B, v6;
	v19 =	vld.idx.msk [tilespmem:v24+s19+$0x0], $0xffff;
	[tilespmem:s3+$0x1C00] =	vst v23  }
0x216: {  	v10 =	vmov s4;
	s4 =	sadd.s32 $0x10, s4;
	v12 =	vor.u32 $0x12, v5;
	[tilespmem:s30+$0xA00] =	vst v22;
	v16 =	vld.idx.msk [tilespmem:v25+s19+$0x0], $0xffff  }
0x217: {  	v10 =	vshll.u32 v10, $0x5  }
0x218: {  	v10 =	vor.u32 v3, v10;
	_ =	sdelay $0x4  }
0x219: {  	v22 =	vld.idx.msk [tilespmem:v10+s19+$0x0], $0xffff  }
0x21a: {  	v23 =	vor.u32 $0x1, v10;
	_ =	sdelay $0x2  }
0x21b: {  	s15 =	sadd.s32 $0x10, s14  }
0x21c: {  	[tilespmem:s15+$0xFFFFE000] =	vst v22  }
0x21d: {  	v22 =	vld.idx.msk [tilespmem:v23+s19+$0x0], $0xffff  }
0x21e: {  	v50 =	vor.u32 $0x2, v10;
	_ =	sdelay $0x3  }
0x21f: {  	[tilespmem:s15+$0xFFFFE200] =	vst v22  }
0x220: {  	v22 =	vld.idx.msk [tilespmem:v50+s19+$0x0], $0xffff  }
0x221: {  	v51 =	vor.u32 $0x3, v10;
	_ =	sdelay $0x3  }
0x222: {  	[tilespmem:s15+$0xFFFFE400] =	vst v22  }
0x223: {  	v22 =	vld.idx.msk [tilespmem:v51+s19+$0x0], $0xffff  }
0x224: {  	v52 =	vor.u32 $0x4, v10;
	_ =	sdelay $0x2  }
0x225: {  	[tilespmem:s14+$0xFFFFE600] =	vst v20  }
0x226: {  	v20 =	vld.idx.msk [tilespmem:v21+s19+$0x0], $0xffff;
	[tilespmem:s15+$0xFFFFE600] =	vst v22  }
0x227: {  	v53 =	vor.u32 $0x5, v9;
	v22 =	vld.idx.msk [tilespmem:v52+s19+$0x0], $0xffff  }
0x228: {  	v54 =	vor.u32 $0x5, v10;
	_ =	sdelay $0x2  }
0x229: {  	[tilespmem:s14+$0xFFFFE800] =	vst v20  }
0x22a: {  	v20 =	vld.idx.msk [tilespmem:v53+s19+$0x0], $0xffff;
	[tilespmem:s15+$0xFFFFE800] =	vst v22  }
0x22b: {  	v55 =	vor.u32 $0x6, v9;
	v22 =	vld.idx.msk [tilespmem:v54+s19+$0x0], $0xffff  }
0x22c: {  	v56 =	vor.u32 $0x6, v10;
	_ =	sdelay $0x2  }
0x22d: {  	[tilespmem:s14+$0xFFFFEA00] =	vst v20  }
0x22e: {  	v20 =	vld.idx.msk [tilespmem:v55+s19+$0x0], $0xffff;
	[tilespmem:s15+$0xFFFFEA00] =	vst v22  }
0x22f: {  	v57 =	vor.u32 $0x7, v9;
	v22 =	vld.idx.msk [tilespmem:v56+s19+$0x0], $0xffff  }
0x230: {  	v58 =	vor.u32 $0x7, v10;
	_ =	sdelay $0x2  }
0x231: {  	[tilespmem:s14+$0xFFFFEC00] =	vst v20  }
0x232: {  	v20 =	vld.idx.msk [tilespmem:v57+s19+$0x0], $0xffff;
	[tilespmem:s15+$0xFFFFEC00] =	vst v22  }
0x233: {  	v59 =	vor.u32 $0x8, v9;
	v22 =	vld.idx.msk [tilespmem:v58+s19+$0x0], $0xffff  }
0x234: {  	v60 =	vor.u32 $0x8, v10;
	_ =	sdelay $0x2  }
0x235: {  	[tilespmem:s14+$0xFFFFEE00] =	vst v20  }
0x236: {  	v61 =	vor.u32 $0x9, v8;
	v21 =	vld.idx.msk [tilespmem:v59+s19+$0x0], $0xffff;
	[tilespmem:s15+$0xFFFFEE00] =	vst v22  }
0x237: {  	v62 =	vor.u32 $0x9, v9;
	v23 =	vld.idx.msk [tilespmem:v60+s19+$0x0], $0xffff  }
0x238: {  	v24 =	vor.u32 $0x9, v10;
	_ =	sdelay $0x1  }
0x239: {  	[tilespmem:s1+$0xFFFFF000] =	vst v19  }
0x23a: {  	v19 =	vld.idx.msk [tilespmem:v61+s19+$0x0], $0xffff;
	[tilespmem:s14+$0xFFFFF000] =	vst v21  }
0x23b: {  	v63 =	vor.u32 $0xA, v8;
	v21 =	vld.idx.msk [tilespmem:v62+s19+$0x0], $0xffff;
	[tilespmem:s15+$0xFFFFF000] =	vst v23  }
0x23c: {  	v28 =	vor.u32 $0xA, v9;
	v23 =	vld.idx.msk [tilespmem:v24+s19+$0x0], $0xffff  }
0x23d: {  	v29 =	vor.u32 $0xA, v10;
	_ =	sdelay $0x1  }
0x23e: {  	[tilespmem:s1+$0xFFFFF200] =	vst v19  }
0x23f: {  	v19 =	vld.idx.msk [tilespmem:v63+s19+$0x0], $0xffff;
	[tilespmem:s14+$0xFFFFF200] =	vst v21  }
0x240: {  	v30 =	vor.u32 $0xB, v8;
	v21 =	vld.idx.msk [tilespmem:v28+s19+$0x0], $0xffff;
	[tilespmem:s15+$0xFFFFF200] =	vst v23  }
0x241: {  	v31 =	vor.u32 $0xB, v9;
	v23 =	vld.idx.msk [tilespmem:v29+s19+$0x0], $0xffff  }
0x242: {  	v32 =	vor.u32 $0xB, v10;
	_ =	sdelay $0x1  }
0x243: {  	[tilespmem:s1+$0xFFFFF400] =	vst v19  }
0x244: {  	v19 =	vld.idx.msk [tilespmem:v30+s19+$0x0], $0xffff;
	[tilespmem:s14+$0xFFFFF400] =	vst v21  }
0x245: {  	v33 =	vor.u32 $0xC, v8;
	v21 =	vld.idx.msk [tilespmem:v31+s19+$0x0], $0xffff;
	[tilespmem:s15+$0xFFFFF400] =	vst v23  }
0x246: {  	v34 =	vor.u32 $0xC, v9;
	v23 =	vld.idx.msk [tilespmem:v32+s19+$0x0], $0xffff  }
0x247: {  	v35 =	vor.u32 $0xC, v10;
	_ =	sdelay $0x1  }
0x248: {  	[tilespmem:s1+$0xFFFFF600] =	vst v19  }
0x249: {  	v19 =	vld.idx.msk [tilespmem:v33+s19+$0x0], $0xffff;
	[tilespmem:s14+$0xFFFFF600] =	vst v21  }
0x24a: {  	v36 =	vor.u32 $0xD, v8;
	v21 =	vld.idx.msk [tilespmem:v34+s19+$0x0], $0xffff;
	[tilespmem:s15+$0xFFFFF600] =	vst v23  }
0x24b: {  	v37 =	vor.u32 $0xD, v9;
	v23 =	vld.idx.msk [tilespmem:v35+s19+$0x0], $0xffff  }
0x24c: {  	[tilespmem:s2+$0xFFFFF800] =	vst v17;
	v38 =	vor.u32 $0xD, v10  }
0x24d: {  	v17 =	vld.idx.msk [tilespmem:v18+s19+$0x0], $0xffff  }
0x24e: {  	v39 =	vor.u32 $0xE, v7;
	[tilespmem:s1+$0xFFFFF800] =	vst v19  }
0x24f: {  	v19 =	vld.idx.msk [tilespmem:v36+s19+$0x0], $0xffff;
	[tilespmem:s14+$0xFFFFF800] =	vst v21  }
0x250: {  	v40 =	vor.u32 $0xE, v8;
	v21 =	vld.idx.msk [tilespmem:v37+s19+$0x0], $0xffff;
	[tilespmem:s15+$0xFFFFF800] =	vst v23  }
0x251: {  	v41 =	vor.u32 $0xE, v9;
	v23 =	vld.idx.msk [tilespmem:v38+s19+$0x0], $0xffff  }
0x252: {  	v42 =	vor.u32 $0xE, v10;
	[tilespmem:s2+$0xFFFFFA00] =	vst v17  }
0x253: {  	v17 =	vld.idx.msk [tilespmem:v39+s19+$0x0], $0xffff  }
0x254: {  	v43 =	vor.u32 $0xF, v7;
	[tilespmem:s1+$0xFFFFFA00] =	vst v19  }
0x255: {  	v19 =	vld.idx.msk [tilespmem:v40+s19+$0x0], $0xffff;
	[tilespmem:s14+$0xFFFFFA00] =	vst v21  }
0x256: {  	v44 =	vor.u32 $0xF, v8;
	v21 =	vld.idx.msk [tilespmem:v41+s19+$0x0], $0xffff;
	[tilespmem:s15+$0xFFFFFA00] =	vst v23  }
0x257: {  	v45 =	vor.u32 $0xF, v9;
	v23 =	vld.idx.msk [tilespmem:v42+s19+$0x0], $0xffff  }
0x258: {  	v46 =	vor.u32 $0xF, v10;
	[tilespmem:s2+$0xFFFFFC00] =	vst v17  }
0x259: {  	v17 =	vld.idx.msk [tilespmem:v43+s19+$0x0], $0xffff  }
0x25a: {  	v47 =	vor.u32 $0x10, v7;
	[tilespmem:s1+$0xFFFFFC00] =	vst v19  }
0x25b: {  	v19 =	vld.idx.msk [tilespmem:v44+s19+$0x0], $0xffff;
	[tilespmem:s14+$0xFFFFFC00] =	vst v21  }
0x25c: {  	v48 =	vor.u32 $0x10, v8;
	v21 =	vld.idx.msk [tilespmem:v45+s19+$0x0], $0xffff;
	[tilespmem:s15+$0xFFFFFC00] =	vst v23  }
0x25d: {  	v49 =	vor.u32 $0x10, v9;
	v23 =	vld.idx.msk [tilespmem:v46+s19+$0x0], $0xffff  }
0x25e: {  	v50 =	vor.u32 $0x10, v10;
	[tilespmem:s2+$0xFFFFFE00] =	vst v17  }
0x25f: {  	v17 =	vld.idx.msk [tilespmem:v47+s19+$0x0], $0xffff  }
0x260: {  	v51 =	vor.u32 $0x11, v7;
	[tilespmem:s1+$0xFFFFFE00] =	vst v19  }
0x261: {  	v19 =	vld.idx.msk [tilespmem:v48+s19+$0x0], $0xffff;
	[tilespmem:s14+$0xFFFFFE00] =	vst v21  }
0x262: {  	v52 =	vor.u32 $0x11, v8;
	v21 =	vld.idx.msk [tilespmem:v49+s19+$0x0], $0xffff;
	[tilespmem:s15+$0xFFFFFE00] =	vst v23  }
0x263: {  	[tilespmem:s0+$0x1400] =	vst v14;
	v53 =	vor.u32 $0x11, v9;
	v54 =	vld.idx.msk [tilespmem:v50+s19+$0x0], $0xffff  }
0x264: {  	v55 =	vor.u32 $0x11, v10;
	[tilespmem:s2+$0x0] =	vst v17  }
0x265: {  	[tilespmem:s31+$0x200] =	vst v15;
	v17 =	vld.idx.msk [tilespmem:v51+s19+$0x0], $0xffff  }
0x266: {  	v13 =	vld.idx.msk [tilespmem:v13+s19+$0x0], $0xffff;
	v56 =	vor.u32 $0x12, v7;
	[tilespmem:s1+$0x0] =	vst v19  }
0x267: {  	v19 =	vld.idx.msk [tilespmem:v52+s19+$0x0], $0xffff;
	[tilespmem:s14+$0x0] =	vst v21  }
0x268: {  	v57 =	vor.u32 $0x12, v8;
	v14 =	vld.idx.msk [tilespmem:v53+s19+$0x0], $0xffff;
	[tilespmem:s15+$0x0] =	vst v54  }
0x269: {  	[tilespmem:s3+$0x1E00] =	vst v16;
	v58 =	vor.u32 $0x12, v9;
	v15 =	vld.idx.msk [tilespmem:v55+s19+$0x0], $0xffff  }
0x26a: {  	v12 =	vld.idx.msk [tilespmem:v12+s19+$0x0], $0xffff;
	v59 =	vor.u32 $0x12, v10;
	[tilespmem:s2+$0x200] =	vst v17  }
0x26b: {  	[tilespmem:s30+$0xC00] =	vst v13;
	v61 =	vor.u32 $0x13, v5;
	v18 =	vld.idx.msk [tilespmem:v56+s19+$0x0], $0xffff  }
0x26c: {  	v11 =	vld.idx.msk [tilespmem:v11+s19+$0x0], $0xffff;
	v62 =	vor.u32 $0x13, v7;
	[tilespmem:s1+$0x200] =	vst v19  }
0x26d: {  	v60 =	vor.u32 $0x17, v4;
	v20 =	vld.idx.msk [tilespmem:v57+s19+$0x0], $0xffff;
	[tilespmem:s14+$0x200] =	vst v14  }
0x26e: {  	v63 =	vor.u32 $0x13, v8;
	v16 =	vld.idx.msk [tilespmem:v58+s19+$0x0], $0xffff;
	[tilespmem:s15+$0x200] =	vst v15  }
0x26f: {  	[tilespmem:s31+$0x400] =	vst v12;
	v24 =	vor.u32 $0x13, v9;
	v13 =	vld.idx.msk [tilespmem:v59+s19+$0x0], $0xffff  }
0x270: {  	v26 =	vor.u32 $0x13, v10;
	v17 =	vld.idx.msk [tilespmem:v61+s19+$0x0], $0xffff;
	[tilespmem:s2+$0x400] =	vst v18  }
0x271: {  	[tilespmem:s0+$0x1600] =	vst v11;
	v28 =	vor.u32 $0x14, v5;
	v19 =	vld.idx.msk [tilespmem:v62+s19+$0x0], $0xffff  }
0x272: {  	v25 =	vld.idx.msk [tilespmem:v60+s19+$0x0], $0xffff;
	[tilespmem:s1+$0x400] =	vst v20;
	v29 =	vor.u32 $0x14, v7  }
0x273: {  	v34 =	vor.u32 $0x18, v4;
	v14 =	vld.idx.msk [tilespmem:v63+s19+$0x0], $0xffff;
	[tilespmem:s14+$0x400] =	vst v16  }
0x274: {  	v30 =	vor.u32 $0x14, v8;
	v11 =	vld.idx.msk [tilespmem:v24+s19+$0x0], $0xffff;
	[tilespmem:s15+$0x400] =	vst v13  }
0x275: {  	[tilespmem:s31+$0x600] =	vst v17;
	v31 =	vor.u32 $0x14, v9;
	v12 =	vld.idx.msk [tilespmem:v26+s19+$0x0], $0xffff  }
0x276: {  	v33 =	vor.u32 $0x14, v10;
	v18 =	vld.idx.msk [tilespmem:v28+s19+$0x0], $0xffff;
	[tilespmem:s2+$0x600] =	vst v19  }
0x277: {  	[tilespmem:s30+$0xE00] =	vst v25;
	v20 =	vld.idx.msk [tilespmem:v29+s19+$0x0], $0xffff;
	v35 =	vor.u32 $0x15, v5  }
0x278: {  	v36 =	vor.u32 $0x15, v7;
	v40 =	vld.idx.msk [tilespmem:v34+s19+$0x0], $0xffff;
	[tilespmem:s1+$0x600] =	vst v14  }
0x279: {  	v27 =	vor.u32 $0x1C, v6;
	v16 =	vld.idx.msk [tilespmem:v30+s19+$0x0], $0xffff;
	[tilespmem:s14+$0x600] =	vst v11  }
0x27a: {  	v37 =	vor.u32 $0x15, v8;
	v13 =	vld.idx.msk [tilespmem:v31+s19+$0x0], $0xffff;
	[tilespmem:s15+$0x600] =	vst v12  }
0x27b: {  	[tilespmem:s31+$0x800] =	vst v18;
	v38 =	vor.u32 $0x15, v9;
	v39 =	vld.idx.msk [tilespmem:v33+s19+$0x0], $0xffff  }
0x27c: {  	v41 =	vor.u32 $0x15, v10;
	[tilespmem:s2+$0x800] =	vst v20;
	v19 =	vld.idx.msk [tilespmem:v35+s19+$0x0], $0xffff  }
0x27d: {  	v43 =	vor.u32 $0x16, v5;
	[tilespmem:s30+$0x1000] =	vst v40;
	v14 =	vld.idx.msk [tilespmem:v36+s19+$0x0], $0xffff  }
0x27e: {  	v44 =	vor.u32 $0x16, v7;
	v32 =	vld.idx.msk [tilespmem:v27+s19+$0x0], $0xffff;
	[tilespmem:s1+$0x800] =	vst v16  }
0x27f: {  	v42 =	vor.u32 $0x1D, v6;
	v11 =	vld.idx.msk [tilespmem:v37+s19+$0x0], $0xffff;
	[tilespmem:s14+$0x800] =	vst v13  }
0x280: {  	v45 =	vor.u32 $0x16, v8;
	v12 =	vld.idx.msk [tilespmem:v38+s19+$0x0], $0xffff;
	[tilespmem:s15+$0x800] =	vst v39  }
0x281: {  	[tilespmem:s31+$0xA00] =	vst v19;
	v46 =	vor.u32 $0x16, v9;
	v47 =	vld.idx.msk [tilespmem:v41+s19+$0x0], $0xffff  }
0x282: {  	v49 =	vor.u32 $0x16, v10;
	v20 =	vld.idx.msk [tilespmem:v43+s19+$0x0], $0xffff;
	[tilespmem:s2+$0xA00] =	vst v14  }
0x283: {  	v51 =	vor.u32 $0x17, v5;
	[tilespmem:s0+$0x1800] =	vst v32;
	v16 =	vld.idx.msk [tilespmem:v44+s19+$0x0], $0xffff  }
0x284: {  	v52 =	vor.u32 $0x17, v7;
	v48 =	vld.idx.msk [tilespmem:v42+s19+$0x0], $0xffff;
	[tilespmem:s1+$0xA00] =	vst v11  }
0x285: {  	v58 =	vor.u32 $0x1E, v6;
	v13 =	vld.idx.msk [tilespmem:v45+s19+$0x0], $0xffff;
	[tilespmem:s14+$0xA00] =	vst v12  }
0x286: {  	v53 =	vor.u32 $0x17, v8;
	v15 =	vld.idx.msk [tilespmem:v46+s19+$0x0], $0xffff;
	[tilespmem:s15+$0xA00] =	vst v47  }
0x287: {  	[tilespmem:s31+$0xC00] =	vst v20;
	v54 =	vor.u32 $0x17, v9;
	v55 =	vld.idx.msk [tilespmem:v49+s19+$0x0], $0xffff  }
0x288: {  	v57 =	vor.u32 $0x17, v10;
	v14 =	vld.idx.msk [tilespmem:v51+s19+$0x0], $0xffff;
	[tilespmem:s2+$0xC00] =	vst v16  }
0x289: {  	[tilespmem:s0+$0x1A00] =	vst v48;
	v11 =	vld.idx.msk [tilespmem:v52+s19+$0x0], $0xffff;
	v50 =	vor.u32 $0x19, v4  }
0x28a: {  	v24 =	vld.idx.msk [tilespmem:v58+s19+$0x0], $0xffff;
	v59 =	vor.u32 $0x18, v5;
	[tilespmem:s1+$0xC00] =	vst v13  }
0x28b: {  	v60 =	vor.u32 $0x18, v7;
	v12 =	vld.idx.msk [tilespmem:v53+s19+$0x0], $0xffff;
	[tilespmem:s14+$0xC00] =	vst v15  }
0x28c: {  	v61 =	vor.u32 $0x18, v8;
	v17 =	vld.idx.msk [tilespmem:v54+s19+$0x0], $0xffff;
	[tilespmem:s15+$0xC00] =	vst v55  }
0x28d: {  	v62 =	vor.u32 $0x18, v9;
	[tilespmem:s31+$0xE00] =	vst v14;
	v63 =	vld.idx.msk [tilespmem:v57+s19+$0x0], $0xffff  }
0x28e: {  	v25 =	vor.u32 $0x18, v10;
	[tilespmem:s2+$0xE00] =	vst v11;
	v56 =	vld.idx.msk [tilespmem:v50+s19+$0x0], $0xffff  }
0x28f: {  	v6 =	vor.u32 $0x1F, v6;
	[tilespmem:s0+$0x1C00] =	vst v24;
	v16 =	vld.idx.msk [tilespmem:v59+s19+$0x0], $0xffff  }
0x290: {  	v27 =	vor.u32 $0x19, v5;
	v13 =	vld.idx.msk [tilespmem:v60+s19+$0x0], $0xffff;
	[tilespmem:s1+$0xE00] =	vst v12  }
0x291: {  	v28 =	vor.u32 $0x19, v7;
	v15 =	vld.idx.msk [tilespmem:v61+s19+$0x0], $0xffff;
	[tilespmem:s14+$0xE00] =	vst v17  }
0x292: {  	v29 =	vor.u32 $0x19, v8;
	v18 =	vld.idx.msk [tilespmem:v62+s19+$0x0], $0xffff;
	[tilespmem:s15+$0xE00] =	vst v63  }
0x293: {  	v30 =	vor.u32 $0x19, v9;
	[tilespmem:s30+$0x1200] =	vst v56;
	v14 =	vld.idx.msk [tilespmem:v25+s19+$0x0], $0xffff  }
0x294: {  	v32 =	vor.u32 $0x19, v10;
	v6 =	vld.idx.msk [tilespmem:v6+s19+$0x0], $0xffff;
	[tilespmem:s31+$0x1000] =	vst v16  }
0x295: {  	v26 =	vor.u32 $0x1A, v4;
	v11 =	vld.idx.msk [tilespmem:v27+s19+$0x0], $0xffff;
	[tilespmem:s2+$0x1000] =	vst v13  }
0x296: {  	v33 =	vor.u32 $0x1A, v5;
	v12 =	vld.idx.msk [tilespmem:v28+s19+$0x0], $0xffff;
	[tilespmem:s1+$0x1000] =	vst v15  }
0x297: {  	v34 =	vor.u32 $0x1A, v7;
	v17 =	vld.idx.msk [tilespmem:v29+s19+$0x0], $0xffff;
	[tilespmem:s14+$0x1000] =	vst v18  }
0x298: {  	v35 =	vor.u32 $0x1A, v8;
	v19 =	vld.idx.msk [tilespmem:v30+s19+$0x0], $0xffff;
	[tilespmem:s15+$0x1000] =	vst v14  }
0x299: {  	v36 =	vor.u32 $0x1A, v9;
	[tilespmem:s0+$0x1E00] =	vst v6;
	v16 =	vld.idx.msk [tilespmem:v32+s19+$0x0], $0xffff  }
0x29a: {  	v37 =	vor.u32 $0x1A, v10;
	v31 =	vld.idx.msk [tilespmem:v26+s19+$0x0], $0xffff;
	[tilespmem:s31+$0x1200] =	vst v11  }
0x29b: {  	v38 =	vor.u32 $0x1B, v4;
	v13 =	vld.idx.msk [tilespmem:v33+s19+$0x0], $0xffff;
	[tilespmem:s2+$0x1200] =	vst v12  }
0x29c: {  	v39 =	vor.u32 $0x1B, v5;
	v15 =	vld.idx.msk [tilespmem:v34+s19+$0x0], $0xffff;
	[tilespmem:s1+$0x1200] =	vst v17  }
0x29d: {  	v40 =	vor.u32 $0x1B, v7;
	v18 =	vld.idx.msk [tilespmem:v35+s19+$0x0], $0xffff;
	[tilespmem:s14+$0x1200] =	vst v19  }
0x29e: {  	v41 =	vor.u32 $0x1B, v8;
	v14 =	vld.idx.msk [tilespmem:v36+s19+$0x0], $0xffff;
	[tilespmem:s15+$0x1200] =	vst v16  }
0x29f: {  	v6 =	vor.u32 $0x1B, v9;
	[tilespmem:s30+$0x1400] =	vst v31;
	v11 =	vld.idx.msk [tilespmem:v37+s19+$0x0], $0xffff  }
0x2a0: {  	v43 =	vor.u32 $0x1B, v10;
	v42 =	vld.idx.msk [tilespmem:v38+s19+$0x0], $0xffff;
	[tilespmem:s31+$0x1400] =	vst v13  }
0x2a1: {  	v44 =	vor.u32 $0x1C, v4;
	v12 =	vld.idx.msk [tilespmem:v39+s19+$0x0], $0xffff;
	[tilespmem:s2+$0x1400] =	vst v15  }
0x2a2: {  	v45 =	vor.u32 $0x1C, v5;
	v17 =	vld.idx.msk [tilespmem:v40+s19+$0x0], $0xffff;
	[tilespmem:s1+$0x1400] =	vst v18  }
0x2a3: {  	v46 =	vor.u32 $0x1C, v7;
	v19 =	vld.idx.msk [tilespmem:v41+s19+$0x0], $0xffff;
	[tilespmem:s14+$0x1400] =	vst v14  }
0x2a4: {  	v47 =	vor.u32 $0x1C, v8;
	v6 =	vld.idx.msk [tilespmem:v6+s19+$0x0], $0xffff;
	[tilespmem:s15+$0x1400] =	vst v11  }
0x2a5: {  	v48 =	vor.u32 $0x1C, v9;
	[tilespmem:s30+$0x1600] =	vst v42;
	v13 =	vld.idx.msk [tilespmem:v43+s19+$0x0], $0xffff  }
0x2a6: {  	v49 =	vor.u32 $0x1C, v10;
	[tilespmem:s31+$0x1600] =	vst v12;
	v16 =	vld.idx.msk [tilespmem:v44+s19+$0x0], $0xffff  }
0x2a7: {  	v50 =	vor.u32 $0x1D, v4;
	v15 =	vld.idx.msk [tilespmem:v45+s19+$0x0], $0xffff;
	[tilespmem:s2+$0x1600] =	vst v17  }
0x2a8: {  	v51 =	vor.u32 $0x1D, v5;
	v18 =	vld.idx.msk [tilespmem:v46+s19+$0x0], $0xffff;
	[tilespmem:s1+$0x1600] =	vst v19  }
0x2a9: {  	v52 =	vor.u32 $0x1D, v7;
	v14 =	vld.idx.msk [tilespmem:v47+s19+$0x0], $0xffff;
	[tilespmem:s14+$0x1600] =	vst v6  }
0x2aa: {  	v6 =	vor.u32 $0x1D, v8;
	v11 =	vld.idx.msk [tilespmem:v48+s19+$0x0], $0xffff;
	[tilespmem:s15+$0x1600] =	vst v13  }
0x2ab: {  	v53 =	vor.u32 $0x1D, v9;
	[tilespmem:s30+$0x1800] =	vst v16;
	v12 =	vld.idx.msk [tilespmem:v49+s19+$0x0], $0xffff  }
0x2ac: {  	v54 =	vor.u32 $0x1D, v10;
	[tilespmem:s31+$0x1800] =	vst v15;
	v16 =	vld.idx.msk [tilespmem:v50+s19+$0x0], $0xffff  }
0x2ad: {  	v55 =	vor.u32 $0x1E, v4;
	v17 =	vld.idx.msk [tilespmem:v51+s19+$0x0], $0xffff;
	[tilespmem:s2+$0x1800] =	vst v18  }
0x2ae: {  	v56 =	vor.u32 $0x1E, v5;
	v19 =	vld.idx.msk [tilespmem:v52+s19+$0x0], $0xffff;
	[tilespmem:s1+$0x1800] =	vst v14  }
0x2af: {  	v57 =	vor.u32 $0x1E, v7;
	v6 =	vld.idx.msk [tilespmem:v6+s19+$0x0], $0xffff;
	[tilespmem:s14+$0x1800] =	vst v11  }
0x2b0: {  	v58 =	vor.u32 $0x1E, v8;
	v13 =	vld.idx.msk [tilespmem:v53+s19+$0x0], $0xffff;
	[tilespmem:s15+$0x1800] =	vst v12  }
0x2b1: {  	v59 =	vor.u32 $0x1E, v9;
	[tilespmem:s30+$0x1A00] =	vst v16;
	v15 =	vld.idx.msk [tilespmem:v54+s19+$0x0], $0xffff  }
0x2b2: {  	v60 =	vor.u32 $0x1E, v10;
	[tilespmem:s31+$0x1A00] =	vst v17;
	v16 =	vld.idx.msk [tilespmem:v55+s19+$0x0], $0xffff  }
0x2b3: {  	v4 =	vor.u32 $0x1F, v4;
	v18 =	vld.idx.msk [tilespmem:v56+s19+$0x0], $0xffff;
	[tilespmem:s2+$0x1A00] =	vst v19  }
0x2b4: {  	v5 =	vor.u32 $0x1F, v5;
	v14 =	vld.idx.msk [tilespmem:v57+s19+$0x0], $0xffff;
	[tilespmem:s1+$0x1A00] =	vst v6  }
0x2b5: {  	v6 =	vor.u32 $0x1F, v7;
	v7 =	vld.idx.msk [tilespmem:v58+s19+$0x0], $0xffff;
	[tilespmem:s14+$0x1A00] =	vst v13  }
0x2b6: {  	v8 =	vor.u32 $0x1F, v8;
	v61 =	vld.idx.msk [tilespmem:v59+s19+$0x0], $0xffff;
	[tilespmem:s15+$0x1A00] =	vst v15  }
0x2b7: {  	v62 =	vor.u32 $0x1F, v9;
	[tilespmem:s30+$0x1C00] =	vst v16;
	v63 =	vld.idx.msk [tilespmem:v60+s19+$0x0], $0xffff  }
0x2b8: {  	v10 =	vor.u32 $0x1F, v10;
	[tilespmem:s31+$0x1C00] =	vst v18;
	v4 =	vld.idx.msk [tilespmem:v4+s19+$0x0], $0xffff  }
0x2b9: {  	v5 =	vld.idx.msk [tilespmem:v5+s19+$0x0], $0xffff;
	[tilespmem:s2+$0x1C00] =	vst v14  }
0x2ba: {  	v6 =	vld.idx.msk [tilespmem:v6+s19+$0x0], $0xffff;
	[tilespmem:s1+$0x1C00] =	vst v7  }
0x2bb: {  	v7 =	vld.idx.msk [tilespmem:v8+s19+$0x0], $0xffff;
	[tilespmem:s14+$0x1C00] =	vst v61  }
0x2bc: {  	v8 =	vld.idx.msk [tilespmem:v62+s19+$0x0], $0xffff;
	[tilespmem:s15+$0x1C00] =	vst v63  }
0x2bd: {  	[tilespmem:s30+$0x1E00] =	vst v4;
	v4 =	vld.idx.msk [tilespmem:v10+s19+$0x0], $0xffff  }
0x2be: {  	[tilespmem:s31+$0x1E00] =	vst v5  }
0x2bf: {  	[tilespmem:s2+$0x1E00] =	vst v6  }
0x2c0: {  	[tilespmem:s1+$0x1E00] =	vst v7  }
0x2c1: {  	[tilespmem:s14+$0x1E00] =	vst v8  }
0x2c2: {  	s21 =	simm.s32 $0x10800;
	[tilespmem:s15+$0x1E00] =	vst v4  }
0x2c3: {  	s22 =	simm.s32 $0x0;
	s23 =	simm.s32 $0x1;
	s0 =	rddreg [dreg:$0xa]  }
0x2c4: {  	[hbm4b:s0+s16] =	stream.strided.scatter [tilespmem:s21], [sflag:$0x4], $0x4000, s6, s16, $0x38;
	[tilespmem:$0x14BE8] =	vst v63  }
0x2c5: {  	s24 =	sand.u32 $0x3E00, s22;
	_ =	swait.ge [sflag:s23], $0x4000  }
0x2c6: {  	s30 =	sadd.s32 $0x4800, s24;
	s2 =	sand.u32 $0x100, s22;
	[sflag:s23] =	ssyncset.done $0x0  }
0x2c7: {  	s0 =	sor.u32 s2, s30;
	[sflag:s23] =	ssyncadd.s32 $0xFFFFC000  }
0x2c8: {  	v4 =	vld [tilespmem:s0+$0x0];
	_ =	sdelay $0x2  }
0x2c9: {  	s0 =	sadd.s32 $0x8800, s24  }
0x2ca: {  	s25 =	sor.u32 $0x10, s2;
	s1 =	sor.u32 s2, s0  }
0x2cb: {  	s26 =	sor.u32 s25, s30;
	[tilespmem:s1+$0x0] =	vst v4  }
0x2cc: {  	v4 =	vld [tilespmem:s26+$0x0];
	_ =	sdelay $0x3  }
0x2cd: {  	s4 =	sor.u32 $0x20, s2;
	s3 =	sor.u32 s25, s0  }
0x2ce: {  	s5 =	sor.u32 s4, s30;
	[tilespmem:s3+$0x0] =	vst v4  }
0x2cf: {  	v4 =	vld [tilespmem:s5+$0x0];
	_ =	sdelay $0x3  }
0x2d0: {  	s6 =	simm.s32 $0x100;
	s3 =	sor.u32 s4, s0;
	s4 =	sor.u32 $0x30, s2  }
0x2d1: {  	s5 =	sand.u32 $0x3E00, s6;
	s7 =	sor.u32 s4, s30;
	[tilespmem:s3+$0x0] =	vst v4  }
0x2d2: {  	s14 =	sand.u32 $0x100, s6;
	s3 =	sadd.s32 $0x4800, s5;
	v4 =	vld [tilespmem:s7+$0x0]  }
0x2d3: {  	s1 =	sor.u32 s14, s3  }
0x2d4: {  	v5 =	vld [tilespmem:s1+$0x0];
	_ =	sdelay $0x1  }
0x2d5: {  	s8 =	sor.u32 $0x40, s2;
	s4 =	sor.u32 s4, s0  }
0x2d6: {  	s9 =	sor.u32 s8, s30;
	s1 =	sadd.s32 $0x8800, s5;
	[tilespmem:s4+$0x0] =	vst v4  }
0x2d7: {  	s7 =	sor.u32 $0x10, s14;
	s5 =	sor.u32 s14, s1;
	v4 =	vld [tilespmem:s9+$0x0]  }
0x2d8: {  	s10 =	sor.u32 s7, s3;
	[tilespmem:s5+$0x0] =	vst v5  }
0x2d9: {  	v5 =	vld [tilespmem:s10+$0x0];
	_ =	sdelay $0x1  }
0x2da: {  	s13 =	sor.u32 $0x50, s2;
	s11 =	sor.u32 s8, s0  }
0x2db: {  	s15 =	sor.u32 s13, s30;
	[tilespmem:s11+$0x0] =	vst v4  }
0x2dc: {  	s20 =	sor.u32 $0x20, s14;
	s18 =	sor.u32 s7, s1;
	v4 =	vld [tilespmem:s15+$0x0]  }
0x2dd: {  	s21 =	sor.u32 s20, s3;
	[tilespmem:s18+$0x0] =	vst v5  }
0x2de: {  	v5 =	vld [tilespmem:s21+$0x0];
	_ =	sdelay $0x1  }
0x2df: {  	s22 =	sor.u32 $0x60, s2;
	s5 =	sor.u32 s13, s0  }
0x2e0: {  	s23 =	sor.u32 s22, s30;
	[tilespmem:s5+$0x0] =	vst v4  }
0x2e1: {  	s24 =	sor.u32 $0x30, s14;
	s4 =	sor.u32 s20, s1;
	v4 =	vld [tilespmem:s23+$0x0]  }
0x2e2: {  	s25 =	simm.s32 $0x200;
	s26 =	sor.u32 s24, s3;
	[tilespmem:s4+$0x0] =	vst v5  }
0x2e3: {  	s8 =	sand.u32 $0x3E00, s25;
	v5 =	vld [tilespmem:s26+$0x0]  }
0x2e4: {  	s18 =	sand.u32 $0x100, s25;
	s15 =	sadd.s32 $0x4800, s8  }
0x2e5: {  	s6 =	sor.u32 s22, s0;
	s9 =	sor.u32 $0x70, s2;
	s7 =	sor.u32 s18, s15  }
0x2e6: {  	s10 =	sor.u32 s9, s30;
	v6 =	vld [tilespmem:s7+$0x0];
	[tilespmem:s6+$0x0] =	vst v4  }
0x2e7: {  	s11 =	sor.u32 $0x40, s14;
	s5 =	sor.u32 s24, s1;
	v4 =	vld [tilespmem:s10+$0x0]  }
0x2e8: {  	s13 =	sor.u32 s11, s3;
	[tilespmem:s5+$0x0] =	vst v5  }
0x2e9: {  	s31 =	sadd.s32 $0x8800, s8;
	v5 =	vld [tilespmem:s13+$0x0]  }
0x2ea: {  	s20 =	sor.u32 s18, s31;
	s21 =	sor.u32 $0x10, s18  }
0x2eb: {  	s22 =	sor.u32 s21, s15;
	s4 =	sor.u32 s9, s0;
	s23 =	sor.u32 $0x80, s2;
	[tilespmem:s20+$0x0] =	vst v6  }
0x2ec: {  	s24 =	sor.u32 s23, s30;
	v6 =	vld [tilespmem:s22+$0x0];
	[tilespmem:s4+$0x0] =	vst v4  }
0x2ed: {  	s25 =	sor.u32 s11, s1;
	s26 =	sor.u32 $0x50, s14;
	v4 =	vld [tilespmem:s24+$0x0]  }
0x2ee: {  	s6 =	sor.u32 s26, s3;
	[tilespmem:s25+$0x0] =	vst v5  }
0x2ef: {  	v5 =	vld [tilespmem:s6+$0x0]  }
0x2f0: {  	s7 =	sor.u32 s21, s31;
	s9 =	sor.u32 $0x20, s18  }
0x2f1: {  	s11 =	sor.u32 s9, s15;
	s10 =	sor.u32 s23, s0;
	[tilespmem:s7+$0x0] =	vst v6;
	s13 =	sor.u32 $0x90, s2  }
0x2f2: {  	s20 =	sor.u32 s13, s30;
	[tilespmem:s10+$0x0] =	vst v4;
	v4 =	vld [tilespmem:s11+$0x0]  }
0x2f3: {  	s21 =	sor.u32 $0x60, s14;
	s5 =	sor.u32 s26, s1;
	v6 =	vld [tilespmem:s20+$0x0]  }
0x2f4: {  	s23 =	sor.u32 s21, s3;
	[tilespmem:s5+$0x0] =	vst v5  }
0x2f5: {  	s8 =	sor.u32 s13, s0;
	v5 =	vld [tilespmem:s23+$0x0]  }
0x2f6: {  	s24 =	simm.s32 $0x300;
	s6 =	sor.u32 s9, s31;
	s9 =	sor.u32 $0x30, s18  }
0x2f7: {  	s25 =	sand.u32 $0x3E00, s24;
	s26 =	sor.u32 s9, s15;
	s10 =	sor.u32 $0xA0, s2;
	[tilespmem:s6+$0x0] =	vst v4  }
0x2f8: {  	s22 =	sand.u32 $0x100, s24;
	s20 =	sadd.s32 $0x4800, s25;
	v4 =	vld [tilespmem:s26+$0x0];
	[tilespmem:s8+$0x0] =	vst v6;
	s8 =	sor.u32 s10, s30  }
0x2f9: {  	s7 =	sor.u32 s21, s1;
	s11 =	sor.u32 s22, s20;
	s6 =	sor.u32 $0x70, s14;
	v6 =	vld [tilespmem:s8+$0x0]  }
0x2fa: {  	v7 =	vld [tilespmem:s11+$0x0];
	s13 =	sor.u32 s6, s3;
	[tilespmem:s7+$0x0] =	vst v5  }
0x2fb: {  	v5 =	vld [tilespmem:s13+$0x0]  }
0x2fc: {  	s21 =	sor.u32 s9, s31;
	s24 =	sadd.s32 $0x8800, s25;
	s7 =	sor.u32 $0x40, s18  }
0x2fd: {  	s25 =	sor.u32 s10, s0;
	s8 =	sor.u32 $0xB0, s2;
	s23 =	sor.u32 s7, s15;
	[tilespmem:s21+$0x0] =	vst v4  }
0x2fe: {  	s26 =	sor.u32 s22, s24;
	s10 =	sor.u32 $0x10, s22;
	s11 =	sor.u32 s8, s30;
	v4 =	vld [tilespmem:s23+$0x0];
	[tilespmem:s25+$0x0] =	vst v6  }
0x2ff: {  	s6 =	sor.u32 s6, s1;
	[tilespmem:s26+$0x0] =	vst v7;
	s13 =	sor.u32 s10, s20;
	s21 =	sor.u32 $0x80, s14;
	v6 =	vld [tilespmem:s11+$0x0]  }
0x300: {  	v7 =	vld [tilespmem:s13+$0x0];
	s23 =	sor.u32 s21, s3;
	[tilespmem:s6+$0x0] =	vst v5  }
0x301: {  	v5 =	vld [tilespmem:s23+$0x0]  }
0x302: {  	s26 =	sor.u32 $0x50, s18;
	s25 =	sor.u32 s7, s31  }
0x303: {  	s8 =	sor.u32 s8, s0;
	s7 =	sor.u32 $0xC0, s2;
	s6 =	sor.u32 s26, s15;
	[tilespmem:s25+$0x0] =	vst v4  }
0x304: {  	s10 =	sor.u32 s10, s24;
	s11 =	sor.u32 s7, s30;
	v4 =	vld [tilespmem:s6+$0x0];
	[tilespmem:s8+$0x0] =	vst v6;
	s6 =	sor.u32 $0x20, s22  }
0x305: {  	s9 =	sor.u32 $0x90, s14;
	s13 =	sor.u32 s21, s1;
	[tilespmem:s10+$0x0] =	vst v7;
	v7 =	vld [tilespmem:s11+$0x0];
	s21 =	sor.u32 s6, s20  }
0x306: {  	s23 =	sor.u32 s9, s3;
	[tilespmem:s13+$0x0] =	vst v5;
	v5 =	vld [tilespmem:s21+$0x0]  }
0x307: {  	s5 =	sor.u32 s26, s31;
	s10 =	sor.u32 $0x70, s18;
	s25 =	simm.s32 $0x400;
	v8 =	vld [tilespmem:s23+$0x0]  }
0x308: {  	s4 =	sand.u32 $0x100, s25;
	s11 =	sor.u32 s7, s0;
	s21 =	sor.u32 $0x60, s18  }
0x309: {  	s7 =	sor.u32 $0xD0, s2;
	s13 =	sand.u32 $0x3E00, s25;
	s26 =	sor.u32 s21, s15;
	[tilespmem:s5+$0x0] =	vst v4  }
0x30a: {  	s6 =	sor.u32 s6, s24;
	s23 =	sor.u32 s7, s30;
	v6 =	vld [tilespmem:s26+$0x0];
	[tilespmem:s11+$0x0] =	vst v7;
	s11 =	sor.u32 $0x30, s22  }
0x30b: {  	v4 =	vld [tilespmem:s23+$0x0];
	[tilespmem:s6+$0x0] =	vst v5;
	s25 =	sor.u32 s11, s20;
	s23 =	sor.u32 s9, s1;
	s9 =	sor.u32 $0xA0, s14  }
0x30c: {  	s8 =	simm.s32 $0x500;
	s6 =	sadd.s32 $0x4800, s13;
	v7 =	vld [tilespmem:s25+$0x0];
	[tilespmem:s23+$0x0] =	vst v8;
	s26 =	sor.u32 s9, s3  }
0x30d: {  	s21 =	sor.u32 s21, s31;
	s5 =	sor.u32 $0xE0, s2;
	s23 =	sor.u32 s4, s6;
	v5 =	vld [tilespmem:s26+$0x0]  }
.LBB2_8:
0x30e: {  	p0 =	sne.s32 s8, $0x3F00  }
0x30f: {  	v8 =	vld [tilespmem:s23+$0x0];
	s23 =	sor.u32 s10, s15;
	s25 =	sor.u32 s7, s0;
	s7 =	smov.u32 s24  }
0x310: {  	[tilespmem:s21+$0x0] =	vst v6;
	s21 =	smov.u32 s3;
	s3 =	smov.u32 s15;
	s15 =	smov.u32 s20  }
0x311: {  	s20 =	smov.u32 s6;
	s24 =	sadd.s32 $0x8800, s13;
	v6 =	vld [tilespmem:s23+$0x0];
	[tilespmem:s25+$0x0] =	vst v4;
	s23 =	sor.u32 s5, s30  }
0x312: {  	s6 =	sor.u32 s11, s7;
	s11 =	sor.u32 $0x40, s22;
	s25 =	sor.u32 $0xB0, s14;
	v4 =	vld [tilespmem:s23+$0x0]  }
0x313: {  	s9 =	sor.u32 s9, s1;
	s10 =	sor.u32 s10, s31;
	[tilespmem:s6+$0x0] =	vst v7;
	s6 =	sor.u32 s11, s15  }
0x314: {  	s13 =	sor.u32 s4, s24;
	s23 =	sor.u32 $0x10, s4;
	v7 =	vld [tilespmem:s6+$0x0];
	[tilespmem:s9+$0x0] =	vst v5;
	s6 =	sor.u32 s25, s21  }
0x315: {  	s5 =	sor.u32 s5, s0;
	s9 =	sor.u32 s23, s20;
	[tilespmem:s13+$0x0] =	vst v8;
	s13 =	sor.u32 $0x80, s18;
	v5 =	vld [tilespmem:s6+$0x0]  }
0x316: {  	s23 =	sor.u32 s23, s24;
	v8 =	vld [tilespmem:s9+$0x0];
	[tilespmem:s10+$0x0] =	vst v6;
	s6 =	sor.u32 s13, s3;
	s9 =	sor.u32 $0xF0, s2  }
0x317: {  	s2 =	smov.u32 s14;
	s14 =	smov.u32 s18;
	v6 =	vld [tilespmem:s6+$0x0];
	[tilespmem:s5+$0x0] =	vst v4;
	s5 =	sor.u32 s9, s30  }
0x318: {  	s10 =	sor.u32 $0x50, s22;
	s18 =	smov.u32 s22;
	s6 =	sor.u32 s11, s7;
	v4 =	vld [tilespmem:s5+$0x0]  }
0x319: {  	s11 =	sor.u32 $0xC0, s2;
	s5 =	sor.u32 s10, s15;
	[tilespmem:s6+$0x0] =	vst v7;
	s6 =	sor.u32 s25, s1  }
0x31a: {  	s22 =	smov.u32 s4;
	s4 =	sor.u32 s13, s31;
	v7 =	vld [tilespmem:s5+$0x0];
	[tilespmem:s6+$0x0] =	vst v5;
	s5 =	sor.u32 s11, s21  }
0x31b: {  	s13 =	sand.u32 $0x3E00, s8;
	s30 =	smov.u32 s21;
	s6 =	sor.u32 $0x20, s22;
	[tilespmem:s23+$0x0] =	vst v8;
	v5 =	vld [tilespmem:s5+$0x0]  }
0x31c: {  	s0 =	sor.u32 s9, s0;
	s21 =	sor.u32 $0x90, s14;
	s5 =	sor.u32 s6, s20;
	[tilespmem:s4+$0x0] =	vst v6  }
0x31d: {  	s4 =	sor.u32 s21, s3;
	v8 =	vld [tilespmem:s5+$0x0];
	[tilespmem:s0+$0x0] =	vst v4;
	s0 =	smov.u32 s1;
	s1 =	smov.u32 s31  }
0x31e: {  	s25 =	sor.u32 $0x60, s18;
	s5 =	sor.u32 s10, s7;
	s31 =	smov.u32 s7;
	v9 =	vld [tilespmem:s4+$0x0]  }
0x31f: {  	s7 =	sor.u32 $0xD0, s2;
	s9 =	sor.u32 s11, s0;
	[tilespmem:s5+$0x0] =	vst v7;
	s5 =	sor.u32 s25, s15  }
.Ltmp3:
0x320: {  	s4 =	sand.u32 $0x100, s8;
	v6 =	vld [tilespmem:s5+$0x0];
	[tilespmem:s9+$0x0] =	vst v5;
	s5 =	sor.u32 s7, s30;
	(pc) =	sbr.rel @p0 .LBB2_8-.Ltmp3, $4  }
0x321: {  	s6 =	sor.u32 s6, s24;
	s11 =	sor.u32 $0x30, s22;
	v4 =	vld [tilespmem:s5+$0x0];
	s5 =	sor.u32 $0xE0, s2  }
0x322: {  	s21 =	sor.u32 s21, s1;
	s10 =	sor.u32 s11, s20;
	s9 =	sor.u32 $0xA0, s14;
	[tilespmem:s6+$0x0] =	vst v8  }
0x323: {  	s26 =	sor.u32 s9, s3;
	s6 =	sadd.s32 $0x4800, s13;
	v7 =	vld [tilespmem:s10+$0x0];
	s10 =	sor.u32 $0x70, s18;
	[tilespmem:s21+$0x0] =	vst v9  }
0x324: {  	s8 =	sadd.s32 $0x100, s8;
	s23 =	sor.u32 s4, s6;
	s21 =	sor.u32 s25, s31;
	v5 =	vld [tilespmem:s26+$0x0]  }
0x325: {  	v8 =	vld [tilespmem:s23+$0x0];
	_ =	sdelay $0x2  }
0x326: {  	s8 =	sadd.s32 $0x8800, s13  }
0x327: {  	s25 =	sor.u32 $0x10, s4;
	s13 =	sor.u32 s4, s8  }
0x328: {  	s26 =	sor.u32 s25, s6;
	[tilespmem:s13+$0x0] =	vst v8  }
0x329: {  	v8 =	vld [tilespmem:s26+$0x0];
	_ =	sdelay $0x3  }
0x32a: {  	s25 =	sor.u32 s25, s8;
	s26 =	sor.u32 $0x20, s4  }
0x32b: {  	[tilespmem:s25+$0x0] =	vst v8;
	s25 =	sor.u32 s26, s6  }
0x32c: {  	v8 =	vld [tilespmem:s25+$0x0];
	_ =	sdelay $0x3  }
0x32d: {  	s23 =	sor.u32 $0x30, s4;
	s26 =	sor.u32 s26, s8  }
0x32e: {  	s25 =	sor.u32 s23, s6;
	[tilespmem:s26+$0x0] =	vst v8  }
0x32f: {  	v8 =	vld [tilespmem:s25+$0x0];
	_ =	sdelay $0x2  }
0x330: {  	s11 =	sor.u32 s11, s24;
	s13 =	sor.u32 $0x40, s22  }
0x331: {  	[tilespmem:s11+$0x0] =	vst v7;
	s23 =	sor.u32 s23, s8;
	s26 =	sor.u32 s13, s20;
	s25 =	sor.u32 $0x40, s4  }
0x332: {  	v7 =	vld [tilespmem:s26+$0x0];
	[tilespmem:s23+$0x0] =	vst v8;
	s23 =	sor.u32 s25, s6  }
0x333: {  	v8 =	vld [tilespmem:s23+$0x0];
	_ =	sdelay $0x2  }
0x334: {  	s26 =	sor.u32 s13, s24;
	s13 =	sor.u32 $0x50, s22  }
0x335: {  	[tilespmem:s26+$0x0] =	vst v7;
	s26 =	sor.u32 s25, s8;
	s25 =	sor.u32 $0x50, s4;
	s23 =	sor.u32 s13, s20  }
0x336: {  	v7 =	vld [tilespmem:s23+$0x0];
	s23 =	sor.u32 s25, s6;
	[tilespmem:s26+$0x0] =	vst v8  }
0x337: {  	v8 =	vld [tilespmem:s23+$0x0];
	_ =	sdelay $0x2  }
0x338: {  	s26 =	sor.u32 s13, s24;
	s13 =	sor.u32 $0x60, s22  }
0x339: {  	[tilespmem:s26+$0x0] =	vst v7;
	s23 =	sor.u32 s13, s20;
	s26 =	sor.u32 s25, s8;
	s25 =	sor.u32 $0x60, s4  }
0x33a: {  	v7 =	vld [tilespmem:s23+$0x0];
	s23 =	sor.u32 s25, s6;
	[tilespmem:s26+$0x0] =	vst v8  }
0x33b: {  	v8 =	vld [tilespmem:s23+$0x0];
	_ =	sdelay $0x2  }
0x33c: {  	[tilespmem:s21+$0x0] =	vst v6;
	s21 =	sor.u32 $0x70, s22;
	s13 =	sor.u32 s13, s24;
	s26 =	sor.u32 s10, s15  }
0x33d: {  	v6 =	vld [tilespmem:s26+$0x0];
	[tilespmem:s13+$0x0] =	vst v7;
	s23 =	sor.u32 s21, s20;
	s13 =	sor.u32 $0x70, s4;
	s26 =	sor.u32 s25, s8  }
0x33e: {  	v7 =	vld [tilespmem:s23+$0x0];
	s23 =	sor.u32 s13, s6;
	[tilespmem:s26+$0x0] =	vst v8  }
0x33f: {  	v8 =	vld [tilespmem:s23+$0x0];
	_ =	sdelay $0x1  }
0x340: {  	s11 =	sor.u32 $0x80, s18;
	s25 =	sor.u32 s10, s31  }
0x341: {  	s21 =	sor.u32 s21, s24;
	[tilespmem:s25+$0x0] =	vst v6;
	s26 =	sor.u32 s11, s15;
	s23 =	sor.u32 $0x80, s22  }
0x342: {  	s13 =	sor.u32 s13, s8;
	v6 =	vld [tilespmem:s26+$0x0];
	[tilespmem:s21+$0x0] =	vst v7;
	s21 =	sor.u32 $0x80, s4;
	s25 =	sor.u32 s23, s20  }
0x343: {  	s26 =	sor.u32 s21, s6;
	v7 =	vld [tilespmem:s25+$0x0];
	[tilespmem:s13+$0x0] =	vst v8  }
0x344: {  	v8 =	vld [tilespmem:s26+$0x0];
	_ =	sdelay $0x1  }
0x345: {  	s13 =	sor.u32 s11, s31;
	s11 =	sor.u32 $0x90, s18  }
0x346: {  	[tilespmem:s13+$0x0] =	vst v6;
	s25 =	sor.u32 s11, s15;
	s26 =	sor.u32 s23, s24;
	s23 =	sor.u32 $0x90, s22  }
0x347: {  	v6 =	vld [tilespmem:s25+$0x0];
	[tilespmem:s26+$0x0] =	vst v7;
	s13 =	sor.u32 s23, s20;
	s25 =	sor.u32 s21, s8;
	s21 =	sor.u32 $0x90, s4  }
0x348: {  	v7 =	vld [tilespmem:s13+$0x0];
	s26 =	sor.u32 s21, s6;
	[tilespmem:s25+$0x0] =	vst v8  }
0x349: {  	v8 =	vld [tilespmem:s26+$0x0];
	_ =	sdelay $0x1  }
0x34a: {  	s13 =	sor.u32 s11, s31;
	s11 =	sor.u32 $0xA0, s18  }
0x34b: {  	s25 =	sor.u32 s11, s15;
	[tilespmem:s13+$0x0] =	vst v6;
	s26 =	sor.u32 s23, s24;
	s23 =	sor.u32 $0xA0, s22  }
0x34c: {  	v6 =	vld [tilespmem:s25+$0x0];
	[tilespmem:s26+$0x0] =	vst v7;
	s25 =	sor.u32 s23, s20;
	s26 =	sor.u32 s21, s8;
	s21 =	sor.u32 $0xA0, s4  }
0x34d: {  	v7 =	vld [tilespmem:s25+$0x0];
	s13 =	sor.u32 s21, s6;
	[tilespmem:s26+$0x0] =	vst v8  }
0x34e: {  	v8 =	vld [tilespmem:s13+$0x0]  }
0x34f: {  	s9 =	sor.u32 s9, s1;
	s10 =	sor.u32 $0xB0, s14  }
0x350: {  	[tilespmem:s9+$0x0] =	vst v5;
	s11 =	sor.u32 s11, s31;
	s25 =	sor.u32 s10, s3;
	s13 =	sor.u32 $0xB0, s18  }
0x351: {  	s23 =	sor.u32 s23, s24;
	v5 =	vld [tilespmem:s25+$0x0];
	[tilespmem:s11+$0x0] =	vst v6;
	s11 =	sor.u32 $0xB0, s22;
	s26 =	sor.u32 s13, s15  }
0x352: {  	s21 =	sor.u32 s21, s8;
	[tilespmem:s23+$0x0] =	vst v7;
	s25 =	sor.u32 s11, s20;
	s23 =	sor.u32 $0xB0, s4;
	v6 =	vld [tilespmem:s26+$0x0]  }
0x353: {  	v7 =	vld [tilespmem:s25+$0x0];
	s26 =	sor.u32 s23, s6;
	[tilespmem:s21+$0x0] =	vst v8  }
0x354: {  	v8 =	vld [tilespmem:s26+$0x0]  }
0x355: {  	s21 =	sor.u32 s10, s1;
	s10 =	sor.u32 $0xC0, s14  }
0x356: {  	s13 =	sor.u32 s13, s31;
	[tilespmem:s21+$0x0] =	vst v5;
	s25 =	sor.u32 s10, s3;
	s21 =	sor.u32 $0xC0, s18  }
0x357: {  	s11 =	sor.u32 s11, s24;
	v5 =	vld [tilespmem:s25+$0x0];
	[tilespmem:s13+$0x0] =	vst v6;
	s26 =	sor.u32 s21, s15;
	s13 =	sor.u32 $0xC0, s22  }
0x358: {  	[tilespmem:s11+$0x0] =	vst v7;
	s25 =	sor.u32 s23, s8;
	s23 =	sor.u32 $0xC0, s4;
	v6 =	vld [tilespmem:s26+$0x0];
	s11 =	sor.u32 s13, s20  }
0x359: {  	s26 =	sor.u32 s23, s6;
	v7 =	vld [tilespmem:s11+$0x0];
	[tilespmem:s25+$0x0] =	vst v8  }
0x35a: {  	v8 =	vld [tilespmem:s26+$0x0]  }
0x35b: {  	s11 =	sor.u32 s10, s1;
	s10 =	sor.u32 $0xD0, s14  }
0x35c: {  	s25 =	sor.u32 s10, s3;
	[tilespmem:s11+$0x0] =	vst v5;
	s26 =	sor.u32 s21, s31;
	s21 =	sor.u32 $0xD0, s18  }
0x35d: {  	v5 =	vld [tilespmem:s25+$0x0];
	[tilespmem:s26+$0x0] =	vst v6;
	s25 =	sor.u32 s21, s15;
	s26 =	sor.u32 s13, s24;
	s13 =	sor.u32 $0xD0, s22  }
0x35e: {  	v6 =	vld [tilespmem:s25+$0x0];
	[tilespmem:s26+$0x0] =	vst v7;
	s11 =	sor.u32 s13, s20;
	s25 =	sor.u32 s23, s8;
	s23 =	sor.u32 $0xD0, s4  }
0x35f: {  	v7 =	vld [tilespmem:s11+$0x0];
	s26 =	sor.u32 s23, s6;
	[tilespmem:s25+$0x0] =	vst v8  }
0x360: {  	s7 =	sor.u32 s7, s0;
	v8 =	vld [tilespmem:s26+$0x0]  }
0x361: {  	[tilespmem:s7+$0x0] =	vst v4;
	s9 =	sor.u32 $0xE0, s14;
	s10 =	sor.u32 s10, s1;
	s11 =	sor.u32 s5, s30  }
0x362: {  	v4 =	vld [tilespmem:s11+$0x0];
	s25 =	sor.u32 s9, s3;
	[tilespmem:s10+$0x0] =	vst v5;
	s10 =	sor.u32 $0xE0, s18;
	s26 =	sor.u32 s21, s31  }
0x363: {  	s13 =	sor.u32 s13, s24;
	s11 =	sor.u32 $0xE0, s22;
	v5 =	vld [tilespmem:s25+$0x0];
	[tilespmem:s26+$0x0] =	vst v6;
	s21 =	sor.u32 s10, s15  }
0x364: {  	s25 =	sor.u32 s11, s20;
	s26 =	sor.u32 s23, s8;
	v6 =	vld [tilespmem:s21+$0x0];
	[tilespmem:s13+$0x0] =	vst v7;
	s13 =	sor.u32 $0xE0, s4  }
0x365: {  	v7 =	vld [tilespmem:s25+$0x0];
	s23 =	sor.u32 s13, s6;
	[tilespmem:s26+$0x0] =	vst v8  }
0x366: {  	s2 =	sor.u32 $0xF0, s2;
	s25 =	sor.u32 s5, s0;
	v8 =	vld [tilespmem:s23+$0x0]  }
0x367: {  	[tilespmem:s25+$0x0] =	vst v4;
	s26 =	sor.u32 s2, s30;
	s30 =	sor.u32 s9, s1;
	s9 =	sor.u32 $0xF0, s14  }
0x368: {  	s21 =	sor.u32 s10, s31;
	v4 =	vld [tilespmem:s26+$0x0];
	[tilespmem:s30+$0x0] =	vst v5;
	s14 =	sor.u32 s9, s3;
	s23 =	sor.u32 $0xF0, s18  }
0x369: {  	s26 =	sor.u32 s11, s24;
	s30 =	sor.u32 $0xF0, s22;
	v5 =	vld [tilespmem:s14+$0x0];
	[tilespmem:s21+$0x0] =	vst v6;
	s25 =	sor.u32 s23, s15  }
0x36a: {  	s11 =	sor.u32 s30, s20;
	s14 =	sor.u32 s13, s8;
	s15 =	sor.u32 $0xF0, s4;
	v6 =	vld [tilespmem:s25+$0x0];
	[tilespmem:s26+$0x0] =	vst v7  }
0x36b: {  	s18 =	sor.u32 s15, s6;
	v7 =	vld [tilespmem:s11+$0x0];
	[tilespmem:s14+$0x0] =	vst v8  }
0x36c: {  	s20 =	sor.u32 s2, s0;
	v8 =	vld [tilespmem:s18+$0x0]  }
0x36d: {  	s21 =	sor.u32 s9, s1;
	[tilespmem:s20+$0x0] =	vst v4  }
0x36e: {  	s22 =	sor.u32 s23, s31;
	[tilespmem:s21+$0x0] =	vst v5  }
0x36f: {  	s23 =	sor.u32 s30, s24;
	[tilespmem:s22+$0x0] =	vst v6  }
0x370: {  	s24 =	sor.u32 s15, s8;
	[tilespmem:s23+$0x0] =	vst v7  }
0x371: {  	s6 =	simm.s32 $0x4000;
	[tilespmem:s24+$0x0] =	vst v8  }
0x372: {  	s25 =	simm.s32 $0x8800;
	s26 =	simm.s32 $0x3;
	s0 =	rddreg [dreg:$0xb]  }
0x373: {  	[hbm4b:s0+s16] =	stream.strided.scatter [tilespmem:s25], [sflag:$0x3], $0x4000, s6, s16, $0x38;
	[tilespmem:$0x14BE8] =	vst v63  }
0x374: {  	_ =	swait.ge [sflag:s26], $0x4000  }
0x375: {  	[sflag:s26] =	ssyncset.done $0x0  }
0x376: {  	s30 =	simm.s32 $0x4;
	[sflag:s26] =	ssyncadd.s32 $0xFFFFC000  }
0x377: {  	_ =	swait.ge [sflag:s30], $0x4000  }
0x378: {  	[sflag:s30] =	ssyncset.done $0x0  }
0x379: {  	[sflag:s30] =	ssyncadd.s32 $0xFFFFC000  }
0x37a: {  	_ =	swait.ge [sflag:s28], $0x200  }
0x37b: {  	s29 =	sadd.s32 $0x1, s29;
	s31 =	rddreg [dreg:$0xc]  }
0x37c: {  	p0 =	sne.s32 s29, s31  }
.Ltmp4:
0x37d: {  	_ = 	snop;
	(pc) =	sbr.rel @p0 .LBB2_1-.Ltmp4, $3  }
0x37e: {  	_ =	sdelay $0x1  }
0x37f: {  	[sflag:s28] =	ssyncset.done $0x0  }
0x380: {  	[sflag:s28] =	ssyncadd.s32 $0xFFFFFE00  }
0x381: {  	_ =	sfence.sel $0x180000  }
0x382: {  	[bflag:$0x0] =	sbarrier.arrive $0xFFFF  }
0x383: {  	_ =	strace $0x90000047  }
0x384: {  	s0 =	stileid.u32;
	[bflag:$0x2] =	sbarrier.arrive $0xFFFF  }
0x385: {  	p0 =	sne.s32 s0, $0x0;
	s0 =	rddreg [dreg:$0x5]  }
0x386: {  	s0 =	sadd.s32 @!p0 $0x100000, s0  }
0x387: {  	[sflag:s0] =	ssyncadd.tile.s32 @!p0 $0x1;
	_ =	shalt  }
.Lfunc_end2:
_tile_overlayer_lowered:
.L_overlay_start_2:
0x388: {  	(tag) =	ssettag $0x2  }
0x389: {  	s0 =	rddreg [dreg:$0x0];
	s2 =	stileid.u32  }
0x38a: {  	s1 =	rddreg [dreg:$0x1];
	p0 =	sne.s32 s2, $0x0  }
0x38b: {  	s3 =	rddreg [dreg:$0x2];
	[bflag:$0x3] =	sbarrier.arrive $0xFFFF;
	s2 =	simm.s32 @!p0 $0x1C06  }
0x38c: {  	[timem:s3], [sflag:s2] =	dma.local @!p0 [hbm:s0], s1  }
0x38d: {  	s0 =	simm.s32 @!p0 $0x6  }
0x38e: {  	_ =	swait.ge @!p0 [sflag:s0], s1  }
0x38f: {  	s1 =	ssub.s32 @!p0 $0x0, s1;
	[sflag:s0] =	ssyncset.done @!p0 $0x0  }
0x390: {  	[sflag:s0] =	ssyncadd.s32 @!p0 s1  }
0x391: {  	[bflag:$0x3] =	sbarrier.arrive $0xFFFF  }
0x392: {  	_ =	shalt  }

</sc_bundles>
